<compile_context>
chip_gen: v7x
topology: tpu7x:2x2x1
jax: 0.10.2.dev20260603
libtpu: 0.0.44.dev20260713+nightly
codegen_flags: <defaults>
</compile_context>

<pallas_src>
import functools

import jax
import jax.numpy as jnp
from jax import lax
from jax.experimental import pallas as pl
from jax.experimental.pallas import tpu as pltpu
from jax.experimental.pallas import tpu_sc as plsc

N = 10000
E = 160000

NC = 2
NS = 16
NW = NC * NS
CHUNK = 128
K0 = 48
K1 = 32
KMAX = max(K0, K1)
NCHUNK = NS * (K0 + K1)
NPAD = 10112
STRIPE = NPAD // NS
DW = 16


def _sc_mesh():
    return plsc.VectorSubcoreMesh(
        core_axis_name="c", subcore_axis_name="s",
        num_cores=NC, num_subcores=NS)


def _sc_degree(dst_hbm, ones_hbm, zeros_hbm):
    @functools.partial(
        pl.kernel,
        out_type=jax.ShapeDtypeStruct((NC, NPAD, DW), jnp.float32),
        mesh=_sc_mesh(),
        scratch_types=[
            pltpu.VMEM((KMAX, CHUNK), jnp.int32),
            pltpu.VMEM((CHUNK, DW), jnp.float32),
            pltpu.VMEM_SHARED((NPAD, DW), jnp.float32),
        ],
        compiler_params=pltpu.CompilerParams(use_tc_tiling_on_sc=False),
    )
    def body(dst_ref, ones_ref, zeros_ref, out_ref, dst_v, ones_v, deg_sh):
        c = lax.axis_index("c")
        s = lax.axis_index("s")
        w = c * NS + s
        kc = jnp.where(c == 0, K0, K1)
        pltpu.sync_copy(dst_ref.at[pl.ds(w * KMAX, KMAX)], dst_v)
        pltpu.sync_copy(ones_ref, ones_v)
        pltpu.sync_copy(zeros_ref.at[pl.ds(s * STRIPE, STRIPE)],
                        deg_sh.at[pl.ds(s * STRIPE, STRIPE)])
        plsc.subcore_barrier()

        @pl.loop(0, kc)
        def _(j):
            pltpu.sync_copy(ones_v, deg_sh.at[dst_v.at[j]], add=True)

        plsc.subcore_barrier()
        pltpu.sync_copy(deg_sh.at[pl.ds(s * STRIPE, STRIPE)],
                        out_ref.at[c, pl.ds(s * STRIPE, STRIPE)])

    return body(dst_hbm, ones_hbm, zeros_hbm)


def _sc_segsum(y_hbm, src_hbm, dst_hbm, zeros_hbm, d, c1_spmem=False):
    scratch = [
        pltpu.VMEM((KMAX, CHUNK), jnp.int32),
        pltpu.VMEM((KMAX, CHUNK), jnp.int32),
        pltpu.VMEM((CHUNK, d), jnp.float32),
        pltpu.VMEM((CHUNK, d), jnp.float32),
        pltpu.VMEM_SHARED((NPAD, d), jnp.float32),
        pltpu.SemaphoreType.DMA,
        pltpu.SemaphoreType.DMA,
    ]
    if c1_spmem:
        scratch.append(pltpu.VMEM_SHARED((N, d), jnp.float32))

    @functools.partial(
        pl.kernel,
        out_type=jax.ShapeDtypeStruct((NC, NPAD, d), jnp.float32),
        mesh=_sc_mesh(),
        scratch_types=scratch,
        compiler_params=pltpu.CompilerParams(use_tc_tiling_on_sc=False),
    )
    def body(y_ref, src_ref, dst_ref, zeros_ref, out_ref,
             src_v, dst_v, rows0_v, rows1_v, acc_sh, sem0, sem1,
             *maybe_ysh):
        c = lax.axis_index("c")
        s = lax.axis_index("s")
        w = c * NS + s
        pltpu.sync_copy(src_ref.at[pl.ds(w * KMAX, KMAX)], src_v)
        pltpu.sync_copy(dst_ref.at[pl.ds(w * KMAX, KMAX)], dst_v)
        pltpu.sync_copy(zeros_ref.at[pl.ds(s * STRIPE, STRIPE)],
                        acc_sh.at[pl.ds(s * STRIPE, STRIPE)])
        if c1_spmem:
            y_sh = maybe_ysh[0]

            @pl.when((c == 1) & (s < 10))
            def _():
                pltpu.sync_copy(y_ref.at[pl.ds(s * 1000, 1000)],
                                y_sh.at[pl.ds(s * 1000, 1000)])

        plsc.subcore_barrier()

        def run(k, src_tab):
            pltpu.async_copy(src_tab.at[src_v.at[0]], rows0_v, sem0)

            @pl.loop(0, k // 2)
            def _(i):
                j0 = 2 * i
                pltpu.async_copy(src_tab.at[src_v.at[j0 + 1]], rows1_v, sem1)
                pltpu.make_async_copy(
                    src_tab.at[src_v.at[j0]], rows0_v, sem0).wait()
                pltpu.sync_copy(rows0_v, acc_sh.at[dst_v.at[j0]], add=True)

                @pl.when(i < k // 2 - 1)
                def _():
                    pltpu.async_copy(
                        src_tab.at[src_v.at[j0 + 2]], rows0_v, sem0)

                pltpu.make_async_copy(
                    src_tab.at[src_v.at[j0 + 1]], rows1_v, sem1).wait()
                pltpu.sync_copy(rows1_v, acc_sh.at[dst_v.at[j0 + 1]], add=True)

        @pl.when(c == 0)
        def _():
            run(K0, y_ref)

        @pl.when(c == 1)
        def _():
            run(K1, maybe_ysh[0] if c1_spmem else y_ref)

        plsc.subcore_barrier()
        pltpu.sync_copy(acc_sh.at[pl.ds(s * STRIPE, STRIPE)],
                        out_ref.at[c, pl.ds(s * STRIPE, STRIPE)])

    return body(y_hbm, src_hbm, dst_hbm, zeros_hbm)


ROWS = 2000


def _tc_mm1(x, W1):
    def body(x_ref, w_ref, xw_ref):
        xw_ref[...] = jnp.dot(x_ref[...], w_ref[...],
                              preferred_element_type=jnp.float32)

    return pl.pallas_call(
        body,
        grid=(N // ROWS,),
        in_specs=[
            pl.BlockSpec((ROWS, 256), lambda i: (i, 0)),
            pl.BlockSpec((256, 128), lambda i: (0, 0)),
        ],
        out_specs=pl.BlockSpec((ROWS, 128), lambda i: (i, 0)),
        out_shape=jax.ShapeDtypeStruct((N, 128), jnp.float32),
    )(x, W1)


def _tc_enc1(xw, degp):
    def body(xw_ref, deg_ref, ya_ref, yb_ref, dinv_ref):
        deg = deg_ref[0] + deg_ref[1] + 1.0
        dinv = lax.rsqrt(deg)
        dinv_ref[...] = dinv
        y = xw_ref[...] * dinv[:, 0:1]
        ya_ref[...] = y[:, :64]
        yb_ref[...] = y[:, 64:]

    return pl.pallas_call(
        body,
        grid=(N // ROWS,),
        in_specs=[
            pl.BlockSpec((ROWS, 128), lambda i: (i, 0)),
            pl.BlockSpec((NC, ROWS, DW), lambda i: (0, i, 0)),
        ],
        out_specs=[
            pl.BlockSpec((ROWS, 64), lambda i: (i, 0)),
            pl.BlockSpec((ROWS, 64), lambda i: (i, 0)),
            pl.BlockSpec((ROWS, DW), lambda i: (i, 0)),
        ],
        out_shape=[
            jax.ShapeDtypeStruct((N, 64), jnp.float32),
            jax.ShapeDtypeStruct((N, 64), jnp.float32),
            jax.ShapeDtypeStruct((N, DW), jnp.float32),
        ],
    )(xw, degp)


def _tc_enc2(acc1a, acc1b, y1a, y1b, dinv16, b1a, b1b, W2a, W2b):
    def body(aa_ref, ab_ref, ya_ref, yb_ref, dinv_ref, ba_ref, bb_ref,
             wa_ref, wb_ref, y2_ref):
        dinv = dinv_ref[:, 0:1]
        ha = jax.nn.relu(dinv * (aa_ref[0] + aa_ref[1] + ya_ref[...])
                         + ba_ref[...])
        hb = jax.nn.relu(dinv * (ab_ref[0] + ab_ref[1] + yb_ref[...])
                         + bb_ref[...])
        hw = (jnp.dot(ha, wa_ref[...], preferred_element_type=jnp.float32)
              + jnp.dot(hb, wb_ref[...], preferred_element_type=jnp.float32))
        y2_ref[...] = hw * dinv

    return pl.pallas_call(
        body,
        grid=(N // ROWS,),
        in_specs=[
            pl.BlockSpec((NC, ROWS, 64), lambda i: (0, i, 0)),
            pl.BlockSpec((NC, ROWS, 64), lambda i: (0, i, 0)),
            pl.BlockSpec((ROWS, 64), lambda i: (i, 0)),
            pl.BlockSpec((ROWS, 64), lambda i: (i, 0)),
            pl.BlockSpec((ROWS, DW), lambda i: (i, 0)),
            pl.BlockSpec((1, 64), lambda i: (0, 0)),
            pl.BlockSpec((1, 64), lambda i: (0, 0)),
            pl.BlockSpec((64, 64), lambda i: (0, 0)),
            pl.BlockSpec((64, 64), lambda i: (0, 0)),
        ],
        out_specs=pl.BlockSpec((ROWS, 64), lambda i: (i, 0)),
        out_shape=jax.ShapeDtypeStruct((N, 64), jnp.float32),
    )(acc1a, acc1b, y1a, y1b, dinv16, b1a, b1b, W2a, W2b)


def _tc_dec(acc2, y2, dinv16, b2, Wd1, bd1, Wd2, bd2):
    def body(acc_ref, y2_ref, dinv_ref, b2_ref, wd1_ref, bd1_ref,
             wd2_ref, bd2_ref, z_ref, xr_ref):
        dinv = dinv_ref[:, 0:1]
        z = dinv * (acc_ref[0] + acc_ref[1] + y2_ref[...]) + b2_ref[...]
        z_ref[...] = z
        t = jax.nn.relu(
            jnp.dot(z, wd1_ref[...], preferred_element_type=jnp.float32)
            + bd1_ref[...])
        xr_ref[...] = (jnp.dot(t, wd2_ref[...],
                               preferred_element_type=jnp.float32)
                       + bd2_ref[...])

    return pl.pallas_call(
        body,
        grid=(N // ROWS,),
        in_specs=[
            pl.BlockSpec((NC, ROWS, 64), lambda i: (0, i, 0)),
            pl.BlockSpec((ROWS, 64), lambda i: (i, 0)),
            pl.BlockSpec((ROWS, DW), lambda i: (i, 0)),
            pl.BlockSpec((1, 64), lambda i: (0, 0)),
            pl.BlockSpec((64, 128), lambda i: (0, 0)),
            pl.BlockSpec((1, 128), lambda i: (0, 0)),
            pl.BlockSpec((128, 256), lambda i: (0, 0)),
            pl.BlockSpec((1, 256), lambda i: (0, 0)),
        ],
        out_specs=[
            pl.BlockSpec((ROWS, 64), lambda i: (i, 0)),
            pl.BlockSpec((ROWS, 256), lambda i: (i, 0)),
        ],
        out_shape=[
            jax.ShapeDtypeStruct((N, 64), jnp.float32),
            jax.ShapeDtypeStruct((N, 256), jnp.float32),
        ],
    )(acc2, y2, dinv16, b2, Wd1, bd1, Wd2, bd2)


ADJ_BR = 1024
ADJ_BC = 5120


def _tc_adj(z):
    def body(zi_ref, zj_ref, out_ref):
        a = lax.dot_general(zi_ref[...], zj_ref[...],
                            (((1,), (1,)), ((), ())),
                            preferred_element_type=jnp.float32)
        out_ref[...] = jax.nn.sigmoid(a)

    return pl.pallas_call(
        body,
        grid=(pl.cdiv(N, ADJ_BR), pl.cdiv(N, ADJ_BC)),
        in_specs=[
            pl.BlockSpec((ADJ_BR, 64), lambda i, j: (i, 0)),
            pl.BlockSpec((ADJ_BC, 64), lambda i, j: (j, 0)),
        ],
        out_specs=pl.BlockSpec((ADJ_BR, ADJ_BC), lambda i, j: (i, j)),
        out_shape=jax.ShapeDtypeStruct((N, N), jnp.float32),
        compiler_params=pltpu.CompilerParams(
            dimension_semantics=("parallel", "parallel"),
            vmem_limit_bytes=100 * 1024 * 1024),
    )(z, z)


def kernel(x, edge_index, W1, b1, W2, b2, Wd1, bd1, Wd2, bd2):
    pad = NCHUNK * CHUNK - E

    def slots(flat, fill):
        c = jnp.concatenate(
            [flat, jnp.full((pad,), fill, jnp.int32)]).reshape(NCHUNK, CHUNK)
        c0 = jnp.pad(c[:NS * K0].reshape(NS, K0, CHUNK),
                     ((0, 0), (0, KMAX - K0), (0, 0)))
        c1 = jnp.pad(c[NS * K0:].reshape(NS, K1, CHUNK),
                     ((0, 0), (0, KMAX - K1), (0, 0)), constant_values=fill)
        return jnp.concatenate([c0, c1]).reshape(NW * KMAX, CHUNK)

    src = slots(edge_index[0], 0)
    dst = slots(edge_index[1], N)

    ones16 = jnp.ones((CHUNK, DW), jnp.float32)
    zeros16 = jnp.zeros((NPAD, DW), jnp.float32)
    zeros64 = jnp.zeros((NPAD, 64), jnp.float32)

    xw = _tc_mm1(x, W1)
    degp = _sc_degree(dst, ones16, zeros16)
    y1a, y1b, dinv16 = _tc_enc1(xw, degp)
    acc1a = _sc_segsum(y1a, src, dst, zeros64, 64, c1_spmem=True)
    acc1b = _sc_segsum(y1b, src, dst, zeros64, 64, c1_spmem=True)
    y2 = _tc_enc2(acc1a, acc1b, y1a, y1b, dinv16,
                  b1[:64].reshape(1, 64), b1[64:].reshape(1, 64),
                  W2[:64], W2[64:])
    acc2 = _sc_segsum(y2, src, dst, zeros64, 64, c1_spmem=True)
    z, x_recon = _tc_dec(acc2, y2, dinv16, b2.reshape(1, 64),
                         Wd1, bd1.reshape(1, 128), Wd2, bd2.reshape(1, 256))
    adj_recon = _tc_adj(z)
    return (z, x_recon, adj_recon)

# --- scband reference (transcript-rebuilt; emitter-appended) ---
"""Pipeline reference for scband-graph-auto-encoder-90555090469261 (READ-ONLY COPY).

The authoritative reference and input builder live on the scoring server;
editing this copy changes nothing except your own understanding.
"""

import jax, jax.numpy as jnp
import numpy as np

N = 10000
E = 160000
D_IN = 256
D_H = 128
D_EMB = 64


def gcn_conv(x, edge_index, W, b):
    n = x.shape[0]
    src = jnp.concatenate([edge_index[0], jnp.arange(n, dtype=edge_index.dtype)])
    dst = jnp.concatenate([edge_index[1], jnp.arange(n, dtype=edge_index.dtype)])
    deg = jax.ops.segment_sum(jnp.ones_like(src, dtype=x.dtype), dst, num_segments=n)
    dinv = jnp.where(deg > 0, jax.lax.rsqrt(jnp.maximum(deg, 1e-12)), 0.0)
    norm = dinv[src] * dinv[dst]
    xw = x @ W
    msg = xw[src] * norm[:, None]
    out = jax.ops.segment_sum(msg, dst, num_segments=n)
    return out + b


def setup_inputs(seed: int = 0) -> dict:
    key = jax.random.key(seed)
    ks = jax.random.split(key, 12)
    x = jax.random.normal(ks[0], (N, D_IN), dtype=jnp.float32)
    edge_index = jax.random.randint(ks[1], (2, E), 0, N, dtype=jnp.int32)
    W1 = jax.random.normal(ks[2], (D_IN, D_H), dtype=jnp.float32) * (1.0 / np.sqrt(D_IN))
    b1 = jnp.zeros((D_H,), dtype=jnp.float32)
    W2 = jax.random.normal(ks[3], (D_H, D_EMB), dtype=jnp.float32) * (1.0 / np.sqrt(D_H))
    b2 = jnp.zeros((D_EMB,), dtype=jnp.float32)
    Wd1 = jax.random.normal(ks[4], (D_EMB, D_H), dtype=jnp.float32) * (1.0 / np.sqrt(D_EMB))
    bd1 = jnp.zeros((D_H,), dtype=jnp.float32)
    Wd2 = jax.random.normal(ks[5], (D_H, D_IN), dtype=jnp.float32) * (1.0 / np.sqrt(D_H))
    bd2 = jnp.zeros((D_IN,), dtype=jnp.float32)
    return {"x": x, "edge_index": edge_index, "W1": W1, "b1": b1, "W2": W2, "b2": b2,
            "Wd1": Wd1, "bd1": bd1, "Wd2": Wd2, "bd2": bd2}


def reference(x, edge_index, W1, b1, W2, b2, Wd1, bd1, Wd2, bd2):
    # encode (dropout is identity in eval)
    h = jax.nn.relu(gcn_conv(x, edge_index, W1, b1))
    z = gcn_conv(h, edge_index, W2, b2)
    # decode nodes
    x_recon = jax.nn.relu(z @ Wd1 + bd1) @ Wd2 + bd2
    # decode edges (inner product decoder)
    adj_recon = jax.nn.sigmoid(z @ z.T)
    return (z, x_recon, adj_recon)

if __name__ == "__main__":
    import jax
    _d = setup_inputs()
    print(jax.jit(kernel)(*tuple(_d.values())))

</pallas_src>

<mosaic_0001>
#map = affine_map<(d0, d1) -> (0, 0)>
#map1 = affine_map<(d0, d1) -> (0, 0, 0)>
module attributes {stable_mosaic.version = 14 : i64} {
  func.func @body(%arg0: i32, %arg1: i32, %arg2: memref<10000x64xf32, #tpu.memory_space<hbm>>, %arg3: memref<1536x128xi32, #tpu.memory_space<hbm>>, %arg4: memref<1536x128xi32, #tpu.memory_space<hbm>>, %arg5: memref<10112x64xf32, #tpu.memory_space<hbm>>, %arg6: memref<2x10112x64xf32, #tpu.memory_space<hbm>>, %arg7: memref<48x128xi32, #tpu.memory_space<vmem>>, %arg8: memref<48x128xi32, #tpu.memory_space<vmem>>, %arg9: memref<128x64xf32, #tpu.memory_space<vmem>>, %arg10: memref<128x64xf32, #tpu.memory_space<vmem>>, %arg11: memref<10112x64xf32, #tpu.memory_space<vmem_shared>>, %arg12: memref<!tpu.dma_semaphore, #tpu.memory_space<semaphore_mem>>, %arg13: memref<!tpu.dma_semaphore, #tpu.memory_space<semaphore_mem>>, %arg14: memref<10000x64xf32, #tpu.memory_space<vmem_shared>>) attributes {dimension_semantics = [#tpu.dimension_semantics<core_parallel>, #tpu.dimension_semantics<subcore_parallel>], iteration_bounds = array<i64: 2, 16>, scalar_prefetch = 0 : i64, scratch_operands = 8 : i64, tpu.core_type = #tpu.core_type<sc_vector_subcore>, window_params = [{transform_indices = #map}, {transform_indices = #map}, {transform_indices = #map}, {transform_indices = #map}, {transform_indices = #map1}]} {
    %mul3A = arith.constant 16 : i32
    %mul3A_0 = arith.muli %arg0, %mul3A : i32
    %add3A = arith.addi %mul3A_0, %arg1 : i32
    %mul3A_1 = arith.constant 48 : i32
    %mul3A_2 = arith.muli %add3A, %mul3A_1 : i32
    "tpu.region"() ({
      %run_scoped3A = tpu.sem_alloc : memref<!tpu.dma_semaphore, #tpu.memory_space<semaphore_mem>>
      %dma_start3A = arith.constant 0 : i32
      %dma_start3A_27 = tpu.memref_slice %arg3[%mul3A_2, %dma_start3A] : memref<1536x128xi32, #tpu.memory_space<hbm>> -> memref<48x128xi32, #tpu.memory_space<hbm>>
      %dma_start3A_28 = arith.constant 0 : i32
      %dma_start3A_29 = tpu.memref_slice %arg3[%mul3A_2, %dma_start3A_28] : memref<1536x128xi32, #tpu.memory_space<hbm>> -> memref<48x128xi32, #tpu.memory_space<hbm>>
      tpu.enqueue_dma source(%dma_start3A_29 : memref<48x128xi32, #tpu.memory_space<hbm>>) target(%arg7 : memref<48x128xi32, #tpu.memory_space<vmem>>) target_semaphore(%run_scoped3A : memref<!tpu.dma_semaphore, #tpu.memory_space<semaphore_mem>>)
      %dma_wait3A = arith.constant 0 : i32
      %dma_wait3A_30 = tpu.memref_slice %arg3[%mul3A_2, %dma_wait3A] : memref<1536x128xi32, #tpu.memory_space<hbm>> -> memref<48x128xi32, #tpu.memory_space<hbm>>
      %dma_wait3A_31 = arith.constant 0 : i32
      %dma_wait3A_32 = tpu.memref_slice %arg3[%mul3A_2, %dma_wait3A_31] : memref<1536x128xi32, #tpu.memory_space<hbm>> -> memref<48x128xi32, #tpu.memory_space<hbm>>
      tpu.wait_dma2 semaphore(%run_scoped3A : memref<!tpu.dma_semaphore, #tpu.memory_space<semaphore_mem>>) src(%dma_wait3A_32 : memref<48x128xi32, #tpu.memory_space<hbm>>) dst(%arg7 : memref<48x128xi32, #tpu.memory_space<vmem>>)
      tpu.yield
    }) : () -> ()
    %mul3A_3 = arith.constant 48 : i32
    %mul3A_4 = arith.muli %add3A, %mul3A_3 : i32
    "tpu.region"() ({
      %run_scoped3A = tpu.sem_alloc : memref<!tpu.dma_semaphore, #tpu.memory_space<semaphore_mem>>
      %dma_start3A = arith.constant 0 : i32
      %dma_start3A_27 = tpu.memref_slice %arg4[%mul3A_4, %dma_start3A] : memref<1536x128xi32, #tpu.memory_space<hbm>> -> memref<48x128xi32, #tpu.memory_space<hbm>>
      %dma_start3A_28 = arith.constant 0 : i32
      %dma_start3A_29 = tpu.memref_slice %arg4[%mul3A_4, %dma_start3A_28] : memref<1536x128xi32, #tpu.memory_space<hbm>> -> memref<48x128xi32, #tpu.memory_space<hbm>>
      tpu.enqueue_dma source(%dma_start3A_29 : memref<48x128xi32, #tpu.memory_space<hbm>>) target(%arg8 : memref<48x128xi32, #tpu.memory_space<vmem>>) target_semaphore(%run_scoped3A : memref<!tpu.dma_semaphore, #tpu.memory_space<semaphore_mem>>)
      %dma_wait3A = arith.constant 0 : i32
      %dma_wait3A_30 = tpu.memref_slice %arg4[%mul3A_4, %dma_wait3A] : memref<1536x128xi32, #tpu.memory_space<hbm>> -> memref<48x128xi32, #tpu.memory_space<hbm>>
      %dma_wait3A_31 = arith.constant 0 : i32
      %dma_wait3A_32 = tpu.memref_slice %arg4[%mul3A_4, %dma_wait3A_31] : memref<1536x128xi32, #tpu.memory_space<hbm>> -> memref<48x128xi32, #tpu.memory_space<hbm>>
      tpu.wait_dma2 semaphore(%run_scoped3A : memref<!tpu.dma_semaphore, #tpu.memory_space<semaphore_mem>>) src(%dma_wait3A_32 : memref<48x128xi32, #tpu.memory_space<hbm>>) dst(%arg8 : memref<48x128xi32, #tpu.memory_space<vmem>>)
      tpu.yield
    }) : () -> ()
    %mul3A_5 = arith.constant 632 : i32
    %mul3A_6 = arith.muli %arg1, %mul3A_5 : i32
    %mul3A_7 = arith.constant 632 : i32
    %mul3A_8 = arith.muli %arg1, %mul3A_7 : i32
    "tpu.region"() ({
      %run_scoped3A = tpu.sem_alloc : memref<!tpu.dma_semaphore, #tpu.memory_space<semaphore_mem>>
      %dma_start3A = arith.constant 0 : i32
      %dma_start3A_27 = tpu.memref_slice %arg11[%mul3A_8, %dma_start3A] : memref<10112x64xf32, #tpu.memory_space<vmem_shared>> -> memref<632x64xf32, #tpu.memory_space<vmem_shared>>
      %dma_start3A_28 = arith.constant 0 : i32
      %dma_start3A_29 = tpu.memref_slice %arg5[%mul3A_6, %dma_start3A_28] : memref<10112x64xf32, #tpu.memory_space<hbm>> -> memref<632x64xf32, #tpu.memory_space<hbm>>
      tpu.enqueue_dma source(%dma_start3A_29 : memref<632x64xf32, #tpu.memory_space<hbm>>) target(%dma_start3A_27 : memref<632x64xf32, #tpu.memory_space<vmem_shared>>) target_semaphore(%run_scoped3A : memref<!tpu.dma_semaphore, #tpu.memory_space<semaphore_mem>>)
      %dma_wait3A = arith.constant 0 : i32
      %dma_wait3A_30 = tpu.memref_slice %arg11[%mul3A_8, %dma_wait3A] : memref<10112x64xf32, #tpu.memory_space<vmem_shared>> -> memref<632x64xf32, #tpu.memory_space<vmem_shared>>
      %dma_wait3A_31 = arith.constant 0 : i32
      %dma_wait3A_32 = tpu.memref_slice %arg5[%mul3A_6, %dma_wait3A_31] : memref<10112x64xf32, #tpu.memory_space<hbm>> -> memref<632x64xf32, #tpu.memory_space<hbm>>
      tpu.wait_dma2 semaphore(%run_scoped3A : memref<!tpu.dma_semaphore, #tpu.memory_space<semaphore_mem>>) src(%dma_wait3A_32 : memref<632x64xf32, #tpu.memory_space<hbm>>) dst(%dma_wait3A_30 : memref<632x64xf32, #tpu.memory_space<vmem_shared>>)
      tpu.yield
    }) : () -> ()
    %eq3A = arith.constant 1 : i32
    %eq3A_9 = arith.cmpi eq, %arg0, %eq3A : i32
    %lt3A = arith.constant 10 : i32
    %lt3A_10 = arith.cmpi slt, %arg1, %lt3A : i32
    %and3A = arith.andi %eq3A_9, %lt3A_10 : i1
    %convert_element_type3A = arith.extui %and3A : i1 to i32
    %cond3A = arith.constant 0 : i32
    %cond3A_11 = arith.cmpi ne, %convert_element_type3A, %cond3A : i32
    scf.if %cond3A_11 {
      %mul3A_27 = arith.constant 1000 : i32
      %mul3A_28 = arith.muli %arg1, %mul3A_27 : i32
      %mul3A_29 = arith.constant 1000 : i32
      %mul3A_30 = arith.muli %arg1, %mul3A_29 : i32
      "tpu.region"() ({
        %run_scoped3A = tpu.sem_alloc : memref<!tpu.dma_semaphore, #tpu.memory_space<semaphore_mem>>
        %dma_start3A = arith.constant 0 : i32
        %dma_start3A_31 = tpu.memref_slice %arg14[%mul3A_30, %dma_start3A] : memref<10000x64xf32, #tpu.memory_space<vmem_shared>> -> memref<1000x64xf32, #tpu.memory_space<vmem_shared>>
        %dma_start3A_32 = arith.constant 0 : i32
        %dma_start3A_33 = tpu.memref_slice %arg2[%mul3A_28, %dma_start3A_32] : memref<10000x64xf32, #tpu.memory_space<hbm>> -> memref<1000x64xf32, #tpu.memory_space<hbm>>
        tpu.enqueue_dma source(%dma_start3A_33 : memref<1000x64xf32, #tpu.memory_space<hbm>>) target(%dma_start3A_31 : memref<1000x64xf32, #tpu.memory_space<vmem_shared>>) target_semaphore(%run_scoped3A : memref<!tpu.dma_semaphore, #tpu.memory_space<semaphore_mem>>)
        %dma_wait3A = arith.constant 0 : i32
        %dma_wait3A_34 = tpu.memref_slice %arg14[%mul3A_30, %dma_wait3A] : memref<10000x64xf32, #tpu.memory_space<vmem_shared>> -> memref<1000x64xf32, #tpu.memory_space<vmem_shared>>
        %dma_wait3A_35 = arith.constant 0 : i32
        %dma_wait3A_36 = tpu.memref_slice %arg2[%mul3A_28, %dma_wait3A_35] : memref<10000x64xf32, #tpu.memory_space<hbm>> -> memref<1000x64xf32, #tpu.memory_space<hbm>>
        tpu.wait_dma2 semaphore(%run_scoped3A : memref<!tpu.dma_semaphore, #tpu.memory_space<semaphore_mem>>) src(%dma_wait3A_36 : memref<1000x64xf32, #tpu.memory_space<hbm>>) dst(%dma_wait3A_34 : memref<1000x64xf32, #tpu.memory_space<vmem_shared>>)
        tpu.yield
      }) : () -> ()
    } else {
    }
    %barrier3A = arith.constant 0 : index
    tpu.barrier barrier_id(%barrier3A)
    %eq3A_12 = arith.constant 0 : i32
    %eq3A_13 = arith.cmpi eq, %arg0, %eq3A_12 : i32
    %convert_element_type3A_14 = arith.extui %eq3A_13 : i1 to i32
    %cond3A_15 = arith.constant 0 : i32
    %cond3A_16 = arith.cmpi ne, %convert_element_type3A_14, %cond3A_15 : i32
    scf.if %cond3A_16 {
      %dma_start3A = arith.constant 0 : i32
      %dma_start3A_27 = arith.constant 0 : i32
      %dma_start3A_28 = tpu.memref_slice %arg7[%dma_start3A, %dma_start3A_27] : memref<48x128xi32, #tpu.memory_space<vmem>> -> memref<1x128xi32, #tpu.memory_space<vmem>>
      %dma_start3A_29 = tpu.memref_squeeze %dma_start3A_28 : memref<1x128xi32, #tpu.memory_space<vmem>> -> memref<128xi32, #tpu.memory_space<vmem>>
      %dma_start3A_30 = arith.constant 0 : i32
      %dma_start3A_31 = arith.constant 0 : i32
      %dma_start3A_32 = tpu.memref_slice %arg2[%dma_start3A_30, %dma_start3A_31] : memref<10000x64xf32, #tpu.memory_space<hbm>> -> memref<10000x64xf32, #tpu.memory_space<hbm>>
      tpu.enqueue_indirect_dma source(%dma_start3A_32 : memref<10000x64xf32, #tpu.memory_space<hbm>>) target(%arg9 : memref<128x64xf32, #tpu.memory_space<vmem>>) offsets(%dma_start3A_29 : memref<128xi32, #tpu.memory_space<vmem>>) semaphore(%arg12 : memref<!tpu.dma_semaphore, #tpu.memory_space<semaphore_mem>>)
      %scan3A = arith.constant 0 : i32
      %scan3A_33 = arith.constant 24 : i32
      %scan3A_34 = arith.addi %scan3A, %scan3A_33 : i32
      %scan3A_35 = arith.constant 1 : i32
      scf.for %scan3A_37 = %scan3A to %scan3A_34 step %scan3A_35  : i32 {
        %mul3A_38 = arith.constant 1 : i32
        %mul3A_39 = arith.muli %scan3A_37, %mul3A_38 : i32
        %add3A_40 = arith.constant 0 : i32
        %add3A_41 = arith.addi %add3A_40, %mul3A_39 : i32
        %mul3A_42 = arith.constant 2 : i32
        %mul3A_43 = arith.muli %mul3A_42, %add3A_41 : i32
        %add3A_44 = arith.constant 1 : i32
        %add3A_45 = arith.addi %mul3A_43, %add3A_44 : i32
        %dma_start3A_46 = arith.constant 0 : i32
        %dma_start3A_47 = tpu.memref_slice %arg7[%add3A_45, %dma_start3A_46] : memref<48x128xi32, #tpu.memory_space<vmem>> -> memref<1x128xi32, #tpu.memory_space<vmem>>
        %dma_start3A_48 = tpu.memref_squeeze %dma_start3A_47 : memref<1x128xi32, #tpu.memory_space<vmem>> -> memref<128xi32, #tpu.memory_space<vmem>>
        %dma_start3A_49 = arith.constant 0 : i32
        %dma_start3A_50 = arith.constant 0 : i32
        %dma_start3A_51 = tpu.memref_slice %arg2[%dma_start3A_49, %dma_start3A_50] : memref<10000x64xf32, #tpu.memory_space<hbm>> -> memref<10000x64xf32, #tpu.memory_space<hbm>>
        tpu.enqueue_indirect_dma source(%dma_start3A_51 : memref<10000x64xf32, #tpu.memory_space<hbm>>) target(%arg10 : memref<128x64xf32, #tpu.memory_space<vmem>>) offsets(%dma_start3A_48 : memref<128xi32, #tpu.memory_space<vmem>>) semaphore(%arg13 : memref<!tpu.dma_semaphore, #tpu.memory_space<semaphore_mem>>)
        %dma_wait3A = arith.constant 0 : i32
        %dma_wait3A_52 = tpu.memref_slice %arg7[%mul3A_43, %dma_wait3A] : memref<48x128xi32, #tpu.memory_space<vmem>> -> memref<1x128xi32, #tpu.memory_space<vmem>>
        %dma_wait3A_53 = tpu.memref_squeeze %dma_wait3A_52 : memref<1x128xi32, #tpu.memory_space<vmem>> -> memref<128xi32, #tpu.memory_space<vmem>>
        %dma_wait3A_54 = arith.constant 0 : i32
        %dma_wait3A_55 = arith.constant 0 : i32
        %dma_wait3A_56 = tpu.memref_slice %arg2[%dma_wait3A_54, %dma_wait3A_55] : memref<10000x64xf32, #tpu.memory_space<hbm>> -> memref<10000x64xf32, #tpu.memory_space<hbm>>
        tpu.wait_indirect_dma semaphore(%arg12 : memref<!tpu.dma_semaphore, #tpu.memory_space<semaphore_mem>>) src(%dma_wait3A_56 : memref<10000x64xf32, #tpu.memory_space<hbm>>) dst(%arg9 : memref<128x64xf32, #tpu.memory_space<vmem>>)
        "tpu.region"() ({
          %run_scoped3A = tpu.sem_alloc : memref<!tpu.dma_semaphore, #tpu.memory_space<semaphore_mem>>
          %dma_start3A_72 = arith.constant 0 : i32
          %dma_start3A_73 = tpu.memref_slice %arg8[%mul3A_43, %dma_start3A_72] : memref<48x128xi32, #tpu.memory_space<vmem>> -> memref<1x128xi32, #tpu.memory_space<vmem>>
          %dma_start3A_74 = tpu.memref_squeeze %dma_start3A_73 : memref<1x128xi32, #tpu.memory_space<vmem>> -> memref<128xi32, #tpu.memory_space<vmem>>
          %dma_start3A_75 = arith.constant 0 : i32
          %dma_start3A_76 = arith.constant 0 : i32
          %dma_start3A_77 = tpu.memref_slice %arg11[%dma_start3A_75, %dma_start3A_76] : memref<10112x64xf32, #tpu.memory_space<vmem_shared>> -> memref<10112x64xf32, #tpu.memory_space<vmem_shared>>
          tpu.enqueue_indirect_dma source(%arg9 : memref<128x64xf32, #tpu.memory_space<vmem>>) target(%dma_start3A_77 : memref<10112x64xf32, #tpu.memory_space<vmem_shared>>) offsets(%dma_start3A_74 : memref<128xi32, #tpu.memory_space<vmem>>) semaphore(%run_scoped3A : memref<!tpu.dma_semaphore, #tpu.memory_space<semaphore_mem>>) {add = true}
          %dma_wait3A_78 = arith.constant 0 : i32
          %dma_wait3A_79 = tpu.memref_slice %arg8[%mul3A_43, %dma_wait3A_78] : memref<48x128xi32, #tpu.memory_space<vmem>> -> memref<1x128xi32, #tpu.memory_space<vmem>>
          %dma_wait3A_80 = tpu.memref_squeeze %dma_wait3A_79 : memref<1x128xi32, #tpu.memory_space<vmem>> -> memref<128xi32, #tpu.memory_space<vmem>>
          %dma_wait3A_81 = arith.constant 0 : i32
          %dma_wait3A_82 = arith.constant 0 : i32
          %dma_wait3A_83 = tpu.memref_slice %arg11[%dma_wait3A_81, %dma_wait3A_82] : memref<10112x64xf32, #tpu.memory_space<vmem_shared>> -> memref<10112x64xf32, #tpu.memory_space<vmem_shared>>
          tpu.wait_indirect_dma semaphore(%run_scoped3A : memref<!tpu.dma_semaphore, #tpu.memory_space<semaphore_mem>>) src(%arg9 : memref<128x64xf32, #tpu.memory_space<vmem>>) dst(%dma_wait3A_83 : memref<10112x64xf32, #tpu.memory_space<vmem_shared>>)
          tpu.yield
        }) : () -> ()
        %lt3A_57 = arith.constant 23 : i32
        %lt3A_58 = arith.cmpi slt, %add3A_41, %lt3A_57 : i32
        %convert_element_type3A_59 = arith.extui %lt3A_58 : i1 to i32
        %cond3A_60 = arith.constant 0 : i32
        %cond3A_61 = arith.cmpi ne, %convert_element_type3A_59, %cond3A_60 : i32
        scf.if %cond3A_61 {
          %add3A_72 = arith.constant 2 : i32
          %add3A_73 = arith.addi %mul3A_43, %add3A_72 : i32
          %dma_start3A_74 = arith.constant 0 : i32
          %dma_start3A_75 = tpu.memref_slice %arg7[%add3A_73, %dma_start3A_74] : memref<48x128xi32, #tpu.memory_space<vmem>> -> memref<1x128xi32, #tpu.memory_space<vmem>>
          %dma_start3A_76 = tpu.memref_squeeze %dma_start3A_75 : memref<1x128xi32, #tpu.memory_space<vmem>> -> memref<128xi32, #tpu.memory_space<vmem>>
          %dma_start3A_77 = arith.constant 0 : i32
          %dma_start3A_78 = arith.constant 0 : i32
          %dma_start3A_79 = tpu.memref_slice %arg2[%dma_start3A_77, %dma_start3A_78] : memref<10000x64xf32, #tpu.memory_space<hbm>> -> memref<10000x64xf32, #tpu.memory_space<hbm>>
          tpu.enqueue_indirect_dma source(%dma_start3A_79 : memref<10000x64xf32, #tpu.memory_space<hbm>>) target(%arg9 : memref<128x64xf32, #tpu.memory_space<vmem>>) offsets(%dma_start3A_76 : memref<128xi32, #tpu.memory_space<vmem>>) semaphore(%arg12 : memref<!tpu.dma_semaphore, #tpu.memory_space<semaphore_mem>>)
        } else {
        }
        %add3A_62 = arith.constant 1 : i32
        %add3A_63 = arith.addi %mul3A_43, %add3A_62 : i32
        %dma_wait3A_64 = arith.constant 0 : i32
        %dma_wait3A_65 = tpu.memref_slice %arg7[%add3A_63, %dma_wait3A_64] : memref<48x128xi32, #tpu.memory_space<vmem>> -> memref<1x128xi32, #tpu.memory_space<vmem>>
        %dma_wait3A_66 = tpu.memref_squeeze %dma_wait3A_65 : memref<1x128xi32, #tpu.memory_space<vmem>> -> memref<128xi32, #tpu.memory_space<vmem>>
        %dma_wait3A_67 = arith.constant 0 : i32
        %dma_wait3A_68 = arith.constant 0 : i32
        %dma_wait3A_69 = tpu.memref_slice %arg2[%dma_wait3A_67, %dma_wait3A_68] : memref<10000x64xf32, #tpu.memory_space<hbm>> -> memref<10000x64xf32, #tpu.memory_space<hbm>>
        tpu.wait_indirect_dma semaphore(%arg13 : memref<!tpu.dma_semaphore, #tpu.memory_space<semaphore_mem>>) src(%dma_wait3A_69 : memref<10000x64xf32, #tpu.memory_space<hbm>>) dst(%arg10 : memref<128x64xf32, #tpu.memory_space<vmem>>)
        %add3A_70 = arith.constant 1 : i32
        %add3A_71 = arith.addi %mul3A_43, %add3A_70 : i32
        "tpu.region"() ({
          %run_scoped3A = tpu.sem_alloc : memref<!tpu.dma_semaphore, #tpu.memory_space<semaphore_mem>>
          %dma_start3A_72 = arith.constant 0 : i32
          %dma_start3A_73 = tpu.memref_slice %arg8[%add3A_71, %dma_start3A_72] : memref<48x128xi32, #tpu.memory_space<vmem>> -> memref<1x128xi32, #tpu.memory_space<vmem>>
          %dma_start3A_74 = tpu.memref_squeeze %dma_start3A_73 : memref<1x128xi32, #tpu.memory_space<vmem>> -> memref<128xi32, #tpu.memory_space<vmem>>
          %dma_start3A_75 = arith.constant 0 : i32
          %dma_start3A_76 = arith.constant 0 : i32
          %dma_start3A_77 = tpu.memref_slice %arg11[%dma_start3A_75, %dma_start3A_76] : memref<10112x64xf32, #tpu.memory_space<vmem_shared>> -> memref<10112x64xf32, #tpu.memory_space<vmem_shared>>
          tpu.enqueue_indirect_dma source(%arg10 : memref<128x64xf32, #tpu.memory_space<vmem>>) target(%dma_start3A_77 : memref<10112x64xf32, #tpu.memory_space<vmem_shared>>) offsets(%dma_start3A_74 : memref<128xi32, #tpu.memory_space<vmem>>) semaphore(%run_scoped3A : memref<!tpu.dma_semaphore, #tpu.memory_space<semaphore_mem>>) {add = true}
          %dma_wait3A_78 = arith.constant 0 : i32
          %dma_wait3A_79 = tpu.memref_slice %arg8[%add3A_71, %dma_wait3A_78] : memref<48x128xi32, #tpu.memory_space<vmem>> -> memref<1x128xi32, #tpu.memory_space<vmem>>
          %dma_wait3A_80 = tpu.memref_squeeze %dma_wait3A_79 : memref<1x128xi32, #tpu.memory_space<vmem>> -> memref<128xi32, #tpu.memory_space<vmem>>
          %dma_wait3A_81 = arith.constant 0 : i32
          %dma_wait3A_82 = arith.constant 0 : i32
          %dma_wait3A_83 = tpu.memref_slice %arg11[%dma_wait3A_81, %dma_wait3A_82] : memref<10112x64xf32, #tpu.memory_space<vmem_shared>> -> memref<10112x64xf32, #tpu.memory_space<vmem_shared>>
          tpu.wait_indirect_dma semaphore(%run_scoped3A : memref<!tpu.dma_semaphore, #tpu.memory_space<semaphore_mem>>) src(%arg10 : memref<128x64xf32, #tpu.memory_space<vmem>>) dst(%dma_wait3A_83 : memref<10112x64xf32, #tpu.memory_space<vmem_shared>>)
          tpu.yield
        }) : () -> ()
      }
      %scan3A_36 = arith.constant 24 : i32
    } else {
    }
    %eq3A_17 = arith.constant 1 : i32
    %eq3A_18 = arith.cmpi eq, %arg0, %eq3A_17 : i32
    %convert_element_type3A_19 = arith.extui %eq3A_18 : i1 to i32
    %cond3A_20 = arith.constant 0 : i32
    %cond3A_21 = arith.cmpi ne, %convert_element_type3A_19, %cond3A_20 : i32
    scf.if %cond3A_21 {
      %dma_start3A = arith.constant 0 : i32
      %dma_start3A_27 = arith.constant 0 : i32
      %dma_start3A_28 = tpu.memref_slice %arg7[%dma_start3A, %dma_start3A_27] : memref<48x128xi32, #tpu.memory_space<vmem>> -> memref<1x128xi32, #tpu.memory_space<vmem>>
      %dma_start3A_29 = tpu.memref_squeeze %dma_start3A_28 : memref<1x128xi32, #tpu.memory_space<vmem>> -> memref<128xi32, #tpu.memory_space<vmem>>
      %dma_start3A_30 = arith.constant 0 : i32
      %dma_start3A_31 = arith.constant 0 : i32
      %dma_start3A_32 = tpu.memref_slice %arg14[%dma_start3A_30, %dma_start3A_31] : memref<10000x64xf32, #tpu.memory_space<vmem_shared>> -> memref<10000x64xf32, #tpu.memory_space<vmem_shared>>
      tpu.enqueue_indirect_dma source(%dma_start3A_32 : memref<10000x64xf32, #tpu.memory_space<vmem_shared>>) target(%arg9 : memref<128x64xf32, #tpu.memory_space<vmem>>) offsets(%dma_start3A_29 : memref<128xi32, #tpu.memory_space<vmem>>) semaphore(%arg12 : memref<!tpu.dma_semaphore, #tpu.memory_space<semaphore_mem>>)
      %scan3A = arith.constant 0 : i32
      %scan3A_33 = arith.constant 16 : i32
      %scan3A_34 = arith.addi %scan3A, %scan3A_33 : i32
      %scan3A_35 = arith.constant 1 : i32
      scf.for %scan3A_37 = %scan3A to %scan3A_34 step %scan3A_35  : i32 {
        %mul3A_38 = arith.constant 1 : i32
        %mul3A_39 = arith.muli %scan3A_37, %mul3A_38 : i32
        %add3A_40 = arith.constant 0 : i32
        %add3A_41 = arith.addi %add3A_40, %mul3A_39 : i32
        %mul3A_42 = arith.constant 2 : i32
        %mul3A_43 = arith.muli %mul3A_42, %add3A_41 : i32
        %add3A_44 = arith.constant 1 : i32
        %add3A_45 = arith.addi %mul3A_43, %add3A_44 : i32
        %dma_start3A_46 = arith.constant 0 : i32
        %dma_start3A_47 = tpu.memref_slice %arg7[%add3A_45, %dma_start3A_46] : memref<48x128xi32, #tpu.memory_space<vmem>> -> memref<1x128xi32, #tpu.memory_space<vmem>>
        %dma_start3A_48 = tpu.memref_squeeze %dma_start3A_47 : memref<1x128xi32, #tpu.memory_space<vmem>> -> memref<128xi32, #tpu.memory_space<vmem>>
        %dma_start3A_49 = arith.constant 0 : i32
        %dma_start3A_50 = arith.constant 0 : i32
        %dma_start3A_51 = tpu.memref_slice %arg14[%dma_start3A_49, %dma_start3A_50] : memref<10000x64xf32, #tpu.memory_space<vmem_shared>> -> memref<10000x64xf32, #tpu.memory_space<vmem_shared>>
        tpu.enqueue_indirect_dma source(%dma_start3A_51 : memref<10000x64xf32, #tpu.memory_space<vmem_shared>>) target(%arg10 : memref<128x64xf32, #tpu.memory_space<vmem>>) offsets(%dma_start3A_48 : memref<128xi32, #tpu.memory_space<vmem>>) semaphore(%arg13 : memref<!tpu.dma_semaphore, #tpu.memory_space<semaphore_mem>>)
        %dma_wait3A = arith.constant 0 : i32
        %dma_wait3A_52 = tpu.memref_slice %arg7[%mul3A_43, %dma_wait3A] : memref<48x128xi32, #tpu.memory_space<vmem>> -> memref<1x128xi32, #tpu.memory_space<vmem>>
        %dma_wait3A_53 = tpu.memref_squeeze %dma_wait3A_52 : memref<1x128xi32, #tpu.memory_space<vmem>> -> memref<128xi32, #tpu.memory_space<vmem>>
        %dma_wait3A_54 = arith.constant 0 : i32
        %dma_wait3A_55 = arith.constant 0 : i32
        %dma_wait3A_56 = tpu.memref_slice %arg14[%dma_wait3A_54, %dma_wait3A_55] : memref<10000x64xf32, #tpu.memory_space<vmem_shared>> -> memref<10000x64xf32, #tpu.memory_space<vmem_shared>>
        tpu.wait_indirect_dma semaphore(%arg12 : memref<!tpu.dma_semaphore, #tpu.memory_space<semaphore_mem>>) src(%dma_wait3A_56 : memref<10000x64xf32, #tpu.memory_space<vmem_shared>>) dst(%arg9 : memref<128x64xf32, #tpu.memory_space<vmem>>)
        "tpu.region"() ({
          %run_scoped3A = tpu.sem_alloc : memref<!tpu.dma_semaphore, #tpu.memory_space<semaphore_mem>>
          %dma_start3A_72 = arith.constant 0 : i32
          %dma_start3A_73 = tpu.memref_slice %arg8[%mul3A_43, %dma_start3A_72] : memref<48x128xi32, #tpu.memory_space<vmem>> -> memref<1x128xi32, #tpu.memory_space<vmem>>
          %dma_start3A_74 = tpu.memref_squeeze %dma_start3A_73 : memref<1x128xi32, #tpu.memory_space<vmem>> -> memref<128xi32, #tpu.memory_space<vmem>>
          %dma_start3A_75 = arith.constant 0 : i32
          %dma_start3A_76 = arith.constant 0 : i32
          %dma_start3A_77 = tpu.memref_slice %arg11[%dma_start3A_75, %dma_start3A_76] : memref<10112x64xf32, #tpu.memory_space<vmem_shared>> -> memref<10112x64xf32, #tpu.memory_space<vmem_shared>>
          tpu.enqueue_indirect_dma source(%arg9 : memref<128x64xf32, #tpu.memory_space<vmem>>) target(%dma_start3A_77 : memref<10112x64xf32, #tpu.memory_space<vmem_shared>>) offsets(%dma_start3A_74 : memref<128xi32, #tpu.memory_space<vmem>>) semaphore(%run_scoped3A : memref<!tpu.dma_semaphore, #tpu.memory_space<semaphore_mem>>) {add = true}
          %dma_wait3A_78 = arith.constant 0 : i32
          %dma_wait3A_79 = tpu.memref_slice %arg8[%mul3A_43, %dma_wait3A_78] : memref<48x128xi32, #tpu.memory_space<vmem>> -> memref<1x128xi32, #tpu.memory_space<vmem>>
          %dma_wait3A_80 = tpu.memref_squeeze %dma_wait3A_79 : memref<1x128xi32, #tpu.memory_space<vmem>> -> memref<128xi32, #tpu.memory_space<vmem>>
          %dma_wait3A_81 = arith.constant 0 : i32
          %dma_wait3A_82 = arith.constant 0 : i32
          %dma_wait3A_83 = tpu.memref_slice %arg11[%dma_wait3A_81, %dma_wait3A_82] : memref<10112x64xf32, #tpu.memory_space<vmem_shared>> -> memref<10112x64xf32, #tpu.memory_space<vmem_shared>>
          tpu.wait_indirect_dma semaphore(%run_scoped3A : memref<!tpu.dma_semaphore, #tpu.memory_space<semaphore_mem>>) src(%arg9 : memref<128x64xf32, #tpu.memory_space<vmem>>) dst(%dma_wait3A_83 : memref<10112x64xf32, #tpu.memory_space<vmem_shared>>)
          tpu.yield
        }) : () -> ()
        %lt3A_57 = arith.constant 15 : i32
        %lt3A_58 = arith.cmpi slt, %add3A_41, %lt3A_57 : i32
        %convert_element_type3A_59 = arith.extui %lt3A_58 : i1 to i32
        %cond3A_60 = arith.constant 0 : i32
        %cond3A_61 = arith.cmpi ne, %convert_element_type3A_59, %cond3A_60 : i32
        scf.if %cond3A_61 {
          %add3A_72 = arith.constant 2 : i32
          %add3A_73 = arith.addi %mul3A_43, %add3A_72 : i32
          %dma_start3A_74 = arith.constant 0 : i32
          %dma_start3A_75 = tpu.memref_slice %arg7[%add3A_73, %dma_start3A_74] : memref<48x128xi32, #tpu.memory_space<vmem>> -> memref<1x128xi32, #tpu.memory_space<vmem>>
          %dma_start3A_76 = tpu.memref_squeeze %dma_start3A_75 : memref<1x128xi32, #tpu.memory_space<vmem>> -> memref<128xi32, #tpu.memory_space<vmem>>
          %dma_start3A_77 = arith.constant 0 : i32
          %dma_start3A_78 = arith.constant 0 : i32
          %dma_start3A_79 = tpu.memref_slice %arg14[%dma_start3A_77, %dma_start3A_78] : memref<10000x64xf32, #tpu.memory_space<vmem_shared>> -> memref<10000x64xf32, #tpu.memory_space<vmem_shared>>
          tpu.enqueue_indirect_dma source(%dma_start3A_79 : memref<10000x64xf32, #tpu.memory_space<vmem_shared>>) target(%arg9 : memref<128x64xf32, #tpu.memory_space<vmem>>) offsets(%dma_start3A_76 : memref<128xi32, #tpu.memory_space<vmem>>) semaphore(%arg12 : memref<!tpu.dma_semaphore, #tpu.memory_space<semaphore_mem>>)
        } else {
        }
        %add3A_62 = arith.constant 1 : i32
        %add3A_63 = arith.addi %mul3A_43, %add3A_62 : i32
        %dma_wait3A_64 = arith.constant 0 : i32
        %dma_wait3A_65 = tpu.memref_slice %arg7[%add3A_63, %dma_wait3A_64] : memref<48x128xi32, #tpu.memory_space<vmem>> -> memref<1x128xi32, #tpu.memory_space<vmem>>
        %dma_wait3A_66 = tpu.memref_squeeze %dma_wait3A_65 : memref<1x128xi32, #tpu.memory_space<vmem>> -> memref<128xi32, #tpu.memory_space<vmem>>
        %dma_wait3A_67 = arith.constant 0 : i32
        %dma_wait3A_68 = arith.constant 0 : i32
        %dma_wait3A_69 = tpu.memref_slice %arg14[%dma_wait3A_67, %dma_wait3A_68] : memref<10000x64xf32, #tpu.memory_space<vmem_shared>> -> memref<10000x64xf32, #tpu.memory_space<vmem_shared>>
        tpu.wait_indirect_dma semaphore(%arg13 : memref<!tpu.dma_semaphore, #tpu.memory_space<semaphore_mem>>) src(%dma_wait3A_69 : memref<10000x64xf32, #tpu.memory_space<vmem_shared>>) dst(%arg10 : memref<128x64xf32, #tpu.memory_space<vmem>>)
        %add3A_70 = arith.constant 1 : i32
        %add3A_71 = arith.addi %mul3A_43, %add3A_70 : i32
        "tpu.region"() ({
          %run_scoped3A = tpu.sem_alloc : memref<!tpu.dma_semaphore, #tpu.memory_space<semaphore_mem>>
          %dma_start3A_72 = arith.constant 0 : i32
          %dma_start3A_73 = tpu.memref_slice %arg8[%add3A_71, %dma_start3A_72] : memref<48x128xi32, #tpu.memory_space<vmem>> -> memref<1x128xi32, #tpu.memory_space<vmem>>
          %dma_start3A_74 = tpu.memref_squeeze %dma_start3A_73 : memref<1x128xi32, #tpu.memory_space<vmem>> -> memref<128xi32, #tpu.memory_space<vmem>>
          %dma_start3A_75 = arith.constant 0 : i32
          %dma_start3A_76 = arith.constant 0 : i32
          %dma_start3A_77 = tpu.memref_slice %arg11[%dma_start3A_75, %dma_start3A_76] : memref<10112x64xf32, #tpu.memory_space<vmem_shared>> -> memref<10112x64xf32, #tpu.memory_space<vmem_shared>>
          tpu.enqueue_indirect_dma source(%arg10 : memref<128x64xf32, #tpu.memory_space<vmem>>) target(%dma_start3A_77 : memref<10112x64xf32, #tpu.memory_space<vmem_shared>>) offsets(%dma_start3A_74 : memref<128xi32, #tpu.memory_space<vmem>>) semaphore(%run_scoped3A : memref<!tpu.dma_semaphore, #tpu.memory_space<semaphore_mem>>) {add = true}
          %dma_wait3A_78 = arith.constant 0 : i32
          %dma_wait3A_79 = tpu.memref_slice %arg8[%add3A_71, %dma_wait3A_78] : memref<48x128xi32, #tpu.memory_space<vmem>> -> memref<1x128xi32, #tpu.memory_space<vmem>>
          %dma_wait3A_80 = tpu.memref_squeeze %dma_wait3A_79 : memref<1x128xi32, #tpu.memory_space<vmem>> -> memref<128xi32, #tpu.memory_space<vmem>>
          %dma_wait3A_81 = arith.constant 0 : i32
          %dma_wait3A_82 = arith.constant 0 : i32
          %dma_wait3A_83 = tpu.memref_slice %arg11[%dma_wait3A_81, %dma_wait3A_82] : memref<10112x64xf32, #tpu.memory_space<vmem_shared>> -> memref<10112x64xf32, #tpu.memory_space<vmem_shared>>
          tpu.wait_indirect_dma semaphore(%run_scoped3A : memref<!tpu.dma_semaphore, #tpu.memory_space<semaphore_mem>>) src(%arg10 : memref<128x64xf32, #tpu.memory_space<vmem>>) dst(%dma_wait3A_83 : memref<10112x64xf32, #tpu.memory_space<vmem_shared>>)
          tpu.yield
        }) : () -> ()
      }
      %scan3A_36 = arith.constant 16 : i32
    } else {
    }
    %barrier3A_22 = arith.constant 0 : index
    tpu.barrier barrier_id(%barrier3A_22)
    %mul3A_23 = arith.constant 632 : i32
    %mul3A_24 = arith.muli %arg1, %mul3A_23 : i32
    %mul3A_25 = arith.constant 632 : i32
    %mul3A_26 = arith.muli %arg1, %mul3A_25 : i32
    "tpu.region"() ({
      %run_scoped3A = tpu.sem_alloc : memref<!tpu.dma_semaphore, #tpu.memory_space<semaphore_mem>>
      %dma_start3A = arith.constant 0 : i32
      %dma_start3A_27 = tpu.memref_slice %arg6[%arg0, %mul3A_26, %dma_start3A] : memref<2x10112x64xf32, #tpu.memory_space<hbm>> -> memref<1x632x64xf32, #tpu.memory_space<hbm>>
      %dma_start3A_28 = tpu.memref_squeeze %dma_start3A_27 : memref<1x632x64xf32, #tpu.memory_space<hbm>> -> memref<632x64xf32, #tpu.memory_space<hbm>>
      %dma_start3A_29 = arith.constant 0 : i32
      %dma_start3A_30 = tpu.memref_slice %arg11[%mul3A_24, %dma_start3A_29] : memref<10112x64xf32, #tpu.memory_space<vmem_shared>> -> memref<632x64xf32, #tpu.memory_space<vmem_shared>>
      tpu.enqueue_dma source(%dma_start3A_30 : memref<632x64xf32, #tpu.memory_space<vmem_shared>>) target(%dma_start3A_28 : memref<632x64xf32, #tpu.memory_space<hbm>>) target_semaphore(%run_scoped3A : memref<!tpu.dma_semaphore, #tpu.memory_space<semaphore_mem>>)
      %dma_wait3A = arith.constant 0 : i32
      %dma_wait3A_31 = tpu.memref_slice %arg6[%arg0, %mul3A_26, %dma_wait3A] : memref<2x10112x64xf32, #tpu.memory_space<hbm>> -> memref<1x632x64xf32, #tpu.memory_space<hbm>>
      %dma_wait3A_32 = tpu.memref_squeeze %dma_wait3A_31 : memref<1x632x64xf32, #tpu.memory_space<hbm>> -> memref<632x64xf32, #tpu.memory_space<hbm>>
      %dma_wait3A_33 = arith.constant 0 : i32
      %dma_wait3A_34 = tpu.memref_slice %arg11[%mul3A_24, %dma_wait3A_33] : memref<10112x64xf32, #tpu.memory_space<vmem_shared>> -> memref<632x64xf32, #tpu.memory_space<vmem_shared>>
      tpu.wait_dma2 semaphore(%run_scoped3A : memref<!tpu.dma_semaphore, #tpu.memory_space<semaphore_mem>>) src(%dma_wait3A_34 : memref<632x64xf32, #tpu.memory_space<vmem_shared>>) dst(%dma_wait3A_32 : memref<632x64xf32, #tpu.memory_space<hbm>>)
      tpu.yield
    }) : () -> ()
    return
  }
}

#map = affine_map<(d0, d1) -> (0, 0)>
#map1 = affine_map<(d0, d1) -> (0, 0, 0)>
module attributes {stable_mosaic.version = 14 : i64} {
  func.func @body(%arg0: i32, %arg1: i32, %arg2: memref<1536x128xi32, #tpu.memory_space<hbm>>, %arg3: memref<128x16xf32, #tpu.memory_space<hbm>>, %arg4: memref<10112x16xf32, #tpu.memory_space<hbm>>, %arg5: memref<2x10112x16xf32, #tpu.memory_space<hbm>>, %arg6: memref<48x128xi32, #tpu.memory_space<vmem>>, %arg7: memref<128x16xf32, #tpu.memory_space<vmem>>, %arg8: memref<10112x16xf32, #tpu.memory_space<vmem_shared>>) attributes {dimension_semantics = [#tpu.dimension_semantics<core_parallel>, #tpu.dimension_semantics<subcore_parallel>], iteration_bounds = array<i64: 2, 16>, scalar_prefetch = 0 : i64, scratch_operands = 3 : i64, tpu.core_type = #tpu.core_type<sc_vector_subcore>, window_params = [{transform_indices = #map}, {transform_indices = #map}, {transform_indices = #map}, {transform_indices = #map1}]} {
    %mul3A = arith.constant 16 : i32
    %mul3A_0 = arith.muli %arg0, %mul3A : i32
    %add3A = arith.addi %mul3A_0, %arg1 : i32
    %eq3A = arith.constant 0 : i32
    %eq3A_1 = arith.cmpi eq, %arg0, %eq3A : i32
    %jit3A = arith.constant 48 : i32
    %jit3A_2 = arith.constant 32 : i32
    %select_n3A = arith.select %eq3A_1, %jit3A, %jit3A_2 : i32
    %mul3A_3 = arith.constant 48 : i32
    %mul3A_4 = arith.muli %add3A, %mul3A_3 : i32
    "tpu.region"() ({
      %run_scoped3A = tpu.sem_alloc : memref<!tpu.dma_semaphore, #tpu.memory_space<semaphore_mem>>
      %dma_start3A = arith.constant 0 : i32
      %dma_start3A_30 = tpu.memref_slice %arg2[%mul3A_4, %dma_start3A] : memref<1536x128xi32, #tpu.memory_space<hbm>> -> memref<48x128xi32, #tpu.memory_space<hbm>>
      %dma_start3A_31 = arith.constant 0 : i32
      %dma_start3A_32 = tpu.memref_slice %arg2[%mul3A_4, %dma_start3A_31] : memref<1536x128xi32, #tpu.memory_space<hbm>> -> memref<48x128xi32, #tpu.memory_space<hbm>>
      tpu.enqueue_dma source(%dma_start3A_32 : memref<48x128xi32, #tpu.memory_space<hbm>>) target(%arg6 : memref<48x128xi32, #tpu.memory_space<vmem>>) target_semaphore(%run_scoped3A : memref<!tpu.dma_semaphore, #tpu.memory_space<semaphore_mem>>)
      %dma_wait3A = arith.constant 0 : i32
      %dma_wait3A_33 = tpu.memref_slice %arg2[%mul3A_4, %dma_wait3A] : memref<1536x128xi32, #tpu.memory_space<hbm>> -> memref<48x128xi32, #tpu.memory_space<hbm>>
      %dma_wait3A_34 = arith.constant 0 : i32
      %dma_wait3A_35 = tpu.memref_slice %arg2[%mul3A_4, %dma_wait3A_34] : memref<1536x128xi32, #tpu.memory_space<hbm>> -> memref<48x128xi32, #tpu.memory_space<hbm>>
      tpu.wait_dma2 semaphore(%run_scoped3A : memref<!tpu.dma_semaphore, #tpu.memory_space<semaphore_mem>>) src(%dma_wait3A_35 : memref<48x128xi32, #tpu.memory_space<hbm>>) dst(%arg6 : memref<48x128xi32, #tpu.memory_space<vmem>>)
      tpu.yield
    }) : () -> ()
    "tpu.region"() ({
      %run_scoped3A = tpu.sem_alloc : memref<!tpu.dma_semaphore, #tpu.memory_space<semaphore_mem>>
      tpu.enqueue_dma source(%arg3 : memref<128x16xf32, #tpu.memory_space<hbm>>) target(%arg7 : memref<128x16xf32, #tpu.memory_space<vmem>>) target_semaphore(%run_scoped3A : memref<!tpu.dma_semaphore, #tpu.memory_space<semaphore_mem>>)
      tpu.wait_dma2 semaphore(%run_scoped3A : memref<!tpu.dma_semaphore, #tpu.memory_space<semaphore_mem>>) src(%arg3 : memref<128x16xf32, #tpu.memory_space<hbm>>) dst(%arg7 : memref<128x16xf32, #tpu.memory_space<vmem>>)
      tpu.yield
    }) : () -> ()
    %mul3A_5 = arith.constant 632 : i32
    %mul3A_6 = arith.muli %arg1, %mul3A_5 : i32
    %mul3A_7 = arith.constant 632 : i32
    %mul3A_8 = arith.muli %arg1, %mul3A_7 : i32
    "tpu.region"() ({
      %run_scoped3A = tpu.sem_alloc : memref<!tpu.dma_semaphore, #tpu.memory_space<semaphore_mem>>
      %dma_start3A = arith.constant 0 : i32
      %dma_start3A_30 = tpu.memref_slice %arg8[%mul3A_8, %dma_start3A] : memref<10112x16xf32, #tpu.memory_space<vmem_shared>> -> memref<632x16xf32, #tpu.memory_space<vmem_shared>>
      %dma_start3A_31 = arith.constant 0 : i32
      %dma_start3A_32 = tpu.memref_slice %arg4[%mul3A_6, %dma_start3A_31] : memref<10112x16xf32, #tpu.memory_space<hbm>> -> memref<632x16xf32, #tpu.memory_space<hbm>>
      tpu.enqueue_dma source(%dma_start3A_32 : memref<632x16xf32, #tpu.memory_space<hbm>>) target(%dma_start3A_30 : memref<632x16xf32, #tpu.memory_space<vmem_shared>>) target_semaphore(%run_scoped3A : memref<!tpu.dma_semaphore, #tpu.memory_space<semaphore_mem>>)
      %dma_wait3A = arith.constant 0 : i32
      %dma_wait3A_33 = tpu.memref_slice %arg8[%mul3A_8, %dma_wait3A] : memref<10112x16xf32, #tpu.memory_space<vmem_shared>> -> memref<632x16xf32, #tpu.memory_space<vmem_shared>>
      %dma_wait3A_34 = arith.constant 0 : i32
      %dma_wait3A_35 = tpu.memref_slice %arg4[%mul3A_6, %dma_wait3A_34] : memref<10112x16xf32, #tpu.memory_space<hbm>> -> memref<632x16xf32, #tpu.memory_space<hbm>>
      tpu.wait_dma2 semaphore(%run_scoped3A : memref<!tpu.dma_semaphore, #tpu.memory_space<semaphore_mem>>) src(%dma_wait3A_35 : memref<632x16xf32, #tpu.memory_space<hbm>>) dst(%dma_wait3A_33 : memref<632x16xf32, #tpu.memory_space<vmem_shared>>)
      tpu.yield
    }) : () -> ()
    %barrier3A = arith.constant 0 : index
    tpu.barrier barrier_id(%barrier3A)
    %sub3A = arith.constant 0 : i32
    %sub3A_9 = arith.subi %select_n3A, %sub3A : i32
    %sub3A_10 = arith.constant 1 : i32
    %sub3A_11 = arith.constant 1 : i32
    %sub3A_12 = arith.subi %sub3A_10, %sub3A_11 : i32
    %add3A_13 = arith.addi %sub3A_9, %sub3A_12 : i32
    %div3A = arith.constant 1 : i32
    %div3A_14 = arith.divsi %add3A_13, %div3A : i32
    %while3A = arith.constant 1 : i32
    %while3A_15 = arith.constant 0 : i32
    %while3A_16 = arith.constant 0 : i32
    %while3A_17 = arith.subi %div3A_14, %while3A_16 : i32
    %while3A_18 = arith.addi %while3A_16, %while3A_17 : i32
    %while3A_19 = arith.constant 1 : i32
    %while3A_20 = arith.divsi %while3A_17, %while3A_19 : i32
    %while3A_21 = arith.muli %while3A_20, %while3A_19 : i32
    %while3A_22 = arith.addi %while3A_16, %while3A_21 : i32
    %while3A_23 = arith.constant 1 : i32
    scf.for %while3A_30 = %while3A_16 to %while3A_22 step %while3A_23  : i32 {
      %mul3A_31 = arith.muli %while3A_30, %while3A : i32
      %add3A_32 = arith.addi %while3A_15, %mul3A_31 : i32
      "tpu.region"() ({
        %run_scoped3A = tpu.sem_alloc : memref<!tpu.dma_semaphore, #tpu.memory_space<semaphore_mem>>
        %dma_start3A = arith.constant 0 : i32
        %dma_start3A_33 = tpu.memref_slice %arg6[%add3A_32, %dma_start3A] : memref<48x128xi32, #tpu.memory_space<vmem>> -> memref<1x128xi32, #tpu.memory_space<vmem>>
        %dma_start3A_34 = tpu.memref_squeeze %dma_start3A_33 : memref<1x128xi32, #tpu.memory_space<vmem>> -> memref<128xi32, #tpu.memory_space<vmem>>
        %dma_start3A_35 = arith.constant 0 : i32
        %dma_start3A_36 = arith.constant 0 : i32
        %dma_start3A_37 = tpu.memref_slice %arg8[%dma_start3A_35, %dma_start3A_36] : memref<10112x16xf32, #tpu.memory_space<vmem_shared>> -> memref<10112x16xf32, #tpu.memory_space<vmem_shared>>
        tpu.enqueue_indirect_dma source(%arg7 : memref<128x16xf32, #tpu.memory_space<vmem>>) target(%dma_start3A_37 : memref<10112x16xf32, #tpu.memory_space<vmem_shared>>) offsets(%dma_start3A_34 : memref<128xi32, #tpu.memory_space<vmem>>) semaphore(%run_scoped3A : memref<!tpu.dma_semaphore, #tpu.memory_space<semaphore_mem>>) {add = true}
        %dma_wait3A = arith.constant 0 : i32
        %dma_wait3A_38 = tpu.memref_slice %arg6[%add3A_32, %dma_wait3A] : memref<48x128xi32, #tpu.memory_space<vmem>> -> memref<1x128xi32, #tpu.memory_space<vmem>>
        %dma_wait3A_39 = tpu.memref_squeeze %dma_wait3A_38 : memref<1x128xi32, #tpu.memory_space<vmem>> -> memref<128xi32, #tpu.memory_space<vmem>>
        %dma_wait3A_40 = arith.constant 0 : i32
        %dma_wait3A_41 = arith.constant 0 : i32
        %dma_wait3A_42 = tpu.memref_slice %arg8[%dma_wait3A_40, %dma_wait3A_41] : memref<10112x16xf32, #tpu.memory_space<vmem_shared>> -> memref<10112x16xf32, #tpu.memory_space<vmem_shared>>
        tpu.wait_indirect_dma semaphore(%run_scoped3A : memref<!tpu.dma_semaphore, #tpu.memory_space<semaphore_mem>>) src(%arg7 : memref<128x16xf32, #tpu.memory_space<vmem>>) dst(%dma_wait3A_42 : memref<10112x16xf32, #tpu.memory_space<vmem_shared>>)
        tpu.yield
      }) : () -> ()
    }
    %while3A_24 = arith.constant 1 : i32
    scf.for %while3A_30 = %while3A_22 to %while3A_18 step %while3A_24  : i32 {
      %mul3A_31 = arith.muli %while3A_30, %while3A : i32
      %add3A_32 = arith.addi %while3A_15, %mul3A_31 : i32
      "tpu.region"() ({
        %run_scoped3A = tpu.sem_alloc : memref<!tpu.dma_semaphore, #tpu.memory_space<semaphore_mem>>
        %dma_start3A = arith.constant 0 : i32
        %dma_start3A_33 = tpu.memref_slice %arg6[%add3A_32, %dma_start3A] : memref<48x128xi32, #tpu.memory_space<vmem>> -> memref<1x128xi32, #tpu.memory_space<vmem>>
        %dma_start3A_34 = tpu.memref_squeeze %dma_start3A_33 : memref<1x128xi32, #tpu.memory_space<vmem>> -> memref<128xi32, #tpu.memory_space<vmem>>
        %dma_start3A_35 = arith.constant 0 : i32
        %dma_start3A_36 = arith.constant 0 : i32
        %dma_start3A_37 = tpu.memref_slice %arg8[%dma_start3A_35, %dma_start3A_36] : memref<10112x16xf32, #tpu.memory_space<vmem_shared>> -> memref<10112x16xf32, #tpu.memory_space<vmem_shared>>
        tpu.enqueue_indirect_dma source(%arg7 : memref<128x16xf32, #tpu.memory_space<vmem>>) target(%dma_start3A_37 : memref<10112x16xf32, #tpu.memory_space<vmem_shared>>) offsets(%dma_start3A_34 : memref<128xi32, #tpu.memory_space<vmem>>) semaphore(%run_scoped3A : memref<!tpu.dma_semaphore, #tpu.memory_space<semaphore_mem>>) {add = true}
        %dma_wait3A = arith.constant 0 : i32
        %dma_wait3A_38 = tpu.memref_slice %arg6[%add3A_32, %dma_wait3A] : memref<48x128xi32, #tpu.memory_space<vmem>> -> memref<1x128xi32, #tpu.memory_space<vmem>>
        %dma_wait3A_39 = tpu.memref_squeeze %dma_wait3A_38 : memref<1x128xi32, #tpu.memory_space<vmem>> -> memref<128xi32, #tpu.memory_space<vmem>>
        %dma_wait3A_40 = arith.constant 0 : i32
        %dma_wait3A_41 = arith.constant 0 : i32
        %dma_wait3A_42 = tpu.memref_slice %arg8[%dma_wait3A_40, %dma_wait3A_41] : memref<10112x16xf32, #tpu.memory_space<vmem_shared>> -> memref<10112x16xf32, #tpu.memory_space<vmem_shared>>
        tpu.wait_indirect_dma semaphore(%run_scoped3A : memref<!tpu.dma_semaphore, #tpu.memory_space<semaphore_mem>>) src(%arg7 : memref<128x16xf32, #tpu.memory_space<vmem>>) dst(%dma_wait3A_42 : memref<10112x16xf32, #tpu.memory_space<vmem_shared>>)
        tpu.yield
      }) : () -> ()
    }
    %barrier3A_25 = arith.constant 0 : index
    tpu.barrier barrier_id(%barrier3A_25)
    %mul3A_26 = arith.constant 632 : i32
    %mul3A_27 = arith.muli %arg1, %mul3A_26 : i32
    %mul3A_28 = arith.constant 632 : i32
    %mul3A_29 = arith.muli %arg1, %mul3A_28 : i32
    "tpu.region"() ({
      %run_scoped3A = tpu.sem_alloc : memref<!tpu.dma_semaphore, #tpu.memory_space<semaphore_mem>>
      %dma_start3A = arith.constant 0 : i32
      %dma_start3A_30 = tpu.memref_slice %arg5[%arg0, %mul3A_29, %dma_start3A] : memref<2x10112x16xf32, #tpu.memory_space<hbm>> -> memref<1x632x16xf32, #tpu.memory_space<hbm>>
      %dma_start3A_31 = tpu.memref_squeeze %dma_start3A_30 : memref<1x632x16xf32, #tpu.memory_space<hbm>> -> memref<632x16xf32, #tpu.memory_space<hbm>>
      %dma_start3A_32 = arith.constant 0 : i32
      %dma_start3A_33 = tpu.memref_slice %arg8[%mul3A_27, %dma_start3A_32] : memref<10112x16xf32, #tpu.memory_space<vmem_shared>> -> memref<632x16xf32, #tpu.memory_space<vmem_shared>>
      tpu.enqueue_dma source(%dma_start3A_33 : memref<632x16xf32, #tpu.memory_space<vmem_shared>>) target(%dma_start3A_31 : memref<632x16xf32, #tpu.memory_space<hbm>>) target_semaphore(%run_scoped3A : memref<!tpu.dma_semaphore, #tpu.memory_space<semaphore_mem>>)
      %dma_wait3A = arith.constant 0 : i32
      %dma_wait3A_34 = tpu.memref_slice %arg5[%arg0, %mul3A_29, %dma_wait3A] : memref<2x10112x16xf32, #tpu.memory_space<hbm>> -> memref<1x632x16xf32, #tpu.memory_space<hbm>>
      %dma_wait3A_35 = tpu.memref_squeeze %dma_wait3A_34 : memref<1x632x16xf32, #tpu.memory_space<hbm>> -> memref<632x16xf32, #tpu.memory_space<hbm>>
      %dma_wait3A_36 = arith.constant 0 : i32
      %dma_wait3A_37 = tpu.memref_slice %arg8[%mul3A_27, %dma_wait3A_36] : memref<10112x16xf32, #tpu.memory_space<vmem_shared>> -> memref<632x16xf32, #tpu.memory_space<vmem_shared>>
      tpu.wait_dma2 semaphore(%run_scoped3A : memref<!tpu.dma_semaphore, #tpu.memory_space<semaphore_mem>>) src(%dma_wait3A_37 : memref<632x16xf32, #tpu.memory_space<vmem_shared>>) dst(%dma_wait3A_35 : memref<632x16xf32, #tpu.memory_space<hbm>>)
      tpu.yield
    }) : () -> ()
    return
  }
}

#map = affine_map<(d0, d1) -> (0, 0)>
#map1 = affine_map<(d0, d1) -> (0, 0, 0)>
module attributes {stable_mosaic.version = 14 : i64} {
  func.func @body(%arg0: i32, %arg1: i32, %arg2: memref<10000x64xf32, #tpu.memory_space<hbm>>, %arg3: memref<1536x128xi32, #tpu.memory_space<hbm>>, %arg4: memref<1536x128xi32, #tpu.memory_space<hbm>>, %arg5: memref<10112x64xf32, #tpu.memory_space<hbm>>, %arg6: memref<2x10112x64xf32, #tpu.memory_space<hbm>>, %arg7: memref<48x128xi32, #tpu.memory_space<vmem>>, %arg8: memref<48x128xi32, #tpu.memory_space<vmem>>, %arg9: memref<128x64xf32, #tpu.memory_space<vmem>>, %arg10: memref<128x64xf32, #tpu.memory_space<vmem>>, %arg11: memref<10112x64xf32, #tpu.memory_space<vmem_shared>>, %arg12: memref<!tpu.dma_semaphore, #tpu.memory_space<semaphore_mem>>, %arg13: memref<!tpu.dma_semaphore, #tpu.memory_space<semaphore_mem>>, %arg14: memref<10000x64xf32, #tpu.memory_space<vmem_shared>>) attributes {dimension_semantics = [#tpu.dimension_semantics<core_parallel>, #tpu.dimension_semantics<subcore_parallel>], iteration_bounds = array<i64: 2, 16>, scalar_prefetch = 0 : i64, scratch_operands = 8 : i64, tpu.core_type = #tpu.core_type<sc_vector_subcore>, window_params = [{transform_indices = #map}, {transform_indices = #map}, {transform_indices = #map}, {transform_indices = #map}, {transform_indices = #map1}]} {
    %mul3A = arith.constant 16 : i32
    %mul3A_0 = arith.muli %arg0, %mul3A : i32
    %add3A = arith.addi %mul3A_0, %arg1 : i32
    %mul3A_1 = arith.constant 48 : i32
    %mul3A_2 = arith.muli %add3A, %mul3A_1 : i32
    "tpu.region"() ({
      %run_scoped3A = tpu.sem_alloc : memref<!tpu.dma_semaphore, #tpu.memory_space<semaphore_mem>>
      %dma_start3A = arith.constant 0 : i32
      %dma_start3A_27 = tpu.memref_slice %arg3[%mul3A_2, %dma_start3A] : memref<1536x128xi32, #tpu.memory_space<hbm>> -> memref<48x128xi32, #tpu.memory_space<hbm>>
      %dma_start3A_28 = arith.constant 0 : i32
      %dma_start3A_29 = tpu.memref_slice %arg3[%mul3A_2, %dma_start3A_28] : memref<1536x128xi32, #tpu.memory_space<hbm>> -> memref<48x128xi32, #tpu.memory_space<hbm>>
      tpu.enqueue_dma source(%dma_start3A_29 : memref<48x128xi32, #tpu.memory_space<hbm>>) target(%arg7 : memref<48x128xi32, #tpu.memory_space<vmem>>) target_semaphore(%run_scoped3A : memref<!tpu.dma_semaphore, #tpu.memory_space<semaphore_mem>>)
      %dma_wait3A = arith.constant 0 : i32
      %dma_wait3A_30 = tpu.memref_slice %arg3[%mul3A_2, %dma_wait3A] : memref<1536x128xi32, #tpu.memory_space<hbm>> -> memref<48x128xi32, #tpu.memory_space<hbm>>
      %dma_wait3A_31 = arith.constant 0 : i32
      %dma_wait3A_32 = tpu.memref_slice %arg3[%mul3A_2, %dma_wait3A_31] : memref<1536x128xi32, #tpu.memory_space<hbm>> -> memref<48x128xi32, #tpu.memory_space<hbm>>
      tpu.wait_dma2 semaphore(%run_scoped3A : memref<!tpu.dma_semaphore, #tpu.memory_space<semaphore_mem>>) src(%dma_wait3A_32 : memref<48x128xi32, #tpu.memory_space<hbm>>) dst(%arg7 : memref<48x128xi32, #tpu.memory_space<vmem>>)
      tpu.yield
    }) : () -> ()
    %mul3A_3 = arith.constant 48 : i32
    %mul3A_4 = arith.muli %add3A, %mul3A_3 : i32
    "tpu.region"() ({
      %run_scoped3A = tpu.sem_alloc : memref<!tpu.dma_semaphore, #tpu.memory_space<semaphore_mem>>
      %dma_start3A = arith.constant 0 : i32
      %dma_start3A_27 = tpu.memref_slice %arg4[%mul3A_4, %dma_start3A] : memref<1536x128xi32, #tpu.memory_space<hbm>> -> memref<48x128xi32, #tpu.memory_space<hbm>>
      %dma_start3A_28 = arith.constant 0 : i32
      %dma_start3A_29 = tpu.memref_slice %arg4[%mul3A_4, %dma_start3A_28] : memref<1536x128xi32, #tpu.memory_space<hbm>> -> memref<48x128xi32, #tpu.memory_space<hbm>>
      tpu.enqueue_dma source(%dma_start3A_29 : memref<48x128xi32, #tpu.memory_space<hbm>>) target(%arg8 : memref<48x128xi32, #tpu.memory_space<vmem>>) target_semaphore(%run_scoped3A : memref<!tpu.dma_semaphore, #tpu.memory_space<semaphore_mem>>)
      %dma_wait3A = arith.constant 0 : i32
      %dma_wait3A_30 = tpu.memref_slice %arg4[%mul3A_4, %dma_wait3A] : memref<1536x128xi32, #tpu.memory_space<hbm>> -> memref<48x128xi32, #tpu.memory_space<hbm>>
      %dma_wait3A_31 = arith.constant 0 : i32
      %dma_wait3A_32 = tpu.memref_slice %arg4[%mul3A_4, %dma_wait3A_31] : memref<1536x128xi32, #tpu.memory_space<hbm>> -> memref<48x128xi32, #tpu.memory_space<hbm>>
      tpu.wait_dma2 semaphore(%run_scoped3A : memref<!tpu.dma_semaphore, #tpu.memory_space<semaphore_mem>>) src(%dma_wait3A_32 : memref<48x128xi32, #tpu.memory_space<hbm>>) dst(%arg8 : memref<48x128xi32, #tpu.memory_space<vmem>>)
      tpu.yield
    }) : () -> ()
    %mul3A_5 = arith.constant 632 : i32
    %mul3A_6 = arith.muli %arg1, %mul3A_5 : i32
    %mul3A_7 = arith.constant 632 : i32
    %mul3A_8 = arith.muli %arg1, %mul3A_7 : i32
    "tpu.region"() ({
      %run_scoped3A = tpu.sem_alloc : memref<!tpu.dma_semaphore, #tpu.memory_space<semaphore_mem>>
      %dma_start3A = arith.constant 0 : i32
      %dma_start3A_27 = tpu.memref_slice %arg11[%mul3A_8, %dma_start3A] : memref<10112x64xf32, #tpu.memory_space<vmem_shared>> -> memref<632x64xf32, #tpu.memory_space<vmem_shared>>
      %dma_start3A_28 = arith.constant 0 : i32
      %dma_start3A_29 = tpu.memref_slice %arg5[%mul3A_6, %dma_start3A_28] : memref<10112x64xf32, #tpu.memory_space<hbm>> -> memref<632x64xf32, #tpu.memory_space<hbm>>
      tpu.enqueue_dma source(%dma_start3A_29 : memref<632x64xf32, #tpu.memory_space<hbm>>) target(%dma_start3A_27 : memref<632x64xf32, #tpu.memory_space<vmem_shared>>) target_semaphore(%run_scoped3A : memref<!tpu.dma_semaphore, #tpu.memory_space<semaphore_mem>>)
      %dma_wait3A = arith.constant 0 : i32
      %dma_wait3A_30 = tpu.memref_slice %arg11[%mul3A_8, %dma_wait3A] : memref<10112x64xf32, #tpu.memory_space<vmem_shared>> -> memref<632x64xf32, #tpu.memory_space<vmem_shared>>
      %dma_wait3A_31 = arith.constant 0 : i32
      %dma_wait3A_32 = tpu.memref_slice %arg5[%mul3A_6, %dma_wait3A_31] : memref<10112x64xf32, #tpu.memory_space<hbm>> -> memref<632x64xf32, #tpu.memory_space<hbm>>
      tpu.wait_dma2 semaphore(%run_scoped3A : memref<!tpu.dma_semaphore, #tpu.memory_space<semaphore_mem>>) src(%dma_wait3A_32 : memref<632x64xf32, #tpu.memory_space<hbm>>) dst(%dma_wait3A_30 : memref<632x64xf32, #tpu.memory_space<vmem_shared>>)
      tpu.yield
    }) : () -> ()
    %eq3A = arith.constant 1 : i32
    %eq3A_9 = arith.cmpi eq, %arg0, %eq3A : i32
    %lt3A = arith.constant 10 : i32
    %lt3A_10 = arith.cmpi slt, %arg1, %lt3A : i32
    %and3A = arith.andi %eq3A_9, %lt3A_10 : i1
    %convert_element_type3A = arith.extui %and3A : i1 to i32
    %cond3A = arith.constant 0 : i32
    %cond3A_11 = arith.cmpi ne, %convert_element_type3A, %cond3A : i32
    scf.if %cond3A_11 {
      %mul3A_27 = arith.constant 1000 : i32
      %mul3A_28 = arith.muli %arg1, %mul3A_27 : i32
      %mul3A_29 = arith.constant 1000 : i32
      %mul3A_30 = arith.muli %arg1, %mul3A_29 : i32
      "tpu.region"() ({
        %run_scoped3A = tpu.sem_alloc : memref<!tpu.dma_semaphore, #tpu.memory_space<semaphore_mem>>
        %dma_start3A = arith.constant 0 : i32
        %dma_start3A_31 = tpu.memref_slice %arg14[%mul3A_30, %dma_start3A] : memref<10000x64xf32, #tpu.memory_space<vmem_shared>> -> memref<1000x64xf32, #tpu.memory_space<vmem_shared>>
        %dma_start3A_32 = arith.constant 0 : i32
        %dma_start3A_33 = tpu.memref_slice %arg2[%mul3A_28, %dma_start3A_32] : memref<10000x64xf32, #tpu.memory_space<hbm>> -> memref<1000x64xf32, #tpu.memory_space<hbm>>
        tpu.enqueue_dma source(%dma_start3A_33 : memref<1000x64xf32, #tpu.memory_space<hbm>>) target(%dma_start3A_31 : memref<1000x64xf32, #tpu.memory_space<vmem_shared>>) target_semaphore(%run_scoped3A : memref<!tpu.dma_semaphore, #tpu.memory_space<semaphore_mem>>)
        %dma_wait3A = arith.constant 0 : i32
        %dma_wait3A_34 = tpu.memref_slice %arg14[%mul3A_30, %dma_wait3A] : memref<10000x64xf32, #tpu.memory_space<vmem_shared>> -> memref<1000x64xf32, #tpu.memory_space<vmem_shared>>
        %dma_wait3A_35 = arith.constant 0 : i32
        %dma_wait3A_36 = tpu.memref_slice %arg2[%mul3A_28, %dma_wait3A_35] : memref<10000x64xf32, #tpu.memory_space<hbm>> -> memref<1000x64xf32, #tpu.memory_space<hbm>>
        tpu.wait_dma2 semaphore(%run_scoped3A : memref<!tpu.dma_semaphore, #tpu.memory_space<semaphore_mem>>) src(%dma_wait3A_36 : memref<1000x64xf32, #tpu.memory_space<hbm>>) dst(%dma_wait3A_34 : memref<1000x64xf32, #tpu.memory_space<vmem_shared>>)
        tpu.yield
      }) : () -> ()
    } else {
    }
    %barrier3A = arith.constant 0 : index
    tpu.barrier barrier_id(%barrier3A)
    %eq3A_12 = arith.constant 0 : i32
    %eq3A_13 = arith.cmpi eq, %arg0, %eq3A_12 : i32
    %convert_element_type3A_14 = arith.extui %eq3A_13 : i1 to i32
    %cond3A_15 = arith.constant 0 : i32
    %cond3A_16 = arith.cmpi ne, %convert_element_type3A_14, %cond3A_15 : i32
    scf.if %cond3A_16 {
      %dma_start3A = arith.constant 0 : i32
      %dma_start3A_27 = arith.constant 0 : i32
      %dma_start3A_28 = tpu.memref_slice %arg7[%dma_start3A, %dma_start3A_27] : memref<48x128xi32, #tpu.memory_space<vmem>> -> memref<1x128xi32, #tpu.memory_space<vmem>>
      %dma_start3A_29 = tpu.memref_squeeze %dma_start3A_28 : memref<1x128xi32, #tpu.memory_space<vmem>> -> memref<128xi32, #tpu.memory_space<vmem>>
      %dma_start3A_30 = arith.constant 0 : i32
      %dma_start3A_31 = arith.constant 0 : i32
      %dma_start3A_32 = tpu.memref_slice %arg2[%dma_start3A_30, %dma_start3A_31] : memref<10000x64xf32, #tpu.memory_space<hbm>> -> memref<10000x64xf32, #tpu.memory_space<hbm>>
      tpu.enqueue_indirect_dma source(%dma_start3A_32 : memref<10000x64xf32, #tpu.memory_space<hbm>>) target(%arg9 : memref<128x64xf32, #tpu.memory_space<vmem>>) offsets(%dma_start3A_29 : memref<128xi32, #tpu.memory_space<vmem>>) semaphore(%arg12 : memref<!tpu.dma_semaphore, #tpu.memory_space<semaphore_mem>>)
      %scan3A = arith.constant 0 : i32
      %scan3A_33 = arith.constant 24 : i32
      %scan3A_34 = arith.addi %scan3A, %scan3A_33 : i32
      %scan3A_35 = arith.constant 1 : i32
      scf.for %scan3A_37 = %scan3A to %scan3A_34 step %scan3A_35  : i32 {
        %mul3A_38 = arith.constant 1 : i32
        %mul3A_39 = arith.muli %scan3A_37, %mul3A_38 : i32
        %add3A_40 = arith.constant 0 : i32
        %add3A_41 = arith.addi %add3A_40, %mul3A_39 : i32
        %mul3A_42 = arith.constant 2 : i32
        %mul3A_43 = arith.muli %mul3A_42, %add3A_41 : i32
        %add3A_44 = arith.constant 1 : i32
        %add3A_45 = arith.addi %mul3A_43, %add3A_44 : i32
        %dma_start3A_46 = arith.constant 0 : i32
        %dma_start3A_47 = tpu.memref_slice %arg7[%add3A_45, %dma_start3A_46] : memref<48x128xi32, #tpu.memory_space<vmem>> -> memref<1x128xi32, #tpu.memory_space<vmem>>
        %dma_start3A_48 = tpu.memref_squeeze %dma_start3A_47 : memref<1x128xi32, #tpu.memory_space<vmem>> -> memref<128xi32, #tpu.memory_space<vmem>>
        %dma_start3A_49 = arith.constant 0 : i32
        %dma_start3A_50 = arith.constant 0 : i32
        %dma_start3A_51 = tpu.memref_slice %arg2[%dma_start3A_49, %dma_start3A_50] : memref<10000x64xf32, #tpu.memory_space<hbm>> -> memref<10000x64xf32, #tpu.memory_space<hbm>>
        tpu.enqueue_indirect_dma source(%dma_start3A_51 : memref<10000x64xf32, #tpu.memory_space<hbm>>) target(%arg10 : memref<128x64xf32, #tpu.memory_space<vmem>>) offsets(%dma_start3A_48 : memref<128xi32, #tpu.memory_space<vmem>>) semaphore(%arg13 : memref<!tpu.dma_semaphore, #tpu.memory_space<semaphore_mem>>)
        %dma_wait3A = arith.constant 0 : i32
        %dma_wait3A_52 = tpu.memref_slice %arg7[%mul3A_43, %dma_wait3A] : memref<48x128xi32, #tpu.memory_space<vmem>> -> memref<1x128xi32, #tpu.memory_space<vmem>>
        %dma_wait3A_53 = tpu.memref_squeeze %dma_wait3A_52 : memref<1x128xi32, #tpu.memory_space<vmem>> -> memref<128xi32, #tpu.memory_space<vmem>>
        %dma_wait3A_54 = arith.constant 0 : i32
        %dma_wait3A_55 = arith.constant 0 : i32
        %dma_wait3A_56 = tpu.memref_slice %arg2[%dma_wait3A_54, %dma_wait3A_55] : memref<10000x64xf32, #tpu.memory_space<hbm>> -> memref<10000x64xf32, #tpu.memory_space<hbm>>
        tpu.wait_indirect_dma semaphore(%arg12 : memref<!tpu.dma_semaphore, #tpu.memory_space<semaphore_mem>>) src(%dma_wait3A_56 : memref<10000x64xf32, #tpu.memory_space<hbm>>) dst(%arg9 : memref<128x64xf32, #tpu.memory_space<vmem>>)
        "tpu.region"() ({
          %run_scoped3A = tpu.sem_alloc : memref<!tpu.dma_semaphore, #tpu.memory_space<semaphore_mem>>
          %dma_start3A_72 = arith.constant 0 : i32
          %dma_start3A_73 = tpu.memref_slice %arg8[%mul3A_43, %dma_start3A_72] : memref<48x128xi32, #tpu.memory_space<vmem>> -> memref<1x128xi32, #tpu.memory_space<vmem>>
          %dma_start3A_74 = tpu.memref_squeeze %dma_start3A_73 : memref<1x128xi32, #tpu.memory_space<vmem>> -> memref<128xi32, #tpu.memory_space<vmem>>
          %dma_start3A_75 = arith.constant 0 : i32
          %dma_start3A_76 = arith.constant 0 : i32
          %dma_start3A_77 = tpu.memref_slice %arg11[%dma_start3A_75, %dma_start3A_76] : memref<10112x64xf32, #tpu.memory_space<vmem_shared>> -> memref<10112x64xf32, #tpu.memory_space<vmem_shared>>
          tpu.enqueue_indirect_dma source(%arg9 : memref<128x64xf32, #tpu.memory_space<vmem>>) target(%dma_start3A_77 : memref<10112x64xf32, #tpu.memory_space<vmem_shared>>) offsets(%dma_start3A_74 : memref<128xi32, #tpu.memory_space<vmem>>) semaphore(%run_scoped3A : memref<!tpu.dma_semaphore, #tpu.memory_space<semaphore_mem>>) {add = true}
          %dma_wait3A_78 = arith.constant 0 : i32
          %dma_wait3A_79 = tpu.memref_slice %arg8[%mul3A_43, %dma_wait3A_78] : memref<48x128xi32, #tpu.memory_space<vmem>> -> memref<1x128xi32, #tpu.memory_space<vmem>>
          %dma_wait3A_80 = tpu.memref_squeeze %dma_wait3A_79 : memref<1x128xi32, #tpu.memory_space<vmem>> -> memref<128xi32, #tpu.memory_space<vmem>>
          %dma_wait3A_81 = arith.constant 0 : i32
          %dma_wait3A_82 = arith.constant 0 : i32
          %dma_wait3A_83 = tpu.memref_slice %arg11[%dma_wait3A_81, %dma_wait3A_82] : memref<10112x64xf32, #tpu.memory_space<vmem_shared>> -> memref<10112x64xf32, #tpu.memory_space<vmem_shared>>
          tpu.wait_indirect_dma semaphore(%run_scoped3A : memref<!tpu.dma_semaphore, #tpu.memory_space<semaphore_mem>>) src(%arg9 : memref<128x64xf32, #tpu.memory_space<vmem>>) dst(%dma_wait3A_83 : memref<10112x64xf32, #tpu.memory_space<vmem_shared>>)
          tpu.yield
        }) : () -> ()
        %lt3A_57 = arith.constant 23 : i32
        %lt3A_58 = arith.cmpi slt, %add3A_41, %lt3A_57 : i32
        %convert_element_type3A_59 = arith.extui %lt3A_58 : i1 to i32
        %cond3A_60 = arith.constant 0 : i32
        %cond3A_61 = arith.cmpi ne, %convert_element_type3A_59, %cond3A_60 : i32
        scf.if %cond3A_61 {
          %add3A_72 = arith.constant 2 : i32
          %add3A_73 = arith.addi %mul3A_43, %add3A_72 : i32
          %dma_start3A_74 = arith.constant 0 : i32
          %dma_start3A_75 = tpu.memref_slice %arg7[%add3A_73, %dma_start3A_74] : memref<48x128xi32, #tpu.memory_space<vmem>> -> memref<1x128xi32, #tpu.memory_space<vmem>>
          %dma_start3A_76 = tpu.memref_squeeze %dma_start3A_75 : memref<1x128xi32, #tpu.memory_space<vmem>> -> memref<128xi32, #tpu.memory_space<vmem>>
          %dma_start3A_77 = arith.constant 0 : i32
          %dma_start3A_78 = arith.constant 0 : i32
          %dma_start3A_79 = tpu.memref_slice %arg2[%dma_start3A_77, %dma_start3A_78] : memref<10000x64xf32, #tpu.memory_space<hbm>> -> memref<10000x64xf32, #tpu.memory_space<hbm>>
          tpu.enqueue_indirect_dma source(%dma_start3A_79 : memref<10000x64xf32, #tpu.memory_space<hbm>>) target(%arg9 : memref<128x64xf32, #tpu.memory_space<vmem>>) offsets(%dma_start3A_76 : memref<128xi32, #tpu.memory_space<vmem>>) semaphore(%arg12 : memref<!tpu.dma_semaphore, #tpu.memory_space<semaphore_mem>>)
        } else {
        }
        %add3A_62 = arith.constant 1 : i32
        %add3A_63 = arith.addi %mul3A_43, %add3A_62 : i32
        %dma_wait3A_64 = arith.constant 0 : i32
        %dma_wait3A_65 = tpu.memref_slice %arg7[%add3A_63, %dma_wait3A_64] : memref<48x128xi32, #tpu.memory_space<vmem>> -> memref<1x128xi32, #tpu.memory_space<vmem>>
        %dma_wait3A_66 = tpu.memref_squeeze %dma_wait3A_65 : memref<1x128xi32, #tpu.memory_space<vmem>> -> memref<128xi32, #tpu.memory_space<vmem>>
        %dma_wait3A_67 = arith.constant 0 : i32
        %dma_wait3A_68 = arith.constant 0 : i32
        %dma_wait3A_69 = tpu.memref_slice %arg2[%dma_wait3A_67, %dma_wait3A_68] : memref<10000x64xf32, #tpu.memory_space<hbm>> -> memref<10000x64xf32, #tpu.memory_space<hbm>>
        tpu.wait_indirect_dma semaphore(%arg13 : memref<!tpu.dma_semaphore, #tpu.memory_space<semaphore_mem>>) src(%dma_wait3A_69 : memref<10000x64xf32, #tpu.memory_space<hbm>>) dst(%arg10 : memref<128x64xf32, #tpu.memory_space<vmem>>)
        %add3A_70 = arith.constant 1 : i32
        %add3A_71 = arith.addi %mul3A_43, %add3A_70 : i32
        "tpu.region"() ({
          %run_scoped3A = tpu.sem_alloc : memref<!tpu.dma_semaphore, #tpu.memory_space<semaphore_mem>>
          %dma_start3A_72 = arith.constant 0 : i32
          %dma_start3A_73 = tpu.memref_slice %arg8[%add3A_71, %dma_start3A_72] : memref<48x128xi32, #tpu.memory_space<vmem>> -> memref<1x128xi32, #tpu.memory_space<vmem>>
          %dma_start3A_74 = tpu.memref_squeeze %dma_start3A_73 : memref<1x128xi32, #tpu.memory_space<vmem>> -> memref<128xi32, #tpu.memory_space<vmem>>
          %dma_start3A_75 = arith.constant 0 : i32
          %dma_start3A_76 = arith.constant 0 : i32
          %dma_start3A_77 = tpu.memref_slice %arg11[%dma_start3A_75, %dma_start3A_76] : memref<10112x64xf32, #tpu.memory_space<vmem_shared>> -> memref<10112x64xf32, #tpu.memory_space<vmem_shared>>
          tpu.enqueue_indirect_dma source(%arg10 : memref<128x64xf32, #tpu.memory_space<vmem>>) target(%dma_start3A_77 : memref<10112x64xf32, #tpu.memory_space<vmem_shared>>) offsets(%dma_start3A_74 : memref<128xi32, #tpu.memory_space<vmem>>) semaphore(%run_scoped3A : memref<!tpu.dma_semaphore, #tpu.memory_space<semaphore_mem>>) {add = true}
          %dma_wait3A_78 = arith.constant 0 : i32
          %dma_wait3A_79 = tpu.memref_slice %arg8[%add3A_71, %dma_wait3A_78] : memref<48x128xi32, #tpu.memory_space<vmem>> -> memref<1x128xi32, #tpu.memory_space<vmem>>
          %dma_wait3A_80 = tpu.memref_squeeze %dma_wait3A_79 : memref<1x128xi32, #tpu.memory_space<vmem>> -> memref<128xi32, #tpu.memory_space<vmem>>
          %dma_wait3A_81 = arith.constant 0 : i32
          %dma_wait3A_82 = arith.constant 0 : i32
          %dma_wait3A_83 = tpu.memref_slice %arg11[%dma_wait3A_81, %dma_wait3A_82] : memref<10112x64xf32, #tpu.memory_space<vmem_shared>> -> memref<10112x64xf32, #tpu.memory_space<vmem_shared>>
          tpu.wait_indirect_dma semaphore(%run_scoped3A : memref<!tpu.dma_semaphore, #tpu.memory_space<semaphore_mem>>) src(%arg10 : memref<128x64xf32, #tpu.memory_space<vmem>>) dst(%dma_wait3A_83 : memref<10112x64xf32, #tpu.memory_space<vmem_shared>>)
          tpu.yield
        }) : () -> ()
      }
      %scan3A_36 = arith.constant 24 : i32
    } else {
    }
    %eq3A_17 = arith.constant 1 : i32
    %eq3A_18 = arith.cmpi eq, %arg0, %eq3A_17 : i32
    %convert_element_type3A_19 = arith.extui %eq3A_18 : i1 to i32
    %cond3A_20 = arith.constant 0 : i32
    %cond3A_21 = arith.cmpi ne, %convert_element_type3A_19, %cond3A_20 : i32
    scf.if %cond3A_21 {
      %dma_start3A = arith.constant 0 : i32
      %dma_start3A_27 = arith.constant 0 : i32
      %dma_start3A_28 = tpu.memref_slice %arg7[%dma_start3A, %dma_start3A_27] : memref<48x128xi32, #tpu.memory_space<vmem>> -> memref<1x128xi32, #tpu.memory_space<vmem>>
      %dma_start3A_29 = tpu.memref_squeeze %dma_start3A_28 : memref<1x128xi32, #tpu.memory_space<vmem>> -> memref<128xi32, #tpu.memory_space<vmem>>
      %dma_start3A_30 = arith.constant 0 : i32
      %dma_start3A_31 = arith.constant 0 : i32
      %dma_start3A_32 = tpu.memref_slice %arg14[%dma_start3A_30, %dma_start3A_31] : memref<10000x64xf32, #tpu.memory_space<vmem_shared>> -> memref<10000x64xf32, #tpu.memory_space<vmem_shared>>
      tpu.enqueue_indirect_dma source(%dma_start3A_32 : memref<10000x64xf32, #tpu.memory_space<vmem_shared>>) target(%arg9 : memref<128x64xf32, #tpu.memory_space<vmem>>) offsets(%dma_start3A_29 : memref<128xi32, #tpu.memory_space<vmem>>) semaphore(%arg12 : memref<!tpu.dma_semaphore, #tpu.memory_space<semaphore_mem>>)
      %scan3A = arith.constant 0 : i32
      %scan3A_33 = arith.constant 16 : i32
      %scan3A_34 = arith.addi %scan3A, %scan3A_33 : i32
      %scan3A_35 = arith.constant 1 : i32
      scf.for %scan3A_37 = %scan3A to %scan3A_34 step %scan3A_35  : i32 {
        %mul3A_38 = arith.constant 1 : i32
        %mul3A_39 = arith.muli %scan3A_37, %mul3A_38 : i32
        %add3A_40 = arith.constant 0 : i32
        %add3A_41 = arith.addi %add3A_40, %mul3A_39 : i32
        %mul3A_42 = arith.constant 2 : i32
        %mul3A_43 = arith.muli %mul3A_42, %add3A_41 : i32
        %add3A_44 = arith.constant 1 : i32
        %add3A_45 = arith.addi %mul3A_43, %add3A_44 : i32
        %dma_start3A_46 = arith.constant 0 : i32
        %dma_start3A_47 = tpu.memref_slice %arg7[%add3A_45, %dma_start3A_46] : memref<48x128xi32, #tpu.memory_space<vmem>> -> memref<1x128xi32, #tpu.memory_space<vmem>>
        %dma_start3A_48 = tpu.memref_squeeze %dma_start3A_47 : memref<1x128xi32, #tpu.memory_space<vmem>> -> memref<128xi32, #tpu.memory_space<vmem>>
        %dma_start3A_49 = arith.constant 0 : i32
        %dma_start3A_50 = arith.constant 0 : i32
        %dma_start3A_51 = tpu.memref_slice %arg14[%dma_start3A_49, %dma_start3A_50] : memref<10000x64xf32, #tpu.memory_space<vmem_shared>> -> memref<10000x64xf32, #tpu.memory_space<vmem_shared>>
        tpu.enqueue_indirect_dma source(%dma_start3A_51 : memref<10000x64xf32, #tpu.memory_space<vmem_shared>>) target(%arg10 : memref<128x64xf32, #tpu.memory_space<vmem>>) offsets(%dma_start3A_48 : memref<128xi32, #tpu.memory_space<vmem>>) semaphore(%arg13 : memref<!tpu.dma_semaphore, #tpu.memory_space<semaphore_mem>>)
        %dma_wait3A = arith.constant 0 : i32
        %dma_wait3A_52 = tpu.memref_slice %arg7[%mul3A_43, %dma_wait3A] : memref<48x128xi32, #tpu.memory_space<vmem>> -> memref<1x128xi32, #tpu.memory_space<vmem>>
        %dma_wait3A_53 = tpu.memref_squeeze %dma_wait3A_52 : memref<1x128xi32, #tpu.memory_space<vmem>> -> memref<128xi32, #tpu.memory_space<vmem>>
        %dma_wait3A_54 = arith.constant 0 : i32
        %dma_wait3A_55 = arith.constant 0 : i32
        %dma_wait3A_56 = tpu.memref_slice %arg14[%dma_wait3A_54, %dma_wait3A_55] : memref<10000x64xf32, #tpu.memory_space<vmem_shared>> -> memref<10000x64xf32, #tpu.memory_space<vmem_shared>>
        tpu.wait_indirect_dma semaphore(%arg12 : memref<!tpu.dma_semaphore, #tpu.memory_space<semaphore_mem>>) src(%dma_wait3A_56 : memref<10000x64xf32, #tpu.memory_space<vmem_shared>>) dst(%arg9 : memref<128x64xf32, #tpu.memory_space<vmem>>)
        "tpu.region"() ({
          %run_scoped3A = tpu.sem_alloc : memref<!tpu.dma_semaphore, #tpu.memory_space<semaphore_mem>>
          %dma_start3A_72 = arith.constant 0 : i32
          %dma_start3A_73 = tpu.memref_slice %arg8[%mul3A_43, %dma_start3A_72] : memref<48x128xi32, #tpu.memory_space<vmem>> -> memref<1x128xi32, #tpu.memory_space<vmem>>
          %dma_start3A_74 = tpu.memref_squeeze %dma_start3A_73 : memref<1x128xi32, #tpu.memory_space<vmem>> -> memref<128xi32, #tpu.memory_space<vmem>>
          %dma_start3A_75 = arith.constant 0 : i32
          %dma_start3A_76 = arith.constant 0 : i32
          %dma_start3A_77 = tpu.memref_slice %arg11[%dma_start3A_75, %dma_start3A_76] : memref<10112x64xf32, #tpu.memory_space<vmem_shared>> -> memref<10112x64xf32, #tpu.memory_space<vmem_shared>>
          tpu.enqueue_indirect_dma source(%arg9 : memref<128x64xf32, #tpu.memory_space<vmem>>) target(%dma_start3A_77 : memref<10112x64xf32, #tpu.memory_space<vmem_shared>>) offsets(%dma_start3A_74 : memref<128xi32, #tpu.memory_space<vmem>>) semaphore(%run_scoped3A : memref<!tpu.dma_semaphore, #tpu.memory_space<semaphore_mem>>) {add = true}
          %dma_wait3A_78 = arith.constant 0 : i32
          %dma_wait3A_79 = tpu.memref_slice %arg8[%mul3A_43, %dma_wait3A_78] : memref<48x128xi32, #tpu.memory_space<vmem>> -> memref<1x128xi32, #tpu.memory_space<vmem>>
          %dma_wait3A_80 = tpu.memref_squeeze %dma_wait3A_79 : memref<1x128xi32, #tpu.memory_space<vmem>> -> memref<128xi32, #tpu.memory_space<vmem>>
          %dma_wait3A_81 = arith.constant 0 : i32
          %dma_wait3A_82 = arith.constant 0 : i32
          %dma_wait3A_83 = tpu.memref_slice %arg11[%dma_wait3A_81, %dma_wait3A_82] : memref<10112x64xf32, #tpu.memory_space<vmem_shared>> -> memref<10112x64xf32, #tpu.memory_space<vmem_shared>>
          tpu.wait_indirect_dma semaphore(%run_scoped3A : memref<!tpu.dma_semaphore, #tpu.memory_space<semaphore_mem>>) src(%arg9 : memref<128x64xf32, #tpu.memory_space<vmem>>) dst(%dma_wait3A_83 : memref<10112x64xf32, #tpu.memory_space<vmem_shared>>)
          tpu.yield
        }) : () -> ()
        %lt3A_57 = arith.constant 15 : i32
        %lt3A_58 = arith.cmpi slt, %add3A_41, %lt3A_57 : i32
        %convert_element_type3A_59 = arith.extui %lt3A_58 : i1 to i32
        %cond3A_60 = arith.constant 0 : i32
        %cond3A_61 = arith.cmpi ne, %convert_element_type3A_59, %cond3A_60 : i32
        scf.if %cond3A_61 {
          %add3A_72 = arith.constant 2 : i32
          %add3A_73 = arith.addi %mul3A_43, %add3A_72 : i32
          %dma_start3A_74 = arith.constant 0 : i32
          %dma_start3A_75 = tpu.memref_slice %arg7[%add3A_73, %dma_start3A_74] : memref<48x128xi32, #tpu.memory_space<vmem>> -> memref<1x128xi32, #tpu.memory_space<vmem>>
          %dma_start3A_76 = tpu.memref_squeeze %dma_start3A_75 : memref<1x128xi32, #tpu.memory_space<vmem>> -> memref<128xi32, #tpu.memory_space<vmem>>
          %dma_start3A_77 = arith.constant 0 : i32
          %dma_start3A_78 = arith.constant 0 : i32
          %dma_start3A_79 = tpu.memref_slice %arg14[%dma_start3A_77, %dma_start3A_78] : memref<10000x64xf32, #tpu.memory_space<vmem_shared>> -> memref<10000x64xf32, #tpu.memory_space<vmem_shared>>
          tpu.enqueue_indirect_dma source(%dma_start3A_79 : memref<10000x64xf32, #tpu.memory_space<vmem_shared>>) target(%arg9 : memref<128x64xf32, #tpu.memory_space<vmem>>) offsets(%dma_start3A_76 : memref<128xi32, #tpu.memory_space<vmem>>) semaphore(%arg12 : memref<!tpu.dma_semaphore, #tpu.memory_space<semaphore_mem>>)
        } else {
        }
        %add3A_62 = arith.constant 1 : i32
        %add3A_63 = arith.addi %mul3A_43, %add3A_62 : i32
        %dma_wait3A_64 = arith.constant 0 : i32
        %dma_wait3A_65 = tpu.memref_slice %arg7[%add3A_63, %dma_wait3A_64] : memref<48x128xi32, #tpu.memory_space<vmem>> -> memref<1x128xi32, #tpu.memory_space<vmem>>
        %dma_wait3A_66 = tpu.memref_squeeze %dma_wait3A_65 : memref<1x128xi32, #tpu.memory_space<vmem>> -> memref<128xi32, #tpu.memory_space<vmem>>
        %dma_wait3A_67 = arith.constant 0 : i32
        %dma_wait3A_68 = arith.constant 0 : i32
        %dma_wait3A_69 = tpu.memref_slice %arg14[%dma_wait3A_67, %dma_wait3A_68] : memref<10000x64xf32, #tpu.memory_space<vmem_shared>> -> memref<10000x64xf32, #tpu.memory_space<vmem_shared>>
        tpu.wait_indirect_dma semaphore(%arg13 : memref<!tpu.dma_semaphore, #tpu.memory_space<semaphore_mem>>) src(%dma_wait3A_69 : memref<10000x64xf32, #tpu.memory_space<vmem_shared>>) dst(%arg10 : memref<128x64xf32, #tpu.memory_space<vmem>>)
        %add3A_70 = arith.constant 1 : i32
        %add3A_71 = arith.addi %mul3A_43, %add3A_70 : i32
        "tpu.region"() ({
          %run_scoped3A = tpu.sem_alloc : memref<!tpu.dma_semaphore, #tpu.memory_space<semaphore_mem>>
          %dma_start3A_72 = arith.constant 0 : i32
          %dma_start3A_73 = tpu.memref_slice %arg8[%add3A_71, %dma_start3A_72] : memref<48x128xi32, #tpu.memory_space<vmem>> -> memref<1x128xi32, #tpu.memory_space<vmem>>
          %dma_start3A_74 = tpu.memref_squeeze %dma_start3A_73 : memref<1x128xi32, #tpu.memory_space<vmem>> -> memref<128xi32, #tpu.memory_space<vmem>>
          %dma_start3A_75 = arith.constant 0 : i32
          %dma_start3A_76 = arith.constant 0 : i32
          %dma_start3A_77 = tpu.memref_slice %arg11[%dma_start3A_75, %dma_start3A_76] : memref<10112x64xf32, #tpu.memory_space<vmem_shared>> -> memref<10112x64xf32, #tpu.memory_space<vmem_shared>>
          tpu.enqueue_indirect_dma source(%arg10 : memref<128x64xf32, #tpu.memory_space<vmem>>) target(%dma_start3A_77 : memref<10112x64xf32, #tpu.memory_space<vmem_shared>>) offsets(%dma_start3A_74 : memref<128xi32, #tpu.memory_space<vmem>>) semaphore(%run_scoped3A : memref<!tpu.dma_semaphore, #tpu.memory_space<semaphore_mem>>) {add = true}
          %dma_wait3A_78 = arith.constant 0 : i32
          %dma_wait3A_79 = tpu.memref_slice %arg8[%add3A_71, %dma_wait3A_78] : memref<48x128xi32, #tpu.memory_space<vmem>> -> memref<1x128xi32, #tpu.memory_space<vmem>>
          %dma_wait3A_80 = tpu.memref_squeeze %dma_wait3A_79 : memref<1x128xi32, #tpu.memory_space<vmem>> -> memref<128xi32, #tpu.memory_space<vmem>>
          %dma_wait3A_81 = arith.constant 0 : i32
          %dma_wait3A_82 = arith.constant 0 : i32
          %dma_wait3A_83 = tpu.memref_slice %arg11[%dma_wait3A_81, %dma_wait3A_82] : memref<10112x64xf32, #tpu.memory_space<vmem_shared>> -> memref<10112x64xf32, #tpu.memory_space<vmem_shared>>
          tpu.wait_indirect_dma semaphore(%run_scoped3A : memref<!tpu.dma_semaphore, #tpu.memory_space<semaphore_mem>>) src(%arg10 : memref<128x64xf32, #tpu.memory_space<vmem>>) dst(%dma_wait3A_83 : memref<10112x64xf32, #tpu.memory_space<vmem_shared>>)
          tpu.yield
        }) : () -> ()
      }
      %scan3A_36 = arith.constant 16 : i32
    } else {
    }
    %barrier3A_22 = arith.constant 0 : index
    tpu.barrier barrier_id(%barrier3A_22)
    %mul3A_23 = arith.constant 632 : i32
    %mul3A_24 = arith.muli %arg1, %mul3A_23 : i32
    %mul3A_25 = arith.constant 632 : i32
    %mul3A_26 = arith.muli %arg1, %mul3A_25 : i32
    "tpu.region"() ({
      %run_scoped3A = tpu.sem_alloc : memref<!tpu.dma_semaphore, #tpu.memory_space<semaphore_mem>>
      %dma_start3A = arith.constant 0 : i32
      %dma_start3A_27 = tpu.memref_slice %arg6[%arg0, %mul3A_26, %dma_start3A] : memref<2x10112x64xf32, #tpu.memory_space<hbm>> -> memref<1x632x64xf32, #tpu.memory_space<hbm>>
      %dma_start3A_28 = tpu.memref_squeeze %dma_start3A_27 : memref<1x632x64xf32, #tpu.memory_space<hbm>> -> memref<632x64xf32, #tpu.memory_space<hbm>>
      %dma_start3A_29 = arith.constant 0 : i32
      %dma_start3A_30 = tpu.memref_slice %arg11[%mul3A_24, %dma_start3A_29] : memref<10112x64xf32, #tpu.memory_space<vmem_shared>> -> memref<632x64xf32, #tpu.memory_space<vmem_shared>>
      tpu.enqueue_dma source(%dma_start3A_30 : memref<632x64xf32, #tpu.memory_space<vmem_shared>>) target(%dma_start3A_28 : memref<632x64xf32, #tpu.memory_space<hbm>>) target_semaphore(%run_scoped3A : memref<!tpu.dma_semaphore, #tpu.memory_space<semaphore_mem>>)
      %dma_wait3A = arith.constant 0 : i32
      %dma_wait3A_31 = tpu.memref_slice %arg6[%arg0, %mul3A_26, %dma_wait3A] : memref<2x10112x64xf32, #tpu.memory_space<hbm>> -> memref<1x632x64xf32, #tpu.memory_space<hbm>>
      %dma_wait3A_32 = tpu.memref_squeeze %dma_wait3A_31 : memref<1x632x64xf32, #tpu.memory_space<hbm>> -> memref<632x64xf32, #tpu.memory_space<hbm>>
      %dma_wait3A_33 = arith.constant 0 : i32
      %dma_wait3A_34 = tpu.memref_slice %arg11[%mul3A_24, %dma_wait3A_33] : memref<10112x64xf32, #tpu.memory_space<vmem_shared>> -> memref<632x64xf32, #tpu.memory_space<vmem_shared>>
      tpu.wait_dma2 semaphore(%run_scoped3A : memref<!tpu.dma_semaphore, #tpu.memory_space<semaphore_mem>>) src(%dma_wait3A_34 : memref<632x64xf32, #tpu.memory_space<vmem_shared>>) dst(%dma_wait3A_32 : memref<632x64xf32, #tpu.memory_space<hbm>>)
      tpu.yield
    }) : () -> ()
    return
  }
}

#map = affine_map<(d0, d1) -> (0, 0)>
#map1 = affine_map<(d0, d1) -> (0, 0, 0)>
module attributes {stable_mosaic.version = 14 : i64} {
  func.func @body(%arg0: i32, %arg1: i32, %arg2: memref<10000x64xf32, #tpu.memory_space<hbm>>, %arg3: memref<1536x128xi32, #tpu.memory_space<hbm>>, %arg4: memref<1536x128xi32, #tpu.memory_space<hbm>>, %arg5: memref<10112x64xf32, #tpu.memory_space<hbm>>, %arg6: memref<2x10112x64xf32, #tpu.memory_space<hbm>>, %arg7: memref<48x128xi32, #tpu.memory_space<vmem>>, %arg8: memref<48x128xi32, #tpu.memory_space<vmem>>, %arg9: memref<128x64xf32, #tpu.memory_space<vmem>>, %arg10: memref<128x64xf32, #tpu.memory_space<vmem>>, %arg11: memref<10112x64xf32, #tpu.memory_space<vmem_shared>>, %arg12: memref<!tpu.dma_semaphore, #tpu.memory_space<semaphore_mem>>, %arg13: memref<!tpu.dma_semaphore, #tpu.memory_space<semaphore_mem>>, %arg14: memref<10000x64xf32, #tpu.memory_space<vmem_shared>>) attributes {dimension_semantics = [#tpu.dimension_semantics<core_parallel>, #tpu.dimension_semantics<subcore_parallel>], iteration_bounds = array<i64: 2, 16>, scalar_prefetch = 0 : i64, scratch_operands = 8 : i64, tpu.core_type = #tpu.core_type<sc_vector_subcore>, window_params = [{transform_indices = #map}, {transform_indices = #map}, {transform_indices = #map}, {transform_indices = #map}, {transform_indices = #map1}]} {
    %mul3A = arith.constant 16 : i32
    %mul3A_0 = arith.muli %arg0, %mul3A : i32
    %add3A = arith.addi %mul3A_0, %arg1 : i32
    %mul3A_1 = arith.constant 48 : i32
    %mul3A_2 = arith.muli %add3A, %mul3A_1 : i32
    "tpu.region"() ({
      %run_scoped3A = tpu.sem_alloc : memref<!tpu.dma_semaphore, #tpu.memory_space<semaphore_mem>>
      %dma_start3A = arith.constant 0 : i32
      %dma_start3A_27 = tpu.memref_slice %arg3[%mul3A_2, %dma_start3A] : memref<1536x128xi32, #tpu.memory_space<hbm>> -> memref<48x128xi32, #tpu.memory_space<hbm>>
      %dma_start3A_28 = arith.constant 0 : i32
      %dma_start3A_29 = tpu.memref_slice %arg3[%mul3A_2, %dma_start3A_28] : memref<1536x128xi32, #tpu.memory_space<hbm>> -> memref<48x128xi32, #tpu.memory_space<hbm>>
      tpu.enqueue_dma source(%dma_start3A_29 : memref<48x128xi32, #tpu.memory_space<hbm>>) target(%arg7 : memref<48x128xi32, #tpu.memory_space<vmem>>) target_semaphore(%run_scoped3A : memref<!tpu.dma_semaphore, #tpu.memory_space<semaphore_mem>>)
      %dma_wait3A = arith.constant 0 : i32
      %dma_wait3A_30 = tpu.memref_slice %arg3[%mul3A_2, %dma_wait3A] : memref<1536x128xi32, #tpu.memory_space<hbm>> -> memref<48x128xi32, #tpu.memory_space<hbm>>
      %dma_wait3A_31 = arith.constant 0 : i32
      %dma_wait3A_32 = tpu.memref_slice %arg3[%mul3A_2, %dma_wait3A_31] : memref<1536x128xi32, #tpu.memory_space<hbm>> -> memref<48x128xi32, #tpu.memory_space<hbm>>
      tpu.wait_dma2 semaphore(%run_scoped3A : memref<!tpu.dma_semaphore, #tpu.memory_space<semaphore_mem>>) src(%dma_wait3A_32 : memref<48x128xi32, #tpu.memory_space<hbm>>) dst(%arg7 : memref<48x128xi32, #tpu.memory_space<vmem>>)
      tpu.yield
    }) : () -> ()
    %mul3A_3 = arith.constant 48 : i32
    %mul3A_4 = arith.muli %add3A, %mul3A_3 : i32
    "tpu.region"() ({
      %run_scoped3A = tpu.sem_alloc : memref<!tpu.dma_semaphore, #tpu.memory_space<semaphore_mem>>
      %dma_start3A = arith.constant 0 : i32
      %dma_start3A_27 = tpu.memref_slice %arg4[%mul3A_4, %dma_start3A] : memref<1536x128xi32, #tpu.memory_space<hbm>> -> memref<48x128xi32, #tpu.memory_space<hbm>>
      %dma_start3A_28 = arith.constant 0 : i32
      %dma_start3A_29 = tpu.memref_slice %arg4[%mul3A_4, %dma_start3A_28] : memref<1536x128xi32, #tpu.memory_space<hbm>> -> memref<48x128xi32, #tpu.memory_space<hbm>>
      tpu.enqueue_dma source(%dma_start3A_29 : memref<48x128xi32, #tpu.memory_space<hbm>>) target(%arg8 : memref<48x128xi32, #tpu.memory_space<vmem>>) target_semaphore(%run_scoped3A : memref<!tpu.dma_semaphore, #tpu.memory_space<semaphore_mem>>)
      %dma_wait3A = arith.constant 0 : i32
      %dma_wait3A_30 = tpu.memref_slice %arg4[%mul3A_4, %dma_wait3A] : memref<1536x128xi32, #tpu.memory_space<hbm>> -> memref<48x128xi32, #tpu.memory_space<hbm>>
      %dma_wait3A_31 = arith.constant 0 : i32
      %dma_wait3A_32 = tpu.memref_slice %arg4[%mul3A_4, %dma_wait3A_31] : memref<1536x128xi32, #tpu.memory_space<hbm>> -> memref<48x128xi32, #tpu.memory_space<hbm>>
      tpu.wait_dma2 semaphore(%run_scoped3A : memref<!tpu.dma_semaphore, #tpu.memory_space<semaphore_mem>>) src(%dma_wait3A_32 : memref<48x128xi32, #tpu.memory_space<hbm>>) dst(%arg8 : memref<48x128xi32, #tpu.memory_space<vmem>>)
      tpu.yield
    }) : () -> ()
    %mul3A_5 = arith.constant 632 : i32
    %mul3A_6 = arith.muli %arg1, %mul3A_5 : i32
    %mul3A_7 = arith.constant 632 : i32
    %mul3A_8 = arith.muli %arg1, %mul3A_7 : i32
    "tpu.region"() ({
      %run_scoped3A = tpu.sem_alloc : memref<!tpu.dma_semaphore, #tpu.memory_space<semaphore_mem>>
      %dma_start3A = arith.constant 0 : i32
      %dma_start3A_27 = tpu.memref_slice %arg11[%mul3A_8, %dma_start3A] : memref<10112x64xf32, #tpu.memory_space<vmem_shared>> -> memref<632x64xf32, #tpu.memory_space<vmem_shared>>
      %dma_start3A_28 = arith.constant 0 : i32
      %dma_start3A_29 = tpu.memref_slice %arg5[%mul3A_6, %dma_start3A_28] : memref<10112x64xf32, #tpu.memory_space<hbm>> -> memref<632x64xf32, #tpu.memory_space<hbm>>
      tpu.enqueue_dma source(%dma_start3A_29 : memref<632x64xf32, #tpu.memory_space<hbm>>) target(%dma_start3A_27 : memref<632x64xf32, #tpu.memory_space<vmem_shared>>) target_semaphore(%run_scoped3A : memref<!tpu.dma_semaphore, #tpu.memory_space<semaphore_mem>>)
      %dma_wait3A = arith.constant 0 : i32
      %dma_wait3A_30 = tpu.memref_slice %arg11[%mul3A_8, %dma_wait3A] : memref<10112x64xf32, #tpu.memory_space<vmem_shared>> -> memref<632x64xf32, #tpu.memory_space<vmem_shared>>
      %dma_wait3A_31 = arith.constant 0 : i32
      %dma_wait3A_32 = tpu.memref_slice %arg5[%mul3A_6, %dma_wait3A_31] : memref<10112x64xf32, #tpu.memory_space<hbm>> -> memref<632x64xf32, #tpu.memory_space<hbm>>
      tpu.wait_dma2 semaphore(%run_scoped3A : memref<!tpu.dma_semaphore, #tpu.memory_space<semaphore_mem>>) src(%dma_wait3A_32 : memref<632x64xf32, #tpu.memory_space<hbm>>) dst(%dma_wait3A_30 : memref<632x64xf32, #tpu.memory_space<vmem_shared>>)
      tpu.yield
    }) : () -> ()
    %eq3A = arith.constant 1 : i32
    %eq3A_9 = arith.cmpi eq, %arg0, %eq3A : i32
    %lt3A = arith.constant 10 : i32
    %lt3A_10 = arith.cmpi slt, %arg1, %lt3A : i32
    %and3A = arith.andi %eq3A_9, %lt3A_10 : i1
    %convert_element_type3A = arith.extui %and3A : i1 to i32
    %cond3A = arith.constant 0 : i32
    %cond3A_11 = arith.cmpi ne, %convert_element_type3A, %cond3A : i32
    scf.if %cond3A_11 {
      %mul3A_27 = arith.constant 1000 : i32
      %mul3A_28 = arith.muli %arg1, %mul3A_27 : i32
      %mul3A_29 = arith.constant 1000 : i32
      %mul3A_30 = arith.muli %arg1, %mul3A_29 : i32
      "tpu.region"() ({
        %run_scoped3A = tpu.sem_alloc : memref<!tpu.dma_semaphore, #tpu.memory_space<semaphore_mem>>
        %dma_start3A = arith.constant 0 : i32
        %dma_start3A_31 = tpu.memref_slice %arg14[%mul3A_30, %dma_start3A] : memref<10000x64xf32, #tpu.memory_space<vmem_shared>> -> memref<1000x64xf32, #tpu.memory_space<vmem_shared>>
        %dma_start3A_32 = arith.constant 0 : i32
        %dma_start3A_33 = tpu.memref_slice %arg2[%mul3A_28, %dma_start3A_32] : memref<10000x64xf32, #tpu.memory_space<hbm>> -> memref<1000x64xf32, #tpu.memory_space<hbm>>
        tpu.enqueue_dma source(%dma_start3A_33 : memref<1000x64xf32, #tpu.memory_space<hbm>>) target(%dma_start3A_31 : memref<1000x64xf32, #tpu.memory_space<vmem_shared>>) target_semaphore(%run_scoped3A : memref<!tpu.dma_semaphore, #tpu.memory_space<semaphore_mem>>)
        %dma_wait3A = arith.constant 0 : i32
        %dma_wait3A_34 = tpu.memref_slice %arg14[%mul3A_30, %dma_wait3A] : memref<10000x64xf32, #tpu.memory_space<vmem_shared>> -> memref<1000x64xf32, #tpu.memory_space<vmem_shared>>
        %dma_wait3A_35 = arith.constant 0 : i32
        %dma_wait3A_36 = tpu.memref_slice %arg2[%mul3A_28, %dma_wait3A_35] : memref<10000x64xf32, #tpu.memory_space<hbm>> -> memref<1000x64xf32, #tpu.memory_space<hbm>>
        tpu.wait_dma2 semaphore(%run_scoped3A : memref<!tpu.dma_semaphore, #tpu.memory_space<semaphore_mem>>) src(%dma_wait3A_36 : memref<1000x64xf32, #tpu.memory_space<hbm>>) dst(%dma_wait3A_34 : memref<1000x64xf32, #tpu.memory_space<vmem_shared>>)
        tpu.yield
      }) : () -> ()
    } else {
    }
    %barrier3A = arith.constant 0 : index
    tpu.barrier barrier_id(%barrier3A)
    %eq3A_12 = arith.constant 0 : i32
    %eq3A_13 = arith.cmpi eq, %arg0, %eq3A_12 : i32
    %convert_element_type3A_14 = arith.extui %eq3A_13 : i1 to i32
    %cond3A_15 = arith.constant 0 : i32
    %cond3A_16 = arith.cmpi ne, %convert_element_type3A_14, %cond3A_15 : i32
    scf.if %cond3A_16 {
      %dma_start3A = arith.constant 0 : i32
      %dma_start3A_27 = arith.constant 0 : i32
      %dma_start3A_28 = tpu.memref_slice %arg7[%dma_start3A, %dma_start3A_27] : memref<48x128xi32, #tpu.memory_space<vmem>> -> memref<1x128xi32, #tpu.memory_space<vmem>>
      %dma_start3A_29 = tpu.memref_squeeze %dma_start3A_28 : memref<1x128xi32, #tpu.memory_space<vmem>> -> memref<128xi32, #tpu.memory_space<vmem>>
      %dma_start3A_30 = arith.constant 0 : i32
      %dma_start3A_31 = arith.constant 0 : i32
      %dma_start3A_32 = tpu.memref_slice %arg2[%dma_start3A_30, %dma_start3A_31] : memref<10000x64xf32, #tpu.memory_space<hbm>> -> memref<10000x64xf32, #tpu.memory_space<hbm>>
      tpu.enqueue_indirect_dma source(%dma_start3A_32 : memref<10000x64xf32, #tpu.memory_space<hbm>>) target(%arg9 : memref<128x64xf32, #tpu.memory_space<vmem>>) offsets(%dma_start3A_29 : memref<128xi32, #tpu.memory_space<vmem>>) semaphore(%arg12 : memref<!tpu.dma_semaphore, #tpu.memory_space<semaphore_mem>>)
      %scan3A = arith.constant 0 : i32
      %scan3A_33 = arith.constant 24 : i32
      %scan3A_34 = arith.addi %scan3A, %scan3A_33 : i32
      %scan3A_35 = arith.constant 1 : i32
      scf.for %scan3A_37 = %scan3A to %scan3A_34 step %scan3A_35  : i32 {
        %mul3A_38 = arith.constant 1 : i32
        %mul3A_39 = arith.muli %scan3A_37, %mul3A_38 : i32
        %add3A_40 = arith.constant 0 : i32
        %add3A_41 = arith.addi %add3A_40, %mul3A_39 : i32
        %mul3A_42 = arith.constant 2 : i32
        %mul3A_43 = arith.muli %mul3A_42, %add3A_41 : i32
        %add3A_44 = arith.constant 1 : i32
        %add3A_45 = arith.addi %mul3A_43, %add3A_44 : i32
        %dma_start3A_46 = arith.constant 0 : i32
        %dma_start3A_47 = tpu.memref_slice %arg7[%add3A_45, %dma_start3A_46] : memref<48x128xi32, #tpu.memory_space<vmem>> -> memref<1x128xi32, #tpu.memory_space<vmem>>
        %dma_start3A_48 = tpu.memref_squeeze %dma_start3A_47 : memref<1x128xi32, #tpu.memory_space<vmem>> -> memref<128xi32, #tpu.memory_space<vmem>>
        %dma_start3A_49 = arith.constant 0 : i32
        %dma_start3A_50 = arith.constant 0 : i32
        %dma_start3A_51 = tpu.memref_slice %arg2[%dma_start3A_49, %dma_start3A_50] : memref<10000x64xf32, #tpu.memory_space<hbm>> -> memref<10000x64xf32, #tpu.memory_space<hbm>>
        tpu.enqueue_indirect_dma source(%dma_start3A_51 : memref<10000x64xf32, #tpu.memory_space<hbm>>) target(%arg10 : memref<128x64xf32, #tpu.memory_space<vmem>>) offsets(%dma_start3A_48 : memref<128xi32, #tpu.memory_space<vmem>>) semaphore(%arg13 : memref<!tpu.dma_semaphore, #tpu.memory_space<semaphore_mem>>)
        %dma_wait3A = arith.constant 0 : i32
        %dma_wait3A_52 = tpu.memref_slice %arg7[%mul3A_43, %dma_wait3A] : memref<48x128xi32, #tpu.memory_space<vmem>> -> memref<1x128xi32, #tpu.memory_space<vmem>>
        %dma_wait3A_53 = tpu.memref_squeeze %dma_wait3A_52 : memref<1x128xi32, #tpu.memory_space<vmem>> -> memref<128xi32, #tpu.memory_space<vmem>>
        %dma_wait3A_54 = arith.constant 0 : i32
        %dma_wait3A_55 = arith.constant 0 : i32
        %dma_wait3A_56 = tpu.memref_slice %arg2[%dma_wait3A_54, %dma_wait3A_55] : memref<10000x64xf32, #tpu.memory_space<hbm>> -> memref<10000x64xf32, #tpu.memory_space<hbm>>
        tpu.wait_indirect_dma semaphore(%arg12 : memref<!tpu.dma_semaphore, #tpu.memory_space<semaphore_mem>>) src(%dma_wait3A_56 : memref<10000x64xf32, #tpu.memory_space<hbm>>) dst(%arg9 : memref<128x64xf32, #tpu.memory_space<vmem>>)
        "tpu.region"() ({
          %run_scoped3A = tpu.sem_alloc : memref<!tpu.dma_semaphore, #tpu.memory_space<semaphore_mem>>
          %dma_start3A_72 = arith.constant 0 : i32
          %dma_start3A_73 = tpu.memref_slice %arg8[%mul3A_43, %dma_start3A_72] : memref<48x128xi32, #tpu.memory_space<vmem>> -> memref<1x128xi32, #tpu.memory_space<vmem>>
          %dma_start3A_74 = tpu.memref_squeeze %dma_start3A_73 : memref<1x128xi32, #tpu.memory_space<vmem>> -> memref<128xi32, #tpu.memory_space<vmem>>
          %dma_start3A_75 = arith.constant 0 : i32
          %dma_start3A_76 = arith.constant 0 : i32
          %dma_start3A_77 = tpu.memref_slice %arg11[%dma_start3A_75, %dma_start3A_76] : memref<10112x64xf32, #tpu.memory_space<vmem_shared>> -> memref<10112x64xf32, #tpu.memory_space<vmem_shared>>
          tpu.enqueue_indirect_dma source(%arg9 : memref<128x64xf32, #tpu.memory_space<vmem>>) target(%dma_start3A_77 : memref<10112x64xf32, #tpu.memory_space<vmem_shared>>) offsets(%dma_start3A_74 : memref<128xi32, #tpu.memory_space<vmem>>) semaphore(%run_scoped3A : memref<!tpu.dma_semaphore, #tpu.memory_space<semaphore_mem>>) {add = true}
          %dma_wait3A_78 = arith.constant 0 : i32
          %dma_wait3A_79 = tpu.memref_slice %arg8[%mul3A_43, %dma_wait3A_78] : memref<48x128xi32, #tpu.memory_space<vmem>> -> memref<1x128xi32, #tpu.memory_space<vmem>>
          %dma_wait3A_80 = tpu.memref_squeeze %dma_wait3A_79 : memref<1x128xi32, #tpu.memory_space<vmem>> -> memref<128xi32, #tpu.memory_space<vmem>>
          %dma_wait3A_81 = arith.constant 0 : i32
          %dma_wait3A_82 = arith.constant 0 : i32
          %dma_wait3A_83 = tpu.memref_slice %arg11[%dma_wait3A_81, %dma_wait3A_82] : memref<10112x64xf32, #tpu.memory_space<vmem_shared>> -> memref<10112x64xf32, #tpu.memory_space<vmem_shared>>
          tpu.wait_indirect_dma semaphore(%run_scoped3A : memref<!tpu.dma_semaphore, #tpu.memory_space<semaphore_mem>>) src(%arg9 : memref<128x64xf32, #tpu.memory_space<vmem>>) dst(%dma_wait3A_83 : memref<10112x64xf32, #tpu.memory_space<vmem_shared>>)
          tpu.yield
        }) : () -> ()
        %lt3A_57 = arith.constant 23 : i32
        %lt3A_58 = arith.cmpi slt, %add3A_41, %lt3A_57 : i32
        %convert_element_type3A_59 = arith.extui %lt3A_58 : i1 to i32
        %cond3A_60 = arith.constant 0 : i32
        %cond3A_61 = arith.cmpi ne, %convert_element_type3A_59, %cond3A_60 : i32
        scf.if %cond3A_61 {
          %add3A_72 = arith.constant 2 : i32
          %add3A_73 = arith.addi %mul3A_43, %add3A_72 : i32
          %dma_start3A_74 = arith.constant 0 : i32
          %dma_start3A_75 = tpu.memref_slice %arg7[%add3A_73, %dma_start3A_74] : memref<48x128xi32, #tpu.memory_space<vmem>> -> memref<1x128xi32, #tpu.memory_space<vmem>>
          %dma_start3A_76 = tpu.memref_squeeze %dma_start3A_75 : memref<1x128xi32, #tpu.memory_space<vmem>> -> memref<128xi32, #tpu.memory_space<vmem>>
          %dma_start3A_77 = arith.constant 0 : i32
          %dma_start3A_78 = arith.constant 0 : i32
          %dma_start3A_79 = tpu.memref_slice %arg2[%dma_start3A_77, %dma_start3A_78] : memref<10000x64xf32, #tpu.memory_space<hbm>> -> memref<10000x64xf32, #tpu.memory_space<hbm>>
          tpu.enqueue_indirect_dma source(%dma_start3A_79 : memref<10000x64xf32, #tpu.memory_space<hbm>>) target(%arg9 : memref<128x64xf32, #tpu.memory_space<vmem>>) offsets(%dma_start3A_76 : memref<128xi32, #tpu.memory_space<vmem>>) semaphore(%arg12 : memref<!tpu.dma_semaphore, #tpu.memory_space<semaphore_mem>>)
        } else {
        }
        %add3A_62 = arith.constant 1 : i32
        %add3A_63 = arith.addi %mul3A_43, %add3A_62 : i32
        %dma_wait3A_64 = arith.constant 0 : i32
        %dma_wait3A_65 = tpu.memref_slice %arg7[%add3A_63, %dma_wait3A_64] : memref<48x128xi32, #tpu.memory_space<vmem>> -> memref<1x128xi32, #tpu.memory_space<vmem>>
        %dma_wait3A_66 = tpu.memref_squeeze %dma_wait3A_65 : memref<1x128xi32, #tpu.memory_space<vmem>> -> memref<128xi32, #tpu.memory_space<vmem>>
        %dma_wait3A_67 = arith.constant 0 : i32
        %dma_wait3A_68 = arith.constant 0 : i32
        %dma_wait3A_69 = tpu.memref_slice %arg2[%dma_wait3A_67, %dma_wait3A_68] : memref<10000x64xf32, #tpu.memory_space<hbm>> -> memref<10000x64xf32, #tpu.memory_space<hbm>>
        tpu.wait_indirect_dma semaphore(%arg13 : memref<!tpu.dma_semaphore, #tpu.memory_space<semaphore_mem>>) src(%dma_wait3A_69 : memref<10000x64xf32, #tpu.memory_space<hbm>>) dst(%arg10 : memref<128x64xf32, #tpu.memory_space<vmem>>)
        %add3A_70 = arith.constant 1 : i32
        %add3A_71 = arith.addi %mul3A_43, %add3A_70 : i32
        "tpu.region"() ({
          %run_scoped3A = tpu.sem_alloc : memref<!tpu.dma_semaphore, #tpu.memory_space<semaphore_mem>>
          %dma_start3A_72 = arith.constant 0 : i32
          %dma_start3A_73 = tpu.memref_slice %arg8[%add3A_71, %dma_start3A_72] : memref<48x128xi32, #tpu.memory_space<vmem>> -> memref<1x128xi32, #tpu.memory_space<vmem>>
          %dma_start3A_74 = tpu.memref_squeeze %dma_start3A_73 : memref<1x128xi32, #tpu.memory_space<vmem>> -> memref<128xi32, #tpu.memory_space<vmem>>
          %dma_start3A_75 = arith.constant 0 : i32
          %dma_start3A_76 = arith.constant 0 : i32
          %dma_start3A_77 = tpu.memref_slice %arg11[%dma_start3A_75, %dma_start3A_76] : memref<10112x64xf32, #tpu.memory_space<vmem_shared>> -> memref<10112x64xf32, #tpu.memory_space<vmem_shared>>
          tpu.enqueue_indirect_dma source(%arg10 : memref<128x64xf32, #tpu.memory_space<vmem>>) target(%dma_start3A_77 : memref<10112x64xf32, #tpu.memory_space<vmem_shared>>) offsets(%dma_start3A_74 : memref<128xi32, #tpu.memory_space<vmem>>) semaphore(%run_scoped3A : memref<!tpu.dma_semaphore, #tpu.memory_space<semaphore_mem>>) {add = true}
          %dma_wait3A_78 = arith.constant 0 : i32
          %dma_wait3A_79 = tpu.memref_slice %arg8[%add3A_71, %dma_wait3A_78] : memref<48x128xi32, #tpu.memory_space<vmem>> -> memref<1x128xi32, #tpu.memory_space<vmem>>
          %dma_wait3A_80 = tpu.memref_squeeze %dma_wait3A_79 : memref<1x128xi32, #tpu.memory_space<vmem>> -> memref<128xi32, #tpu.memory_space<vmem>>
          %dma_wait3A_81 = arith.constant 0 : i32
          %dma_wait3A_82 = arith.constant 0 : i32
          %dma_wait3A_83 = tpu.memref_slice %arg11[%dma_wait3A_81, %dma_wait3A_82] : memref<10112x64xf32, #tpu.memory_space<vmem_shared>> -> memref<10112x64xf32, #tpu.memory_space<vmem_shared>>
          tpu.wait_indirect_dma semaphore(%run_scoped3A : memref<!tpu.dma_semaphore, #tpu.memory_space<semaphore_mem>>) src(%arg10 : memref<128x64xf32, #tpu.memory_space<vmem>>) dst(%dma_wait3A_83 : memref<10112x64xf32, #tpu.memory_space<vmem_shared>>)
          tpu.yield
        }) : () -> ()
      }
      %scan3A_36 = arith.constant 24 : i32
    } else {
    }
    %eq3A_17 = arith.constant 1 : i32
    %eq3A_18 = arith.cmpi eq, %arg0, %eq3A_17 : i32
    %convert_element_type3A_19 = arith.extui %eq3A_18 : i1 to i32
    %cond3A_20 = arith.constant 0 : i32
    %cond3A_21 = arith.cmpi ne, %convert_element_type3A_19, %cond3A_20 : i32
    scf.if %cond3A_21 {
      %dma_start3A = arith.constant 0 : i32
      %dma_start3A_27 = arith.constant 0 : i32
      %dma_start3A_28 = tpu.memref_slice %arg7[%dma_start3A, %dma_start3A_27] : memref<48x128xi32, #tpu.memory_space<vmem>> -> memref<1x128xi32, #tpu.memory_space<vmem>>
      %dma_start3A_29 = tpu.memref_squeeze %dma_start3A_28 : memref<1x128xi32, #tpu.memory_space<vmem>> -> memref<128xi32, #tpu.memory_space<vmem>>
      %dma_start3A_30 = arith.constant 0 : i32
      %dma_start3A_31 = arith.constant 0 : i32
      %dma_start3A_32 = tpu.memref_slice %arg14[%dma_start3A_30, %dma_start3A_31] : memref<10000x64xf32, #tpu.memory_space<vmem_shared>> -> memref<10000x64xf32, #tpu.memory_space<vmem_shared>>
      tpu.enqueue_indirect_dma source(%dma_start3A_32 : memref<10000x64xf32, #tpu.memory_space<vmem_shared>>) target(%arg9 : memref<128x64xf32, #tpu.memory_space<vmem>>) offsets(%dma_start3A_29 : memref<128xi32, #tpu.memory_space<vmem>>) semaphore(%arg12 : memref<!tpu.dma_semaphore, #tpu.memory_space<semaphore_mem>>)
      %scan3A = arith.constant 0 : i32
      %scan3A_33 = arith.constant 16 : i32
      %scan3A_34 = arith.addi %scan3A, %scan3A_33 : i32
      %scan3A_35 = arith.constant 1 : i32
      scf.for %scan3A_37 = %scan3A to %scan3A_34 step %scan3A_35  : i32 {
        %mul3A_38 = arith.constant 1 : i32
        %mul3A_39 = arith.muli %scan3A_37, %mul3A_38 : i32
        %add3A_40 = arith.constant 0 : i32
        %add3A_41 = arith.addi %add3A_40, %mul3A_39 : i32
        %mul3A_42 = arith.constant 2 : i32
        %mul3A_43 = arith.muli %mul3A_42, %add3A_41 : i32
        %add3A_44 = arith.constant 1 : i32
        %add3A_45 = arith.addi %mul3A_43, %add3A_44 : i32
        %dma_start3A_46 = arith.constant 0 : i32
        %dma_start3A_47 = tpu.memref_slice %arg7[%add3A_45, %dma_start3A_46] : memref<48x128xi32, #tpu.memory_space<vmem>> -> memref<1x128xi32, #tpu.memory_space<vmem>>
        %dma_start3A_48 = tpu.memref_squeeze %dma_start3A_47 : memref<1x128xi32, #tpu.memory_space<vmem>> -> memref<128xi32, #tpu.memory_space<vmem>>
        %dma_start3A_49 = arith.constant 0 : i32
        %dma_start3A_50 = arith.constant 0 : i32
        %dma_start3A_51 = tpu.memref_slice %arg14[%dma_start3A_49, %dma_start3A_50] : memref<10000x64xf32, #tpu.memory_space<vmem_shared>> -> memref<10000x64xf32, #tpu.memory_space<vmem_shared>>
        tpu.enqueue_indirect_dma source(%dma_start3A_51 : memref<10000x64xf32, #tpu.memory_space<vmem_shared>>) target(%arg10 : memref<128x64xf32, #tpu.memory_space<vmem>>) offsets(%dma_start3A_48 : memref<128xi32, #tpu.memory_space<vmem>>) semaphore(%arg13 : memref<!tpu.dma_semaphore, #tpu.memory_space<semaphore_mem>>)
        %dma_wait3A = arith.constant 0 : i32
        %dma_wait3A_52 = tpu.memref_slice %arg7[%mul3A_43, %dma_wait3A] : memref<48x128xi32, #tpu.memory_space<vmem>> -> memref<1x128xi32, #tpu.memory_space<vmem>>
        %dma_wait3A_53 = tpu.memref_squeeze %dma_wait3A_52 : memref<1x128xi32, #tpu.memory_space<vmem>> -> memref<128xi32, #tpu.memory_space<vmem>>
        %dma_wait3A_54 = arith.constant 0 : i32
        %dma_wait3A_55 = arith.constant 0 : i32
        %dma_wait3A_56 = tpu.memref_slice %arg14[%dma_wait3A_54, %dma_wait3A_55] : memref<10000x64xf32, #tpu.memory_space<vmem_shared>> -> memref<10000x64xf32, #tpu.memory_space<vmem_shared>>
        tpu.wait_indirect_dma semaphore(%arg12 : memref<!tpu.dma_semaphore, #tpu.memory_space<semaphore_mem>>) src(%dma_wait3A_56 : memref<10000x64xf32, #tpu.memory_space<vmem_shared>>) dst(%arg9 : memref<128x64xf32, #tpu.memory_space<vmem>>)
        "tpu.region"() ({
          %run_scoped3A = tpu.sem_alloc : memref<!tpu.dma_semaphore, #tpu.memory_space<semaphore_mem>>
          %dma_start3A_72 = arith.constant 0 : i32
          %dma_start3A_73 = tpu.memref_slice %arg8[%mul3A_43, %dma_start3A_72] : memref<48x128xi32, #tpu.memory_space<vmem>> -> memref<1x128xi32, #tpu.memory_space<vmem>>
          %dma_start3A_74 = tpu.memref_squeeze %dma_start3A_73 : memref<1x128xi32, #tpu.memory_space<vmem>> -> memref<128xi32, #tpu.memory_space<vmem>>
          %dma_start3A_75 = arith.constant 0 : i32
          %dma_start3A_76 = arith.constant 0 : i32
          %dma_start3A_77 = tpu.memref_slice %arg11[%dma_start3A_75, %dma_start3A_76] : memref<10112x64xf32, #tpu.memory_space<vmem_shared>> -> memref<10112x64xf32, #tpu.memory_space<vmem_shared>>
          tpu.enqueue_indirect_dma source(%arg9 : memref<128x64xf32, #tpu.memory_space<vmem>>) target(%dma_start3A_77 : memref<10112x64xf32, #tpu.memory_space<vmem_shared>>) offsets(%dma_start3A_74 : memref<128xi32, #tpu.memory_space<vmem>>) semaphore(%run_scoped3A : memref<!tpu.dma_semaphore, #tpu.memory_space<semaphore_mem>>) {add = true}
          %dma_wait3A_78 = arith.constant 0 : i32
          %dma_wait3A_79 = tpu.memref_slice %arg8[%mul3A_43, %dma_wait3A_78] : memref<48x128xi32, #tpu.memory_space<vmem>> -> memref<1x128xi32, #tpu.memory_space<vmem>>
          %dma_wait3A_80 = tpu.memref_squeeze %dma_wait3A_79 : memref<1x128xi32, #tpu.memory_space<vmem>> -> memref<128xi32, #tpu.memory_space<vmem>>
          %dma_wait3A_81 = arith.constant 0 : i32
          %dma_wait3A_82 = arith.constant 0 : i32
          %dma_wait3A_83 = tpu.memref_slice %arg11[%dma_wait3A_81, %dma_wait3A_82] : memref<10112x64xf32, #tpu.memory_space<vmem_shared>> -> memref<10112x64xf32, #tpu.memory_space<vmem_shared>>
          tpu.wait_indirect_dma semaphore(%run_scoped3A : memref<!tpu.dma_semaphore, #tpu.memory_space<semaphore_mem>>) src(%arg9 : memref<128x64xf32, #tpu.memory_space<vmem>>) dst(%dma_wait3A_83 : memref<10112x64xf32, #tpu.memory_space<vmem_shared>>)
          tpu.yield
        }) : () -> ()
        %lt3A_57 = arith.constant 15 : i32
        %lt3A_58 = arith.cmpi slt, %add3A_41, %lt3A_57 : i32
        %convert_element_type3A_59 = arith.extui %lt3A_58 : i1 to i32
        %cond3A_60 = arith.constant 0 : i32
        %cond3A_61 = arith.cmpi ne, %convert_element_type3A_59, %cond3A_60 : i32
        scf.if %cond3A_61 {
          %add3A_72 = arith.constant 2 : i32
          %add3A_73 = arith.addi %mul3A_43, %add3A_72 : i32
          %dma_start3A_74 = arith.constant 0 : i32
          %dma_start3A_75 = tpu.memref_slice %arg7[%add3A_73, %dma_start3A_74] : memref<48x128xi32, #tpu.memory_space<vmem>> -> memref<1x128xi32, #tpu.memory_space<vmem>>
          %dma_start3A_76 = tpu.memref_squeeze %dma_start3A_75 : memref<1x128xi32, #tpu.memory_space<vmem>> -> memref<128xi32, #tpu.memory_space<vmem>>
          %dma_start3A_77 = arith.constant 0 : i32
          %dma_start3A_78 = arith.constant 0 : i32
          %dma_start3A_79 = tpu.memref_slice %arg14[%dma_start3A_77, %dma_start3A_78] : memref<10000x64xf32, #tpu.memory_space<vmem_shared>> -> memref<10000x64xf32, #tpu.memory_space<vmem_shared>>
          tpu.enqueue_indirect_dma source(%dma_start3A_79 : memref<10000x64xf32, #tpu.memory_space<vmem_shared>>) target(%arg9 : memref<128x64xf32, #tpu.memory_space<vmem>>) offsets(%dma_start3A_76 : memref<128xi32, #tpu.memory_space<vmem>>) semaphore(%arg12 : memref<!tpu.dma_semaphore, #tpu.memory_space<semaphore_mem>>)
        } else {
        }
        %add3A_62 = arith.constant 1 : i32
        %add3A_63 = arith.addi %mul3A_43, %add3A_62 : i32
        %dma_wait3A_64 = arith.constant 0 : i32
        %dma_wait3A_65 = tpu.memref_slice %arg7[%add3A_63, %dma_wait3A_64] : memref<48x128xi32, #tpu.memory_space<vmem>> -> memref<1x128xi32, #tpu.memory_space<vmem>>
        %dma_wait3A_66 = tpu.memref_squeeze %dma_wait3A_65 : memref<1x128xi32, #tpu.memory_space<vmem>> -> memref<128xi32, #tpu.memory_space<vmem>>
        %dma_wait3A_67 = arith.constant 0 : i32
        %dma_wait3A_68 = arith.constant 0 : i32
        %dma_wait3A_69 = tpu.memref_slice %arg14[%dma_wait3A_67, %dma_wait3A_68] : memref<10000x64xf32, #tpu.memory_space<vmem_shared>> -> memref<10000x64xf32, #tpu.memory_space<vmem_shared>>
        tpu.wait_indirect_dma semaphore(%arg13 : memref<!tpu.dma_semaphore, #tpu.memory_space<semaphore_mem>>) src(%dma_wait3A_69 : memref<10000x64xf32, #tpu.memory_space<vmem_shared>>) dst(%arg10 : memref<128x64xf32, #tpu.memory_space<vmem>>)
        %add3A_70 = arith.constant 1 : i32
        %add3A_71 = arith.addi %mul3A_43, %add3A_70 : i32
        "tpu.region"() ({
          %run_scoped3A = tpu.sem_alloc : memref<!tpu.dma_semaphore, #tpu.memory_space<semaphore_mem>>
          %dma_start3A_72 = arith.constant 0 : i32
          %dma_start3A_73 = tpu.memref_slice %arg8[%add3A_71, %dma_start3A_72] : memref<48x128xi32, #tpu.memory_space<vmem>> -> memref<1x128xi32, #tpu.memory_space<vmem>>
          %dma_start3A_74 = tpu.memref_squeeze %dma_start3A_73 : memref<1x128xi32, #tpu.memory_space<vmem>> -> memref<128xi32, #tpu.memory_space<vmem>>
          %dma_start3A_75 = arith.constant 0 : i32
          %dma_start3A_76 = arith.constant 0 : i32
          %dma_start3A_77 = tpu.memref_slice %arg11[%dma_start3A_75, %dma_start3A_76] : memref<10112x64xf32, #tpu.memory_space<vmem_shared>> -> memref<10112x64xf32, #tpu.memory_space<vmem_shared>>
          tpu.enqueue_indirect_dma source(%arg10 : memref<128x64xf32, #tpu.memory_space<vmem>>) target(%dma_start3A_77 : memref<10112x64xf32, #tpu.memory_space<vmem_shared>>) offsets(%dma_start3A_74 : memref<128xi32, #tpu.memory_space<vmem>>) semaphore(%run_scoped3A : memref<!tpu.dma_semaphore, #tpu.memory_space<semaphore_mem>>) {add = true}
          %dma_wait3A_78 = arith.constant 0 : i32
          %dma_wait3A_79 = tpu.memref_slice %arg8[%add3A_71, %dma_wait3A_78] : memref<48x128xi32, #tpu.memory_space<vmem>> -> memref<1x128xi32, #tpu.memory_space<vmem>>
          %dma_wait3A_80 = tpu.memref_squeeze %dma_wait3A_79 : memref<1x128xi32, #tpu.memory_space<vmem>> -> memref<128xi32, #tpu.memory_space<vmem>>
          %dma_wait3A_81 = arith.constant 0 : i32
          %dma_wait3A_82 = arith.constant 0 : i32
          %dma_wait3A_83 = tpu.memref_slice %arg11[%dma_wait3A_81, %dma_wait3A_82] : memref<10112x64xf32, #tpu.memory_space<vmem_shared>> -> memref<10112x64xf32, #tpu.memory_space<vmem_shared>>
          tpu.wait_indirect_dma semaphore(%run_scoped3A : memref<!tpu.dma_semaphore, #tpu.memory_space<semaphore_mem>>) src(%arg10 : memref<128x64xf32, #tpu.memory_space<vmem>>) dst(%dma_wait3A_83 : memref<10112x64xf32, #tpu.memory_space<vmem_shared>>)
          tpu.yield
        }) : () -> ()
      }
      %scan3A_36 = arith.constant 16 : i32
    } else {
    }
    %barrier3A_22 = arith.constant 0 : index
    tpu.barrier barrier_id(%barrier3A_22)
    %mul3A_23 = arith.constant 632 : i32
    %mul3A_24 = arith.muli %arg1, %mul3A_23 : i32
    %mul3A_25 = arith.constant 632 : i32
    %mul3A_26 = arith.muli %arg1, %mul3A_25 : i32
    "tpu.region"() ({
      %run_scoped3A = tpu.sem_alloc : memref<!tpu.dma_semaphore, #tpu.memory_space<semaphore_mem>>
      %dma_start3A = arith.constant 0 : i32
      %dma_start3A_27 = tpu.memref_slice %arg6[%arg0, %mul3A_26, %dma_start3A] : memref<2x10112x64xf32, #tpu.memory_space<hbm>> -> memref<1x632x64xf32, #tpu.memory_space<hbm>>
      %dma_start3A_28 = tpu.memref_squeeze %dma_start3A_27 : memref<1x632x64xf32, #tpu.memory_space<hbm>> -> memref<632x64xf32, #tpu.memory_space<hbm>>
      %dma_start3A_29 = arith.constant 0 : i32
      %dma_start3A_30 = tpu.memref_slice %arg11[%mul3A_24, %dma_start3A_29] : memref<10112x64xf32, #tpu.memory_space<vmem_shared>> -> memref<632x64xf32, #tpu.memory_space<vmem_shared>>
      tpu.enqueue_dma source(%dma_start3A_30 : memref<632x64xf32, #tpu.memory_space<vmem_shared>>) target(%dma_start3A_28 : memref<632x64xf32, #tpu.memory_space<hbm>>) target_semaphore(%run_scoped3A : memref<!tpu.dma_semaphore, #tpu.memory_space<semaphore_mem>>)
      %dma_wait3A = arith.constant 0 : i32
      %dma_wait3A_31 = tpu.memref_slice %arg6[%arg0, %mul3A_26, %dma_wait3A] : memref<2x10112x64xf32, #tpu.memory_space<hbm>> -> memref<1x632x64xf32, #tpu.memory_space<hbm>>
      %dma_wait3A_32 = tpu.memref_squeeze %dma_wait3A_31 : memref<1x632x64xf32, #tpu.memory_space<hbm>> -> memref<632x64xf32, #tpu.memory_space<hbm>>
      %dma_wait3A_33 = arith.constant 0 : i32
      %dma_wait3A_34 = tpu.memref_slice %arg11[%mul3A_24, %dma_wait3A_33] : memref<10112x64xf32, #tpu.memory_space<vmem_shared>> -> memref<632x64xf32, #tpu.memory_space<vmem_shared>>
      tpu.wait_dma2 semaphore(%run_scoped3A : memref<!tpu.dma_semaphore, #tpu.memory_space<semaphore_mem>>) src(%dma_wait3A_34 : memref<632x64xf32, #tpu.memory_space<vmem_shared>>) dst(%dma_wait3A_32 : memref<632x64xf32, #tpu.memory_space<hbm>>)
      tpu.yield
    }) : () -> ()
    return
  }
}

module attributes {stable_mosaic.version = 14 : i64} {
  func.func @body(%arg0: i32, %arg1: memref<2000x256xf32, #tpu.memory_space<vmem>>, %arg2: memref<256x128xf32, #tpu.memory_space<vmem>>, %arg3: memref<2000x128xf32, #tpu.memory_space<vmem>>) attributes {dimension_semantics = [#tpu.dimension_semantics<arbitrary>], iteration_bounds = array<i64: 5>, scalar_prefetch = 0 : i64, scratch_operands = 0 : i64, tpu.core_type = #tpu.core_type<tc>, window_params = [{transform_indices = @transform_0, window_bounds = array<i64: 2000, 256>}, {pipeline_mode = #tpu.pipeline_mode<synchronous>, transform_indices = @transform_1, window_bounds = array<i64: 256, 128>}, {transform_indices = @transform_2, window_bounds = array<i64: 2000, 128>}]} {
    %get3A = arith.constant 0 : index
    %get3A_0 = arith.constant 0 : index
    %get3A_1 = vector.load %arg1[%get3A, %get3A_0] : memref<2000x256xf32, #tpu.memory_space<vmem>>, vector<2000x256xf32>
    %get3A_2 = arith.constant 0 : index
    %get3A_3 = arith.constant 0 : index
    %get3A_4 = vector.load %arg2[%get3A_2, %get3A_3] : memref<256x128xf32, #tpu.memory_space<vmem>>, vector<256x128xf32>
    %dot_general3A = arith.constant dense<0.000000e+00> : vector<2000x128xf32>
    %dot_general3A_5 = tpu.matmul %get3A_1, %get3A_4, %dot_general3A {dimension_numbers = #tpu.dot_dimension_numbers<[1], [0], [0], [1], [0, 0, 1, 1], [], []>, transpose_lhs_hint = false} : vector<2000x256xf32>, vector<256x128xf32>, vector<2000x128xf32> -> vector<2000x128xf32>
    %swap3A = arith.constant 0 : index
    %swap3A_6 = arith.constant 0 : index
    %swap3A_7 = vector.load %arg3[%swap3A, %swap3A_6] : memref<2000x128xf32, #tpu.memory_space<vmem>>, vector<2000x128xf32>
    tpu.vector_store %arg3[%swap3A, %swap3A_6], %dot_general3A_5 {strides = array<i32>} : memref<2000x128xf32, #tpu.memory_space<vmem>>, vector<2000x128xf32>,
    return
  }
  func.func @transform_0(%arg0: i32) -> (i32, i32) {
    %c0_i32 = arith.constant 0 : i32
    %c0_i32_0 = arith.constant 0 : i32
    return %arg0, %c0_i32 : i32, i32
  }
  func.func @transform_1(%arg0: i32) -> (i32, i32) {
    %c0_i32 = arith.constant 0 : i32
    %c0_i32_0 = arith.constant 0 : i32
    %c0_i32_1 = arith.constant 0 : i32
    return %c0_i32, %c0_i32_0 : i32, i32
  }
  func.func @transform_2(%arg0: i32) -> (i32, i32) {
    %c0_i32 = arith.constant 0 : i32
    %c0_i32_0 = arith.constant 0 : i32
    return %arg0, %c0_i32 : i32, i32
  }
}

module attributes {stable_mosaic.version = 14 : i64} {
  func.func @body(%arg0: i32, %arg1: memref<2000x128xf32, #tpu.memory_space<vmem>>, %arg2: memref<2x2000x16xf32, #tpu.memory_space<vmem>>, %arg3: memref<2000x64xf32, #tpu.memory_space<vmem>>, %arg4: memref<2000x64xf32, #tpu.memory_space<vmem>>, %arg5: memref<2000x16xf32, #tpu.memory_space<vmem>>) attributes {dimension_semantics = [#tpu.dimension_semantics<arbitrary>], iteration_bounds = array<i64: 5>, scalar_prefetch = 0 : i64, scratch_operands = 0 : i64, tpu.core_type = #tpu.core_type<tc>, window_params = [{transform_indices = @transform_0, window_bounds = array<i64: 2000, 128>}, {transform_indices = @transform_1, window_bounds = array<i64: 2, 2000, 16>}, {transform_indices = @transform_2, window_bounds = array<i64: 2000, 64>}, {transform_indices = @transform_3, window_bounds = array<i64: 2000, 64>}, {transform_indices = @transform_4, window_bounds = array<i64: 2000, 16>}]} {
    %get3A = arith.constant 0 : index
    %get3A_0 = arith.constant 0 : index
    %get3A_1 = arith.constant 0 : index
    %get3A_2 = vector.load %arg2[%get3A, %get3A_0, %get3A_1] : memref<2x2000x16xf32, #tpu.memory_space<vmem>>, vector<1x2000x16xf32>
    %get3A_3 = vector.shape_cast %get3A_2 : vector<1x2000x16xf32> to vector<2000x16xf32>
    %get3A_4 = arith.constant 1 : index
    %get3A_5 = arith.constant 0 : index
    %get3A_6 = arith.constant 0 : index
    %get3A_7 = vector.load %arg2[%get3A_4, %get3A_5, %get3A_6] : memref<2x2000x16xf32, #tpu.memory_space<vmem>>, vector<1x2000x16xf32>
    %get3A_8 = vector.shape_cast %get3A_7 : vector<1x2000x16xf32> to vector<2000x16xf32>
    %add3A = arith.addf %get3A_3, %get3A_8 : vector<2000x16xf32>
    %add3A_9 = arith.constant 1.000000e+00 : f32
    %add3A_10 = vector.broadcast %add3A_9 : f32 to vector<2000x16xf32>
    %add3A_11 = arith.addf %add3A, %add3A_10 : vector<2000x16xf32>
    %rsqrt3A = math.rsqrt %add3A_11 : vector<2000x16xf32>
    %swap3A = arith.constant 0 : index
    %swap3A_12 = arith.constant 0 : index
    %swap3A_13 = vector.load %arg5[%swap3A, %swap3A_12] : memref<2000x16xf32, #tpu.memory_space<vmem>>, vector<2000x16xf32>
    tpu.vector_store %arg5[%swap3A, %swap3A_12], %rsqrt3A {strides = array<i32>} : memref<2000x16xf32, #tpu.memory_space<vmem>>, vector<2000x16xf32>,
    %get3A_14 = arith.constant 0 : index
    %get3A_15 = arith.constant 0 : index
    %get3A_16 = vector.load %arg1[%get3A_14, %get3A_15] : memref<2000x128xf32, #tpu.memory_space<vmem>>, vector<2000x128xf32>
    %slice3A = vector.extract_strided_slice %rsqrt3A {offsets = [0, 0], sizes = [2000, 1], strides = [1, 1]} : vector<2000x16xf32> to vector<2000x1xf32>
    %mul3A = vector.broadcast %slice3A : vector<2000x1xf32> to vector<2000x128xf32>
    %mul3A_17 = arith.mulf %get3A_16, %mul3A : vector<2000x128xf32>
    %slice3A_18 = vector.extract_strided_slice %mul3A_17 {offsets = [0, 0], sizes = [2000, 64], strides = [1, 1]} : vector<2000x128xf32> to vector<2000x64xf32>
    %swap3A_19 = arith.constant 0 : index
    %swap3A_20 = arith.constant 0 : index
    %swap3A_21 = vector.load %arg3[%swap3A_19, %swap3A_20] : memref<2000x64xf32, #tpu.memory_space<vmem>>, vector<2000x64xf32>
    tpu.vector_store %arg3[%swap3A_19, %swap3A_20], %slice3A_18 {strides = array<i32>} : memref<2000x64xf32, #tpu.memory_space<vmem>>, vector<2000x64xf32>,
    %slice3A_22 = vector.extract_strided_slice %mul3A_17 {offsets = [0, 64], sizes = [2000, 64], strides = [1, 1]} : vector<2000x128xf32> to vector<2000x64xf32>
    %swap3A_23 = arith.constant 0 : index
    %swap3A_24 = arith.constant 0 : index
    %swap3A_25 = vector.load %arg4[%swap3A_23, %swap3A_24] : memref<2000x64xf32, #tpu.memory_space<vmem>>, vector<2000x64xf32>
    tpu.vector_store %arg4[%swap3A_23, %swap3A_24], %slice3A_22 {strides = array<i32>} : memref<2000x64xf32, #tpu.memory_space<vmem>>, vector<2000x64xf32>,
    return
  }
  func.func @transform_0(%arg0: i32) -> (i32, i32) {
    %c0_i32 = arith.constant 0 : i32
    %c0_i32_0 = arith.constant 0 : i32
    return %arg0, %c0_i32 : i32, i32
  }
  func.func @transform_1(%arg0: i32) -> (i32, i32, i32) {
    %c0_i32 = arith.constant 0 : i32
    %c0_i32_0 = arith.constant 0 : i32
    %c0_i32_1 = arith.constant 0 : i32
    return %c0_i32, %arg0, %c0_i32_0 : i32, i32, i32
  }
  func.func @transform_2(%arg0: i32) -> (i32, i32) {
    %c0_i32 = arith.constant 0 : i32
    %c0_i32_0 = arith.constant 0 : i32
    return %arg0, %c0_i32 : i32, i32
  }
  func.func @transform_3(%arg0: i32) -> (i32, i32) {
    %c0_i32 = arith.constant 0 : i32
    %c0_i32_0 = arith.constant 0 : i32
    return %arg0, %c0_i32 : i32, i32
  }
  func.func @transform_4(%arg0: i32) -> (i32, i32) {
    %c0_i32 = arith.constant 0 : i32
    %c0_i32_0 = arith.constant 0 : i32
    return %arg0, %c0_i32 : i32, i32
  }
}

module attributes {stable_mosaic.version = 14 : i64} {
  func.func @body(%arg0: i32, %arg1: memref<2x2000x64xf32, #tpu.memory_space<vmem>>, %arg2: memref<2x2000x64xf32, #tpu.memory_space<vmem>>, %arg3: memref<2000x64xf32, #tpu.memory_space<vmem>>, %arg4: memref<2000x64xf32, #tpu.memory_space<vmem>>, %arg5: memref<2000x16xf32, #tpu.memory_space<vmem>>, %arg6: memref<1x64xf32, #tpu.memory_space<vmem>>, %arg7: memref<1x64xf32, #tpu.memory_space<vmem>>, %arg8: memref<64x64xf32, #tpu.memory_space<vmem>>, %arg9: memref<64x64xf32, #tpu.memory_space<vmem>>, %arg10: memref<2000x64xf32, #tpu.memory_space<vmem>>) attributes {dimension_semantics = [#tpu.dimension_semantics<arbitrary>], iteration_bounds = array<i64: 5>, scalar_prefetch = 0 : i64, scratch_operands = 0 : i64, tpu.core_type = #tpu.core_type<tc>, window_params = [{transform_indices = @transform_0, window_bounds = array<i64: 2, 2000, 64>}, {transform_indices = @transform_1, window_bounds = array<i64: 2, 2000, 64>}, {transform_indices = @transform_2, window_bounds = array<i64: 2000, 64>}, {transform_indices = @transform_3, window_bounds = array<i64: 2000, 64>}, {transform_indices = @transform_4, window_bounds = array<i64: 2000, 16>}, {pipeline_mode = #tpu.pipeline_mode<synchronous>, transform_indices = @transform_5, window_bounds = array<i64: 1, 64>}, {pipeline_mode = #tpu.pipeline_mode<synchronous>, transform_indices = @transform_6, window_bounds = array<i64: 1, 64>}, {pipeline_mode = #tpu.pipeline_mode<synchronous>, transform_indices = @transform_7, window_bounds = array<i64: 64, 64>}, {pipeline_mode = #tpu.pipeline_mode<synchronous>, transform_indices = @transform_8, window_bounds = array<i64: 64, 64>}, {transform_indices = @transform_9, window_bounds = array<i64: 2000, 64>}]} {
    %get3A = arith.constant 0 : index
    %get3A_0 = arith.constant 0 : index
    %get3A_1 = vector.load %arg5[%get3A, %get3A_0] : memref<2000x16xf32, #tpu.memory_space<vmem>>, vector<2000x1xf32>
    %get3A_2 = arith.constant 0 : index
    %get3A_3 = arith.constant 0 : index
    %get3A_4 = arith.constant 0 : index
    %get3A_5 = vector.load %arg1[%get3A_2, %get3A_3, %get3A_4] : memref<2x2000x64xf32, #tpu.memory_space<vmem>>, vector<1x2000x64xf32>
    %get3A_6 = vector.shape_cast %get3A_5 : vector<1x2000x64xf32> to vector<2000x64xf32>
    %get3A_7 = arith.constant 1 : index
    %get3A_8 = arith.constant 0 : index
    %get3A_9 = arith.constant 0 : index
    %get3A_10 = vector.load %arg1[%get3A_7, %get3A_8, %get3A_9] : memref<2x2000x64xf32, #tpu.memory_space<vmem>>, vector<1x2000x64xf32>
    %get3A_11 = vector.shape_cast %get3A_10 : vector<1x2000x64xf32> to vector<2000x64xf32>
    %add3A = arith.addf %get3A_6, %get3A_11 : vector<2000x64xf32>
    %get3A_12 = arith.constant 0 : index
    %get3A_13 = arith.constant 0 : index
    %get3A_14 = vector.load %arg3[%get3A_12, %get3A_13] : memref<2000x64xf32, #tpu.memory_space<vmem>>, vector<2000x64xf32>
    %add3A_15 = arith.addf %add3A, %get3A_14 : vector<2000x64xf32>
    %mul3A = vector.broadcast %get3A_1 : vector<2000x1xf32> to vector<2000x64xf32>
    %mul3A_16 = arith.mulf %mul3A, %add3A_15 : vector<2000x64xf32>
    %get3A_17 = arith.constant 0 : index
    %get3A_18 = arith.constant 0 : index
    %get3A_19 = vector.load %arg6[%get3A_17, %get3A_18] : memref<1x64xf32, #tpu.memory_space<vmem>>, vector<1x64xf32>
    %add3A_20 = vector.broadcast %get3A_19 : vector<1x64xf32> to vector<2000x64xf32>
    %add3A_21 = arith.addf %mul3A_16, %add3A_20 : vector<2000x64xf32>
    %max3A = arith.constant 0.000000e+00 : f32
    %max3A_22 = vector.broadcast %max3A : f32 to vector<2000x64xf32>
    %max3A_23 = arith.maximumf %add3A_21, %max3A_22 : vector<2000x64xf32>
    %get3A_24 = arith.constant 0 : index
    %get3A_25 = arith.constant 0 : index
    %get3A_26 = arith.constant 0 : index
    %get3A_27 = vector.load %arg2[%get3A_24, %get3A_25, %get3A_26] : memref<2x2000x64xf32, #tpu.memory_space<vmem>>, vector<1x2000x64xf32>
    %get3A_28 = vector.shape_cast %get3A_27 : vector<1x2000x64xf32> to vector<2000x64xf32>
    %get3A_29 = arith.constant 1 : index
    %get3A_30 = arith.constant 0 : index
    %get3A_31 = arith.constant 0 : index
    %get3A_32 = vector.load %arg2[%get3A_29, %get3A_30, %get3A_31] : memref<2x2000x64xf32, #tpu.memory_space<vmem>>, vector<1x2000x64xf32>
    %get3A_33 = vector.shape_cast %get3A_32 : vector<1x2000x64xf32> to vector<2000x64xf32>
    %add3A_34 = arith.addf %get3A_28, %get3A_33 : vector<2000x64xf32>
    %get3A_35 = arith.constant 0 : index
    %get3A_36 = arith.constant 0 : index
    %get3A_37 = vector.load %arg4[%get3A_35, %get3A_36] : memref<2000x64xf32, #tpu.memory_space<vmem>>, vector<2000x64xf32>
    %add3A_38 = arith.addf %add3A_34, %get3A_37 : vector<2000x64xf32>
    %mul3A_39 = vector.broadcast %get3A_1 : vector<2000x1xf32> to vector<2000x64xf32>
    %mul3A_40 = arith.mulf %mul3A_39, %add3A_38 : vector<2000x64xf32>
    %get3A_41 = arith.constant 0 : index
    %get3A_42 = arith.constant 0 : index
    %get3A_43 = vector.load %arg7[%get3A_41, %get3A_42] : memref<1x64xf32, #tpu.memory_space<vmem>>, vector<1x64xf32>
    %add3A_44 = vector.broadcast %get3A_43 : vector<1x64xf32> to vector<2000x64xf32>
    %add3A_45 = arith.addf %mul3A_40, %add3A_44 : vector<2000x64xf32>
    %max3A_46 = arith.constant 0.000000e+00 : f32
    %max3A_47 = vector.broadcast %max3A_46 : f32 to vector<2000x64xf32>
    %max3A_48 = arith.maximumf %add3A_45, %max3A_47 : vector<2000x64xf32>
    %get3A_49 = arith.constant 0 : index
    %get3A_50 = arith.constant 0 : index
    %get3A_51 = vector.load %arg8[%get3A_49, %get3A_50] : memref<64x64xf32, #tpu.memory_space<vmem>>, vector<64x64xf32>
    %dot_general3A = arith.constant dense<0.000000e+00> : vector<2000x64xf32>
    %dot_general3A_52 = tpu.matmul %max3A_23, %get3A_51, %dot_general3A {dimension_numbers = #tpu.dot_dimension_numbers<[1], [0], [0], [1], [0, 0, 1, 1], [], []>, transpose_lhs_hint = false} : vector<2000x64xf32>, vector<64x64xf32>, vector<2000x64xf32> -> vector<2000x64xf32>
    %get3A_53 = arith.constant 0 : index
    %get3A_54 = arith.constant 0 : index
    %get3A_55 = vector.load %arg9[%get3A_53, %get3A_54] : memref<64x64xf32, #tpu.memory_space<vmem>>, vector<64x64xf32>
    %dot_general3A_56 = arith.constant dense<0.000000e+00> : vector<2000x64xf32>
    %dot_general3A_57 = tpu.matmul %max3A_48, %get3A_55, %dot_general3A_56 {dimension_numbers = #tpu.dot_dimension_numbers<[1], [0], [0], [1], [0, 0, 1, 1], [], []>, transpose_lhs_hint = false} : vector<2000x64xf32>, vector<64x64xf32>, vector<2000x64xf32> -> vector<2000x64xf32>
    %add3A_58 = arith.addf %dot_general3A_52, %dot_general3A_57 : vector<2000x64xf32>
    %mul3A_59 = vector.broadcast %get3A_1 : vector<2000x1xf32> to vector<2000x64xf32>
    %mul3A_60 = arith.mulf %add3A_58, %mul3A_59 : vector<2000x64xf32>
    %swap3A = arith.constant 0 : index
    %swap3A_61 = arith.constant 0 : index
    %swap3A_62 = vector.load %arg10[%swap3A, %swap3A_61] : memref<2000x64xf32, #tpu.memory_space<vmem>>, vector<2000x64xf32>
    tpu.vector_store %arg10[%swap3A, %swap3A_61], %mul3A_60 {strides = array<i32>} : memref<2000x64xf32, #tpu.memory_space<vmem>>, vector<2000x64xf32>,
    return
  }
  func.func @transform_0(%arg0: i32) -> (i32, i32, i32) {
    %c0_i32 = arith.constant 0 : i32
    %c0_i32_0 = arith.constant 0 : i32
    %c0_i32_1 = arith.constant 0 : i32
    return %c0_i32, %arg0, %c0_i32_0 : i32, i32, i32
  }
  func.func @transform_1(%arg0: i32) -> (i32, i32, i32) {
    %c0_i32 = arith.constant 0 : i32
    %c0_i32_0 = arith.constant 0 : i32
    %c0_i32_1 = arith.constant 0 : i32
    return %c0_i32, %arg0, %c0_i32_0 : i32, i32, i32
  }
  func.func @transform_2(%arg0: i32) -> (i32, i32) {
    %c0_i32 = arith.constant 0 : i32
    %c0_i32_0 = arith.constant 0 : i32
    return %arg0, %c0_i32 : i32, i32
  }
  func.func @transform_3(%arg0: i32) -> (i32, i32) {
    %c0_i32 = arith.constant 0 : i32
    %c0_i32_0 = arith.constant 0 : i32
    return %arg0, %c0_i32 : i32, i32
  }
  func.func @transform_4(%arg0: i32) -> (i32, i32) {
    %c0_i32 = arith.constant 0 : i32
    %c0_i32_0 = arith.constant 0 : i32
    return %arg0, %c0_i32 : i32, i32
  }
  func.func @transform_5(%arg0: i32) -> (i32, i32) {
    %c0_i32 = arith.constant 0 : i32
    %c0_i32_0 = arith.constant 0 : i32
    %c0_i32_1 = arith.constant 0 : i32
    return %c0_i32, %c0_i32_0 : i32, i32
  }
  func.func @transform_6(%arg0: i32) -> (i32, i32) {
    %c0_i32 = arith.constant 0 : i32
    %c0_i32_0 = arith.constant 0 : i32
    %c0_i32_1 = arith.constant 0 : i32
    return %c0_i32, %c0_i32_0 : i32, i32
  }
  func.func @transform_7(%arg0: i32) -> (i32, i32) {
    %c0_i32 = arith.constant 0 : i32
    %c0_i32_0 = arith.constant 0 : i32
    %c0_i32_1 = arith.constant 0 : i32
    return %c0_i32, %c0_i32_0 : i32, i32
  }
  func.func @transform_8(%arg0: i32) -> (i32, i32) {
    %c0_i32 = arith.constant 0 : i32
    %c0_i32_0 = arith.constant 0 : i32
    %c0_i32_1 = arith.constant 0 : i32
    return %c0_i32, %c0_i32_0 : i32, i32
  }
  func.func @transform_9(%arg0: i32) -> (i32, i32) {
    %c0_i32 = arith.constant 0 : i32
    %c0_i32_0 = arith.constant 0 : i32
    return %arg0, %c0_i32 : i32, i32
  }
}

module attributes {stable_mosaic.version = 14 : i64} {
  func.func @body(%arg0: i32, %arg1: memref<2x2000x64xf32, #tpu.memory_space<vmem>>, %arg2: memref<2000x64xf32, #tpu.memory_space<vmem>>, %arg3: memref<2000x16xf32, #tpu.memory_space<vmem>>, %arg4: memref<1x64xf32, #tpu.memory_space<vmem>>, %arg5: memref<64x128xf32, #tpu.memory_space<vmem>>, %arg6: memref<1x128xf32, #tpu.memory_space<vmem>>, %arg7: memref<128x256xf32, #tpu.memory_space<vmem>>, %arg8: memref<1x256xf32, #tpu.memory_space<vmem>>, %arg9: memref<2000x64xf32, #tpu.memory_space<vmem>>, %arg10: memref<2000x256xf32, #tpu.memory_space<vmem>>) attributes {dimension_semantics = [#tpu.dimension_semantics<arbitrary>], iteration_bounds = array<i64: 5>, scalar_prefetch = 0 : i64, scratch_operands = 0 : i64, tpu.core_type = #tpu.core_type<tc>, window_params = [{transform_indices = @transform_0, window_bounds = array<i64: 2, 2000, 64>}, {transform_indices = @transform_1, window_bounds = array<i64: 2000, 64>}, {transform_indices = @transform_2, window_bounds = array<i64: 2000, 16>}, {pipeline_mode = #tpu.pipeline_mode<synchronous>, transform_indices = @transform_3, window_bounds = array<i64: 1, 64>}, {pipeline_mode = #tpu.pipeline_mode<synchronous>, transform_indices = @transform_4, window_bounds = array<i64: 64, 128>}, {pipeline_mode = #tpu.pipeline_mode<synchronous>, transform_indices = @transform_5, window_bounds = array<i64: 1, 128>}, {pipeline_mode = #tpu.pipeline_mode<synchronous>, transform_indices = @transform_6, window_bounds = array<i64: 128, 256>}, {pipeline_mode = #tpu.pipeline_mode<synchronous>, transform_indices = @transform_7, window_bounds = array<i64: 1, 256>}, {transform_indices = @transform_8, window_bounds = array<i64: 2000, 64>}, {transform_indices = @transform_9, window_bounds = array<i64: 2000, 256>}]} {
    %get3A = arith.constant 0 : index
    %get3A_0 = arith.constant 0 : index
    %get3A_1 = vector.load %arg3[%get3A, %get3A_0] : memref<2000x16xf32, #tpu.memory_space<vmem>>, vector<2000x1xf32>
    %get3A_2 = arith.constant 0 : index
    %get3A_3 = arith.constant 0 : index
    %get3A_4 = arith.constant 0 : index
    %get3A_5 = vector.load %arg1[%get3A_2, %get3A_3, %get3A_4] : memref<2x2000x64xf32, #tpu.memory_space<vmem>>, vector<1x2000x64xf32>
    %get3A_6 = vector.shape_cast %get3A_5 : vector<1x2000x64xf32> to vector<2000x64xf32>
    %get3A_7 = arith.constant 1 : index
    %get3A_8 = arith.constant 0 : index
    %get3A_9 = arith.constant 0 : index
    %get3A_10 = vector.load %arg1[%get3A_7, %get3A_8, %get3A_9] : memref<2x2000x64xf32, #tpu.memory_space<vmem>>, vector<1x2000x64xf32>
    %get3A_11 = vector.shape_cast %get3A_10 : vector<1x2000x64xf32> to vector<2000x64xf32>
    %add3A = arith.addf %get3A_6, %get3A_11 : vector<2000x64xf32>
    %get3A_12 = arith.constant 0 : index
    %get3A_13 = arith.constant 0 : index
    %get3A_14 = vector.load %arg2[%get3A_12, %get3A_13] : memref<2000x64xf32, #tpu.memory_space<vmem>>, vector<2000x64xf32>
    %add3A_15 = arith.addf %add3A, %get3A_14 : vector<2000x64xf32>
    %mul3A = vector.broadcast %get3A_1 : vector<2000x1xf32> to vector<2000x64xf32>
    %mul3A_16 = arith.mulf %mul3A, %add3A_15 : vector<2000x64xf32>
    %get3A_17 = arith.constant 0 : index
    %get3A_18 = arith.constant 0 : index
    %get3A_19 = vector.load %arg4[%get3A_17, %get3A_18] : memref<1x64xf32, #tpu.memory_space<vmem>>, vector<1x64xf32>
    %add3A_20 = vector.broadcast %get3A_19 : vector<1x64xf32> to vector<2000x64xf32>
    %add3A_21 = arith.addf %mul3A_16, %add3A_20 : vector<2000x64xf32>
    %swap3A = arith.constant 0 : index
    %swap3A_22 = arith.constant 0 : index
    %swap3A_23 = vector.load %arg9[%swap3A, %swap3A_22] : memref<2000x64xf32, #tpu.memory_space<vmem>>, vector<2000x64xf32>
    tpu.vector_store %arg9[%swap3A, %swap3A_22], %add3A_21 {strides = array<i32>} : memref<2000x64xf32, #tpu.memory_space<vmem>>, vector<2000x64xf32>,
    %get3A_24 = arith.constant 0 : index
    %get3A_25 = arith.constant 0 : index
    %get3A_26 = vector.load %arg5[%get3A_24, %get3A_25] : memref<64x128xf32, #tpu.memory_space<vmem>>, vector<64x128xf32>
    %dot_general3A = arith.constant dense<0.000000e+00> : vector<2000x128xf32>
    %dot_general3A_27 = tpu.matmul %add3A_21, %get3A_26, %dot_general3A {dimension_numbers = #tpu.dot_dimension_numbers<[1], [0], [0], [1], [0, 0, 1, 1], [], []>, transpose_lhs_hint = false} : vector<2000x64xf32>, vector<64x128xf32>, vector<2000x128xf32> -> vector<2000x128xf32>
    %get3A_28 = arith.constant 0 : index
    %get3A_29 = arith.constant 0 : index
    %get3A_30 = vector.load %arg6[%get3A_28, %get3A_29] : memref<1x128xf32, #tpu.memory_space<vmem>>, vector<1x128xf32>
    %add3A_31 = vector.broadcast %get3A_30 : vector<1x128xf32> to vector<2000x128xf32>
    %add3A_32 = arith.addf %dot_general3A_27, %add3A_31 : vector<2000x128xf32>
    %max3A = arith.constant 0.000000e+00 : f32
    %max3A_33 = vector.broadcast %max3A : f32 to vector<2000x128xf32>
    %max3A_34 = arith.maximumf %add3A_32, %max3A_33 : vector<2000x128xf32>
    %get3A_35 = arith.constant 0 : index
    %get3A_36 = arith.constant 0 : index
    %get3A_37 = vector.load %arg7[%get3A_35, %get3A_36] : memref<128x256xf32, #tpu.memory_space<vmem>>, vector<128x256xf32>
    %dot_general3A_38 = arith.constant dense<0.000000e+00> : vector<2000x256xf32>
    %dot_general3A_39 = tpu.matmul %max3A_34, %get3A_37, %dot_general3A_38 {dimension_numbers = #tpu.dot_dimension_numbers<[1], [0], [0], [1], [0, 0, 1, 1], [], []>, transpose_lhs_hint = false} : vector<2000x128xf32>, vector<128x256xf32>, vector<2000x256xf32> -> vector<2000x256xf32>
    %get3A_40 = arith.constant 0 : index
    %get3A_41 = arith.constant 0 : index
    %get3A_42 = vector.load %arg8[%get3A_40, %get3A_41] : memref<1x256xf32, #tpu.memory_space<vmem>>, vector<1x256xf32>
    %add3A_43 = vector.broadcast %get3A_42 : vector<1x256xf32> to vector<2000x256xf32>
    %add3A_44 = arith.addf %dot_general3A_39, %add3A_43 : vector<2000x256xf32>
    %swap3A_45 = arith.constant 0 : index
    %swap3A_46 = arith.constant 0 : index
    %swap3A_47 = vector.load %arg10[%swap3A_45, %swap3A_46] : memref<2000x256xf32, #tpu.memory_space<vmem>>, vector<2000x256xf32>
    tpu.vector_store %arg10[%swap3A_45, %swap3A_46], %add3A_44 {strides = array<i32>} : memref<2000x256xf32, #tpu.memory_space<vmem>>, vector<2000x256xf32>,
    return
  }
  func.func @transform_0(%arg0: i32) -> (i32, i32, i32) {
    %c0_i32 = arith.constant 0 : i32
    %c0_i32_0 = arith.constant 0 : i32
    %c0_i32_1 = arith.constant 0 : i32
    return %c0_i32, %arg0, %c0_i32_0 : i32, i32, i32
  }
  func.func @transform_1(%arg0: i32) -> (i32, i32) {
    %c0_i32 = arith.constant 0 : i32
    %c0_i32_0 = arith.constant 0 : i32
    return %arg0, %c0_i32 : i32, i32
  }
  func.func @transform_2(%arg0: i32) -> (i32, i32) {
    %c0_i32 = arith.constant 0 : i32
    %c0_i32_0 = arith.constant 0 : i32
    return %arg0, %c0_i32 : i32, i32
  }
  func.func @transform_3(%arg0: i32) -> (i32, i32) {
    %c0_i32 = arith.constant 0 : i32
    %c0_i32_0 = arith.constant 0 : i32
    %c0_i32_1 = arith.constant 0 : i32
    return %c0_i32, %c0_i32_0 : i32, i32
  }
  func.func @transform_4(%arg0: i32) -> (i32, i32) {
    %c0_i32 = arith.constant 0 : i32
    %c0_i32_0 = arith.constant 0 : i32
    %c0_i32_1 = arith.constant 0 : i32
    return %c0_i32, %c0_i32_0 : i32, i32
  }
  func.func @transform_5(%arg0: i32) -> (i32, i32) {
    %c0_i32 = arith.constant 0 : i32
    %c0_i32_0 = arith.constant 0 : i32
    %c0_i32_1 = arith.constant 0 : i32
    return %c0_i32, %c0_i32_0 : i32, i32
  }
  func.func @transform_6(%arg0: i32) -> (i32, i32) {
    %c0_i32 = arith.constant 0 : i32
    %c0_i32_0 = arith.constant 0 : i32
    %c0_i32_1 = arith.constant 0 : i32
    return %c0_i32, %c0_i32_0 : i32, i32
  }
  func.func @transform_7(%arg0: i32) -> (i32, i32) {
    %c0_i32 = arith.constant 0 : i32
    %c0_i32_0 = arith.constant 0 : i32
    %c0_i32_1 = arith.constant 0 : i32
    return %c0_i32, %c0_i32_0 : i32, i32
  }
  func.func @transform_8(%arg0: i32) -> (i32, i32) {
    %c0_i32 = arith.constant 0 : i32
    %c0_i32_0 = arith.constant 0 : i32
    return %arg0, %c0_i32 : i32, i32
  }
  func.func @transform_9(%arg0: i32) -> (i32, i32) {
    %c0_i32 = arith.constant 0 : i32
    %c0_i32_0 = arith.constant 0 : i32
    return %arg0, %c0_i32 : i32, i32
  }
}

module attributes {stable_mosaic.version = 14 : i64} {
  func.func @body(%arg0: i32, %arg1: i32, %arg2: memref<1024x64xf32, #tpu.memory_space<vmem>>, %arg3: memref<5120x64xf32, #tpu.memory_space<vmem>>, %arg4: memref<1024x5120xf32, #tpu.memory_space<vmem>>) attributes {dimension_semantics = [#tpu.dimension_semantics<parallel>, #tpu.dimension_semantics<parallel>], iteration_bounds = array<i64: 10, 2>, scalar_prefetch = 0 : i64, scratch_operands = 0 : i64, tpu.core_type = #tpu.core_type<tc>, window_params = [{transform_indices = @transform_0, window_bounds = array<i64: 1024, 64>}, {transform_indices = @transform_1, window_bounds = array<i64: 5120, 64>}, {transform_indices = @transform_2, window_bounds = array<i64: 1024, 5120>}]} {
    %get3A = arith.constant 0 : index
    %get3A_0 = arith.constant 0 : index
    %get3A_1 = vector.load %arg2[%get3A, %get3A_0] : memref<1024x64xf32, #tpu.memory_space<vmem>>, vector<1024x64xf32>
    %get3A_2 = arith.constant 0 : index
    %get3A_3 = arith.constant 0 : index
    %get3A_4 = vector.load %arg3[%get3A_2, %get3A_3] : memref<5120x64xf32, #tpu.memory_space<vmem>>, vector<5120x64xf32>
    %dot_general3A = arith.constant dense<0.000000e+00> : vector<1024x5120xf32>
    %dot_general3A_5 = tpu.matmul %get3A_1, %get3A_4, %dot_general3A {dimension_numbers = #tpu.dot_dimension_numbers<[1], [1], [0], [0], [0, 0, 1, 0], [], []>, transpose_lhs_hint = false} : vector<1024x64xf32>, vector<5120x64xf32>, vector<1024x5120xf32> -> vector<1024x5120xf32>
    %logistic3A = arith.negf %dot_general3A_5 : vector<1024x5120xf32>
    %logistic3A_6 = math.exp %logistic3A : vector<1024x5120xf32>
    %logistic3A_7 = arith.constant 1.000000e+00 : f32
    %logistic3A_8 = vector.broadcast %logistic3A_7 : f32 to vector<1024x5120xf32>
    %logistic3A_9 = arith.addf %logistic3A_8, %logistic3A_6 : vector<1024x5120xf32>
    %logistic3A_10 = arith.divf %logistic3A_8, %logistic3A_9 : vector<1024x5120xf32>
    %swap3A = arith.constant 0 : index
    %swap3A_11 = arith.constant 0 : index
    %swap3A_12 = vector.load %arg4[%swap3A, %swap3A_11] : memref<1024x5120xf32, #tpu.memory_space<vmem>>, vector<1024x5120xf32>
    tpu.vector_store %arg4[%swap3A, %swap3A_11], %logistic3A_10 {strides = array<i32>} : memref<1024x5120xf32, #tpu.memory_space<vmem>>, vector<1024x5120xf32>,
    return
  }
  func.func @transform_0(%arg0: i32, %arg1: i32) -> (i32, i32) {
    %c0_i32 = arith.constant 0 : i32
    %c0_i32_0 = arith.constant 0 : i32
    return %arg0, %c0_i32 : i32, i32
  }
  func.func @transform_1(%arg0: i32, %arg1: i32) -> (i32, i32) {
    %c0_i32 = arith.constant 0 : i32
    %c0_i32_0 = arith.constant 0 : i32
    return %arg1, %c0_i32 : i32, i32
  }
  func.func @transform_2(%arg0: i32, %arg1: i32) -> (i32, i32) {
    %c0_i32 = arith.constant 0 : i32
    return %arg0, %arg1 : i32, i32
  }
}

</mosaic_0001>

<sc_bundles>
// kernel: kernel.11.cloned.1.call-start
scs
__scs_entry_jumppad:
0x0: {  	(pc) =	sbr.rel $0x88, $3  }
0x1: {  	(tag) =	ssettag $0x0;
	lr =	simm.s32 $0x1  }
0x2: {  	[smem:$0x3F97] =	sst lr;
	_ =	strace $0xD0000000  }
0x3: {  	_ = 	snop  }
0x4: {  	_ = 	snop  }
0x5: {  	_ = 	snop  }
0x6: {  	_ = 	snop  }
0x7: {  	_ = 	snop  }
__scs_overlays_trampoline_lowered:
0x8: {  	[smem:$0x3FA6] =	sst s0  }
0x9: {  	[smem:$0x3FA7] =	sst s1  }
0xa: {  	[smem:$0x3FA8] =	sst s2  }
0xb: {  	[smem:$0x3FA9] =	sst s3  }
0xc: {  	[smem:$0x3FAA] =	sst s4  }
0xd: {  	[smem:$0x3FAB] =	sst s5  }
0xe: {  	[smem:$0x3FAC] =	sst s6  }
0xf: {  	[smem:$0x3FAD] =	sst s7  }
0x10: {  	[smem:$0x3FAE] =	sst s8  }
0x11: {  	[smem:$0x3FAF] =	sst s9;
	s0 =	simm.s32 @!p0 $0x0  }
0x12: {  	s1 =	sld [smem:$0x3F95];
	s0 =	simm.s32 @p0 $0x1  }
0x13: {  	[smem:$0x3FB0] =	sst s0;
	s0 =	simm.s32 @!p1 $0x0  }
0x14: {  	s2 =	sld [smem:$0x3F94];
	s0 =	simm.s32 @p1 $0x1  }
0x15: {  	[smem:$0x3FB1] =	sst s0;
	s0 =	simm.s32 @!p2 $0x0  }
0x16: {  	s3 =	sld [smem:$0x3FDB];
	s0 =	simm.s32 @p2 $0x1  }
0x17: {  	s4 =	simm.s32 $0x1BF5;
	[smem:$0x3FB3] =	sst s0  }
0x18: {  	s0 =	sld [smem:$0x3F96];
	_ =	swait.ge [sflag:s4], $0x0  }
0x19: {  	s7 =	sld [smem:$0x3F97]  }
0x1a: {  	s8 =	sadd.s32 $0xFFFFE003, lr  }
0x1b: {  	s9 =	sadd.s32 $0xFFFFFEF7, lr;
	s5 =	simm.s32 $0xFFFFFFFF;
	p2 =	slt.u32 s8, $0xFFFFF086  }
0x1c: {  	p1 =	slt.u32 s9, $0xF7A;
	s5 =	simm.s32 @!p2 $0x0  }
0x1d: {  	s5 =	simm.s32 @p1 $0x1;
	p0 =	seq.s32 s7, s2  }
0x1e: {  	s7 =	smul.u32 @!p0 $0xF7A, s2;
	p2 =	seq.s32 @!p0 s5, $0x0  }
0x1f: {  	s9 =	smul.u32 $0xF7A, s1;
	s8 =	simm.s32 @!p0 $0x1BF5;
	p2 =	por !p2, p0  }
0x20: {  	[sflag:s8] =	ssyncset.s32 @!p0 $0xFFFFF086;
	s6 =	sadd.s32 @!p0 s3, s7;
	s7 =	simm.s32 @!p0 $0x108  }
0x21: {  	s3 =	sadd.s32 s3, s9;
	s6 =	sadd.s32 @!p0 $0x88, s6;
	s7 =	simm.s32 @p2 $0x1082  }
0x22: {  	[simem:s7], [sflag:s8] =	dma.local @!p0 [hbm:s6], $0xF7A  }
0x23: {  	s9 =	sor.u32 $0xD0000000, s2;
	s6 =	simm.s32 $0x108;
	_ =	swait.ge @!p0 [sflag:s8], $0x0  }
0x24: {  	s3 =	sadd.s32 $0x88, s3;
	s6 =	simm.s32 @!p1 $0x1082;
	[sflag:s4] =	ssyncset.s32 $0xFFFFF086  }
0x25: {  	[simem:s6], [sflag:s4] =	dma.local [hbm:s3], $0xF7A  }
0x26: {  	[smem:$0x3F97] =	sst s1;
	(tag) =	ssettag s2;
	_ =	strace s9  }
0x27: {  	s1 =	sld [smem:$0x3FA7]  }
0x28: {  	s2 =	sld [smem:$0x3FA8]  }
0x29: {  	s4 =	sld [smem:$0x3FAA]  }
0x2a: {  	p0 =	seq.s32 s5, $0x0;
	s5 =	sld [smem:$0x3FAB]  }
0x2b: {  	s6 =	sld [smem:$0x3FAC]  }
0x2c: {  	s7 =	sld [smem:$0x3FAD]  }
0x2d: {  	s3 =	simm.s32 $0x108;
	s8 =	sld [smem:$0x3FAE]  }
0x2e: {  	s3 =	simm.s32 @!p0 $0x1082;
	s9 =	sld [smem:$0x3FAF]  }
0x2f: {  	lr =	sadd.s32 s0, s3;
	s0 =	sld [smem:$0x3FA6]  }
0x30: {  	s3 =	sld [smem:$0x3FA9]  }
0x31: {  	[smem:$0x3FB2] =	sst s10  }
0x32: {  	s10 =	sld [smem:$0x3FB0];
	_ =	sdelay $0x3  }
0x33: {  	p0 =	seq.s32 s10, $0x1;
	s10 =	sld [smem:$0x3FB2];
	_ =	sdelay $0x3  }
0x34: {  	[smem:$0x3FB2] =	sst s10  }
0x35: {  	s10 =	sld [smem:$0x3FB1];
	_ =	sdelay $0x3  }
0x36: {  	p1 =	seq.s32 s10, $0x1;
	s10 =	sld [smem:$0x3FB2];
	_ =	sdelay $0x3  }
0x37: {  	[smem:$0x3FB2] =	sst s10  }
0x38: {  	s10 =	sld [smem:$0x3FB3]  }
0x39: {  	_ = 	snop;
	(pc) =	sbr.ind lr, $3  }
0x3a: {  	_ = 	snop  }
0x3b: {  	_ = 	snop  }
0x3c: {  	p2 =	seq.s32 s10, $0x1;
	s10 =	sld [smem:$0x3FB2]  }
0x3d: {  	_ =	shalt  }
0x3e: {  	_ =	shalt  }
0x3f: {  	_ =	shalt  }
0x40: {  	_ =	shalt  }
0x41: {  	_ =	shalt  }
0x42: {  	_ =	shalt  }
0x43: {  	_ =	shalt  }
0x44: {  	_ =	shalt  }
0x45: {  	_ =	shalt  }
0x46: {  	_ =	shalt  }
0x47: {  	_ =	shalt  }
0x48: {  	_ =	shalt  }
0x49: {  	_ =	shalt  }
0x4a: {  	_ =	shalt  }
0x4b: {  	_ =	shalt  }
0x4c: {  	_ =	shalt  }
0x4d: {  	_ =	shalt  }
0x4e: {  	_ =	shalt  }
0x4f: {  	_ =	shalt  }
0x50: {  	_ =	shalt  }
0x51: {  	_ =	shalt  }
0x52: {  	_ =	shalt  }
0x53: {  	_ =	shalt  }
0x54: {  	_ =	shalt  }
0x55: {  	_ =	shalt  }
0x56: {  	_ =	shalt  }
0x57: {  	_ =	shalt  }
0x58: {  	_ =	shalt  }
0x59: {  	_ =	shalt  }
0x5a: {  	_ =	shalt  }
0x5b: {  	_ =	shalt  }
0x5c: {  	_ =	shalt  }
0x5d: {  	_ =	shalt  }
0x5e: {  	_ =	shalt  }
0x5f: {  	_ =	shalt  }
0x60: {  	_ =	shalt  }
0x61: {  	_ =	shalt  }
0x62: {  	_ =	shalt  }
0x63: {  	_ =	shalt  }
0x64: {  	_ =	shalt  }
0x65: {  	_ =	shalt  }
0x66: {  	_ =	shalt  }
0x67: {  	_ =	shalt  }
0x68: {  	_ =	shalt  }
0x69: {  	_ =	shalt  }
0x6a: {  	_ =	shalt  }
0x6b: {  	_ =	shalt  }
0x6c: {  	_ =	shalt  }
0x6d: {  	_ =	shalt  }
0x6e: {  	_ =	shalt  }
0x6f: {  	_ =	shalt  }
0x70: {  	_ =	shalt  }
0x71: {  	_ =	shalt  }
0x72: {  	_ =	shalt  }
0x73: {  	_ =	shalt  }
0x74: {  	_ =	shalt  }
0x75: {  	_ =	shalt  }
0x76: {  	_ =	shalt  }
0x77: {  	_ =	shalt  }
0x78: {  	_ =	shalt  }
0x79: {  	_ =	shalt  }
0x7a: {  	_ =	shalt  }
0x7b: {  	_ =	shalt  }
0x7c: {  	_ =	shalt  }
0x7d: {  	_ =	shalt  }
0x7e: {  	_ =	shalt  }
0x7f: {  	_ =	shalt  }
0x80: {  	_ =	shalt  }
0x81: {  	_ =	shalt  }
0x82: {  	_ =	shalt  }
0x83: {  	_ =	shalt  }
0x84: {  	_ =	shalt  }
0x85: {  	_ =	shalt  }
0x86: {  	_ =	shalt  }
0x87: {  	_ =	shalt  }
.Lfunc_end0:
.L_simem_size_0:
called_computation_lowered:
.L_overlay_start_0:
0x88: {  	s2 =	sld [smem:$0x3FD9]  }
0x89: {  	s3 =	sld [smem:$0x3FFE];
	_ =	sdelay $0x1  }
0x8a: {  	s1 =	srdreg.scid  }
0x8b: {  	s0 =	sand.u32 $0x1, s1  }
0x8c: {  	s14 =	sshll.u32 s0, $0xA;
	s2 =	sadd.s32 s3, s2  }
0x8d: {  	s2 =	sadd.s32 s2, s14  }
0x8e: {  	[smem:$0x3FBE] =	sst s2  }
0x8f: {  	_ = 	snop  }
0x90: {  	s2 =	sld [smem:$0x3FD0];
	_ =	sdelay $0x2  }
0x91: {  	s15 =	simm.s32 $0xB;
	s4 =	simm.s32 $0x10  }
0x92: {  	[smem:s4], [sflag:s15] =	dma.local [hbm:s2], $0x1  }
0x93: {  	_ =	swait.eq [sflag:s15], $0x1  }
0x94: {  	s16 =	sld [smem:$0x10];
	[sflag:s15] =	ssyncset.done $0x0  }
0x95: {  	s17 =	sld [smem:$0x11];
	[sflag:s15] =	ssyncadd.s32 $0xFFFFFFFF  }
0x96: {  	s18 =	sld [smem:$0x12];
	(tm) =	ssettm $0x1  }
0x97: {  	s5 =	sld [smem:$0x3FFB];
	_ =	sdelay $0x3  }
0x98: {  	_ =	strace s5  }
0x99: {  	s5 =	sld [smem:$0x3FFC];
	_ =	sdelay $0x3  }
0x9a: {  	_ =	strace s5  }
0x9b: {  	s5 =	sld [smem:$0x3FFD];
	_ =	sdelay $0x3  }
0x9c: {  	_ =	strace s5  }
0x9d: {  	_ =	strace $0x8FFFFFFF  }
0x9e: {  	s19 =	sld [smem:$0x3FDB];
	_ =	sdelay $0x1  }
0x9f: {  	s6 =	simm.s32 $_scs_section_size  }
0xa0: {  	s7 =	simm.s32 $_size__tile_overlayer_lowered;
	s8 =	simm.s32 $_tile_overlayer_lowered  }
0xa1: {  	s22 =	simm.s32 $0x1BFF;
	s21 =	sshll.u32 s8, $0x1;
	s5 =	sadd.s32 s6, s19  }
0xa2: {  	s9 =	simm.s32 $0x0;
	s20 =	sshll.u32 s7, $0x1;
	s7 =	sadd.s32 s21, s5  }
0xa3: {  	[timem:s9], [sflag:s22] =	dma.local [hbm:s7], s20  }
0xa4: {  	_ =	swait.ge [sflag:s22], s20  }
0xa5: {  	s6 =	ssub.s32 $0x0, s20;
	[sflag:s22] =	ssyncset.done $0x0  }
0xa6: {  	[sflag:s22] =	ssyncadd.s32 s6;
	_ =	sdelay $0x1  }
0xa7: {  	s23 =	simm.s32 $0x1B8B  }
0xa8: {  	_ =	swait.ge [sflag:s23], $0x1  }
0xa9: {  	[sflag:s23] =	ssyncset.done $0x0  }
0xaa: {  	s25 =	simm.s32 $0x1B8E;
	s24 =	sld [smem:$0x3FFE];
	[sflag:s23] =	ssyncadd.s32 $0xFFFFFFFF  }
0xab: {  	s26 =	simm.s32 $execute0_lowered;
	[smem:$0x3FD2] =	sst s25  }
0xac: {  	s7 =	sshll.u32 s26, $0x1;
	_ =	strace $0x80000046;
	[dreg:$0x1] =	wrdreg $0xFFFFFFFF  }
0xad: {  	s28 =	simm.s32 $_size_execute0_lowered;
	s5 =	sadd.s32 s5, s7;
	[dreg:$0x0] =	wrdreg $0x0  }
0xae: {  	s7 =	sshll.u32 s28, $0x1;
	[dreg:$0x2] =	wrdreg s5  }
0xaf: {  	[dreg:$0x3] =	wrdreg s7  }
0xb0: {  	[dreg:$0x4] =	wrdreg $0xC0  }
0xb1: {  	_ =	task [dreg:s9], $0x5FFFF  }
0xb2: {  	[dreg:$0x1] =	wrdreg $0xFFFFFFFF  }
0xb3: {  	[dreg:$0x0] =	wrdreg $0x60  }
0xb4: {  	[dreg:$0x2] =	wrdreg s24  }
0xb5: {  	[dreg:$0x3] =	wrdreg s18  }
0xb6: {  	[dreg:$0x4] =	wrdreg s17  }
0xb7: {  	[dreg:$0x5] =	wrdreg s16  }
0xb8: {  	[dreg:$0x6] =	wrdreg $0x20000  }
0xb9: {  	[dreg:$0x7] =	wrdreg $0x9  }
0xba: {  	_ =	task.clear_ibuf [dreg:s9], $0x8FFFF;
	_ =	strace $0x90000046  }
0xbb: {  	s29 =	simm.s32 $0x9;
	_ =	strace $0x80000048  }
0xbc: {  	_ =	swait.ge [sflag:s29], $0x1  }
0xbd: {  	[sflag:s29] =	ssyncadd.s32 $0xFFFFFFFF  }
0xbe: {  	_ =	strace $0x90000048  }
0xbf: {  	_ =	sfence  }
0xc0: {  	s30 =	sld [smem:$0x0];
	_ =	sdelay $0x2  }
0xc1: {  	s31 =	sshll.u32 s1, $0xD;
	s1 =	sshrl.u32 s1, $0x2  }
0xc2: {  	s3 =	sand.u32 $0x4000, s31;
	s1 =	sadd.s32 s1, s30  }
0xc3: {  	s0 =	sor.u32 s3, s0;
	s1 =	sshll.u32 s1, $0x11  }
0xc4: {  	s0 =	sor.u32 s1, s0  }
0xc5: {  	s0 =	sadd.s32 $0x8F2B, s0  }
0xc6: {  	[sflag:s0] =	ssyncadd.remote.s32 $0x1  }
0xc7: {  	_ =	sfence.sel $0xFFFF  }
0xc8: {  	[dreg:$0x0] =	wrdreg $0xFFFFFFFF;
	(pc) =	sbr.abs _section_cstart, $3  }
0xc9: {  	[dreg:$0x1] =	wrdreg $0xFFFFFFFF  }
0xca: {  	_ =	task.clear_ibuf [dreg:s9], $0x2FFFF;
	_ =	strace $0x9FFFFFFF  }
0xcb: {  	(tm) =	ssettm $0x7FFFFFFF  }
tec
execute0_lowered:
.L_overlay_start_1:
0x0: {  	(tag) =	ssettag $0x1  }
0x1: {  	s6 =	rddreg [dreg:$0x0]  }
0x2: {  	s0 =	rddreg [dreg:$0x1]  }
0x3: {  	s7 =	rddreg [dreg:$0x2]  }
0x4: {  	s8 =	rddreg [dreg:$0x3]  }
0x5: {  	s1 =	srdreg.scid;
	s3 =	rddreg [dreg:$0x4]  }
0x6: {  	s2 =	stileid.u32;
	s4 =	simm.s32 $0x0;
	s14 =	simm.s32 $0x80  }
0x7: {  	s15 =	simm.s32 $0x0;
	s9 =	sand.u32 $0x1, s1;
	s1 =	rddreg [dreg:$0x5]  }
0x8: {  	[smem:$0x7FF] =	sst s4;
	s13 =	smul.u32 $0x2780, s2;
	s31 =	sshll.u32 s2, $0x6  }
0x9: {  	s5 =	sshll.u32 s9, $0x4;
	s11 =	ssub.s32 $0x2, s9;
	_ =	strace $0x80000047  }
0xa: {  	p0 =	seq.s32 s9, $0x0;
	s9 =	smul.u32 $0x27800, s9;
	s5 =	sor.u32 s2, s5  }
0xb: {  	s12 =	sshrl.u32 s11, $0x1;
	s30 =	sshrl.u32 s13, $0x3;
	s10 =	smul.u32 $0x300, s5  }
0xc: {  	s5 =	simm.s32 $0x30;
	s29 =	ssub.s32 s11, s12;
	s9 =	sadd.s32 s13, s9  }
0xd: {  	s13 =	sadd.s32 s13, s3;
	s7 =	sadd.s32 s7, s30;
	s11 =	simm.s32 $0x1800  }
0xe: {  	s12 =	sor.u32 $0x1C01, s31;
	s5 =	simm.s32 @!p0 $0x20;
	s9 =	sshrl.u32 s9, $0x3  }
0xf: {  	s13 =	sshrl.u32 s13, $0x3;
	s6 =	sadd.s32 s10, s6;
	s8 =	sadd.s32 s8, s9  }
0x10: {  	s9 =	smax.u32 s29, $0x1;
	s10 =	simm.s32 $0x1;
	s6 =	sadd.s32 $0x3200, s6  }
.LBB2_1:
0x11: {  	[tilespmem:s4], [sflag:$0x1] =	stream.linear.gather [hbm4b:s6+s4], $0x1800, $0x38;
	[tilespmem:$0x4780] =	vst v63  }
0x12: {  	_ =	swait.ge [sflag:s10], $0x1800  }
0x13: {  	[sflag:s10] =	ssyncset.done $0x0  }
0x14: {  	[sflag:s10] =	ssyncadd.s32 $0xFFFFE800  }
0x15: {  	[tilespmem:s11], [sflag:$0x1] =	stream.linear.gather [hbm4b:s0+s4], $0x800, $0x38;
	[tilespmem:$0x4780] =	vst v63  }
0x16: {  	_ =	swait.ge [sflag:s10], $0x800  }
0x17: {  	[sflag:s10] =	ssyncset.done $0x0  }
0x18: {  	[sflag:s10] =	ssyncadd.s32 $0xFFFFF800  }
0x19: {  	[spmem:s13], [sflag:s12] =	dma.local [hbm:s7], $0x4F0  }
0x1a: {  	_ =	swait.ge [sflag:s10], $0x4F0  }
0x1b: {  	p0 =	sne.s32 s5, $0x1;
	[sflag:s10] =	ssyncset.done $0x0  }
.Ltmp0:
0x1c: {  	[sflag:s10] =	ssyncadd.s32 $0xFFFFFB10;
	(pc) =	sbr.rel @!p0 .LBB2_3-.Ltmp0, $4  }
0x1d: {  	[bflag:$0x0] =	sbarrier.arrive $0xFFFF  }
0x1e: {  	[spmem:s3] =	stream.indirect.scatter.add.f32 [tilespmem:s11], [sflag:$0x1], $0x10, s4, s14, $0xb8;
	[tilespmem:$0x4780] =	vst v63  }
0x1f: {  	_ =	swait.ge [sflag:s10], $0x800  }
0x20: {  	s16 =	sadd.s32 $0xFFFFFFFF, s5;
	s17 =	simm.s32 $0x0;
	[sflag:s10] =	ssyncset.done $0x0  }
.LBB2_2:
0x21: {  	p0 =	sne.s32 s16, $0x1;
	[sflag:s10] =	ssyncadd.s32 $0xFFFFF800;
	s17 =	sadd.s32 $0x80, s17  }
.Ltmp1:
0x22: {  	s16 =	sadd.s32 $0xFFFFFFFF, s16;
	(pc) =	sbr.rel @p0 .LBB2_2-.Ltmp1, $4  }
0x23: {  	_ = 	snop  }
0x24: {  	[spmem:s3] =	stream.indirect.scatter.add.f32 [tilespmem:s11], [sflag:$0x1], $0x10, s17, s14, $0xb8;
	[tilespmem:$0x4780] =	vst v63  }
0x25: {  	_ =	swait.ge [sflag:s10], $0x800  }
0x26: {  	[sflag:s10] =	ssyncset.done $0x0  }
.LBB2_3:
0x27: {  	s15 =	sadd.s32 $0x1, s15  }
0x28: {  	[sflag:s10] =	ssyncadd.s32 $0xFFFFF800;
	p0 =	sne.s32 s15, s9  }
.Ltmp2:
0x29: {  	[bflag:$0x0] =	sbarrier.arrive $0xFFFF;
	(pc) =	sbr.rel @p0 .LBB2_1-.Ltmp2, $4  }
0x2a: {  	[hbm:s8], [sflag:s12] =	dma.local [spmem:s13], $0x4F0  }
0x2b: {  	_ =	swait.ge [sflag:s10], $0x4F0  }
0x2c: {  	[sflag:s10] =	ssyncset.done $0x0  }
0x2d: {  	[sflag:s10] =	ssyncadd.s32 $0xFFFFFB10  }
0x2e: {  	_ =	sfence.sel $0x180000  }
0x2f: {  	[bflag:$0x0] =	sbarrier.arrive $0xFFFF  }
0x30: {  	p0 =	sne.s32 s2, $0x0;
	_ =	strace $0x90000047  }
0x31: {  	s0 =	sadd.s32 @!p0 $0x100000, s1;
	[bflag:$0x2] =	sbarrier.arrive $0xFFFF  }
0x32: {  	[sflag:s0] =	ssyncadd.tile.s32 @!p0 $0x1;
	_ =	shalt  }
.Lfunc_end2:
_tile_overlayer_lowered:
.L_overlay_start_2:
0x33: {  	(tag) =	ssettag $0x2  }
0x34: {  	s0 =	rddreg [dreg:$0x0];
	s2 =	stileid.u32  }
0x35: {  	s1 =	rddreg [dreg:$0x1];
	p0 =	sne.s32 s2, $0x0  }
0x36: {  	s3 =	rddreg [dreg:$0x2];
	[bflag:$0x3] =	sbarrier.arrive $0xFFFF;
	s2 =	simm.s32 @!p0 $0x1C01  }
0x37: {  	[timem:s3], [sflag:s2] =	dma.local @!p0 [hbm:s0], s1  }
0x38: {  	s0 =	simm.s32 @!p0 $0x1  }
0x39: {  	_ =	swait.ge @!p0 [sflag:s0], s1  }
0x3a: {  	s1 =	ssub.s32 @!p0 $0x0, s1;
	[sflag:s0] =	ssyncset.done @!p0 $0x0  }
0x3b: {  	[sflag:s0] =	ssyncadd.s32 @!p0 s1  }
0x3c: {  	[bflag:$0x3] =	sbarrier.arrive $0xFFFF  }
0x3d: {  	_ =	shalt  }

// kernel: kernel.14.cloned.1.call-start
scs
__scs_entry_jumppad:
0x0: {  	(pc) =	sbr.rel $0x88, $3  }
0x1: {  	(tag) =	ssettag $0x0;
	lr =	simm.s32 $0x1  }
0x2: {  	[smem:$0x3F97] =	sst lr;
	_ =	strace $0xD0000000  }
0x3: {  	_ = 	snop  }
0x4: {  	_ = 	snop  }
0x5: {  	_ = 	snop  }
0x6: {  	_ = 	snop  }
0x7: {  	_ = 	snop  }
__scs_overlays_trampoline_lowered:
0x8: {  	[smem:$0x3FA6] =	sst s0  }
0x9: {  	[smem:$0x3FA7] =	sst s1  }
0xa: {  	[smem:$0x3FA8] =	sst s2  }
0xb: {  	[smem:$0x3FA9] =	sst s3  }
0xc: {  	[smem:$0x3FAA] =	sst s4  }
0xd: {  	[smem:$0x3FAB] =	sst s5  }
0xe: {  	[smem:$0x3FAC] =	sst s6  }
0xf: {  	[smem:$0x3FAD] =	sst s7  }
0x10: {  	[smem:$0x3FAE] =	sst s8  }
0x11: {  	[smem:$0x3FAF] =	sst s9;
	s0 =	simm.s32 @!p0 $0x0  }
0x12: {  	s1 =	sld [smem:$0x3F95];
	s0 =	simm.s32 @p0 $0x1  }
0x13: {  	[smem:$0x3FB0] =	sst s0;
	s0 =	simm.s32 @!p1 $0x0  }
0x14: {  	s2 =	sld [smem:$0x3F94];
	s0 =	simm.s32 @p1 $0x1  }
0x15: {  	[smem:$0x3FB1] =	sst s0;
	s0 =	simm.s32 @!p2 $0x0  }
0x16: {  	s3 =	sld [smem:$0x3FDB];
	s0 =	simm.s32 @p2 $0x1  }
0x17: {  	s4 =	simm.s32 $0x1BF5;
	[smem:$0x3FB3] =	sst s0  }
0x18: {  	s0 =	sld [smem:$0x3F96];
	_ =	swait.ge [sflag:s4], $0x0  }
0x19: {  	s7 =	sld [smem:$0x3F97]  }
0x1a: {  	s8 =	sadd.s32 $0xFFFFE003, lr  }
0x1b: {  	s9 =	sadd.s32 $0xFFFFFEF7, lr;
	s5 =	simm.s32 $0xFFFFFFFF;
	p2 =	slt.u32 s8, $0xFFFFF086  }
0x1c: {  	p1 =	slt.u32 s9, $0xF7A;
	s5 =	simm.s32 @!p2 $0x0  }
0x1d: {  	s5 =	simm.s32 @p1 $0x1;
	p0 =	seq.s32 s7, s2  }
0x1e: {  	s7 =	smul.u32 @!p0 $0xF7A, s2;
	p2 =	seq.s32 @!p0 s5, $0x0  }
0x1f: {  	s9 =	smul.u32 $0xF7A, s1;
	s8 =	simm.s32 @!p0 $0x1BF5;
	p2 =	por !p2, p0  }
0x20: {  	[sflag:s8] =	ssyncset.s32 @!p0 $0xFFFFF086;
	s6 =	sadd.s32 @!p0 s3, s7;
	s7 =	simm.s32 @!p0 $0x108  }
0x21: {  	s3 =	sadd.s32 s3, s9;
	s6 =	sadd.s32 @!p0 $0x88, s6;
	s7 =	simm.s32 @p2 $0x1082  }
0x22: {  	[simem:s7], [sflag:s8] =	dma.local @!p0 [hbm:s6], $0xF7A  }
0x23: {  	s9 =	sor.u32 $0xD0000000, s2;
	s6 =	simm.s32 $0x108;
	_ =	swait.ge @!p0 [sflag:s8], $0x0  }
0x24: {  	s3 =	sadd.s32 $0x88, s3;
	s6 =	simm.s32 @!p1 $0x1082;
	[sflag:s4] =	ssyncset.s32 $0xFFFFF086  }
0x25: {  	[simem:s6], [sflag:s4] =	dma.local [hbm:s3], $0xF7A  }
0x26: {  	[smem:$0x3F97] =	sst s1;
	(tag) =	ssettag s2;
	_ =	strace s9  }
0x27: {  	s1 =	sld [smem:$0x3FA7]  }
0x28: {  	s2 =	sld [smem:$0x3FA8]  }
0x29: {  	s4 =	sld [smem:$0x3FAA]  }
0x2a: {  	p0 =	seq.s32 s5, $0x0;
	s5 =	sld [smem:$0x3FAB]  }
0x2b: {  	s6 =	sld [smem:$0x3FAC]  }
0x2c: {  	s7 =	sld [smem:$0x3FAD]  }
0x2d: {  	s3 =	simm.s32 $0x108;
	s8 =	sld [smem:$0x3FAE]  }
0x2e: {  	s3 =	simm.s32 @!p0 $0x1082;
	s9 =	sld [smem:$0x3FAF]  }
0x2f: {  	lr =	sadd.s32 s0, s3;
	s0 =	sld [smem:$0x3FA6]  }
0x30: {  	s3 =	sld [smem:$0x3FA9]  }
0x31: {  	[smem:$0x3FB2] =	sst s10  }
0x32: {  	s10 =	sld [smem:$0x3FB0];
	_ =	sdelay $0x3  }
0x33: {  	p0 =	seq.s32 s10, $0x1;
	s10 =	sld [smem:$0x3FB2];
	_ =	sdelay $0x3  }
0x34: {  	[smem:$0x3FB2] =	sst s10  }
0x35: {  	s10 =	sld [smem:$0x3FB1];
	_ =	sdelay $0x3  }
0x36: {  	p1 =	seq.s32 s10, $0x1;
	s10 =	sld [smem:$0x3FB2];
	_ =	sdelay $0x3  }
0x37: {  	[smem:$0x3FB2] =	sst s10  }
0x38: {  	s10 =	sld [smem:$0x3FB3]  }
0x39: {  	_ = 	snop;
	(pc) =	sbr.ind lr, $3  }
0x3a: {  	_ = 	snop  }
0x3b: {  	_ = 	snop  }
0x3c: {  	p2 =	seq.s32 s10, $0x1;
	s10 =	sld [smem:$0x3FB2]  }
0x3d: {  	_ =	shalt  }
0x3e: {  	_ =	shalt  }
0x3f: {  	_ =	shalt  }
0x40: {  	_ =	shalt  }
0x41: {  	_ =	shalt  }
0x42: {  	_ =	shalt  }
0x43: {  	_ =	shalt  }
0x44: {  	_ =	shalt  }
0x45: {  	_ =	shalt  }
0x46: {  	_ =	shalt  }
0x47: {  	_ =	shalt  }
0x48: {  	_ =	shalt  }
0x49: {  	_ =	shalt  }
0x4a: {  	_ =	shalt  }
0x4b: {  	_ =	shalt  }
0x4c: {  	_ =	shalt  }
0x4d: {  	_ =	shalt  }
0x4e: {  	_ =	shalt  }
0x4f: {  	_ =	shalt  }
0x50: {  	_ =	shalt  }
0x51: {  	_ =	shalt  }
0x52: {  	_ =	shalt  }
0x53: {  	_ =	shalt  }
0x54: {  	_ =	shalt  }
0x55: {  	_ =	shalt  }
0x56: {  	_ =	shalt  }
0x57: {  	_ =	shalt  }
0x58: {  	_ =	shalt  }
0x59: {  	_ =	shalt  }
0x5a: {  	_ =	shalt  }
0x5b: {  	_ =	shalt  }
0x5c: {  	_ =	shalt  }
0x5d: {  	_ =	shalt  }
0x5e: {  	_ =	shalt  }
0x5f: {  	_ =	shalt  }
0x60: {  	_ =	shalt  }
0x61: {  	_ =	shalt  }
0x62: {  	_ =	shalt  }
0x63: {  	_ =	shalt  }
0x64: {  	_ =	shalt  }
0x65: {  	_ =	shalt  }
0x66: {  	_ =	shalt  }
0x67: {  	_ =	shalt  }
0x68: {  	_ =	shalt  }
0x69: {  	_ =	shalt  }
0x6a: {  	_ =	shalt  }
0x6b: {  	_ =	shalt  }
0x6c: {  	_ =	shalt  }
0x6d: {  	_ =	shalt  }
0x6e: {  	_ =	shalt  }
0x6f: {  	_ =	shalt  }
0x70: {  	_ =	shalt  }
0x71: {  	_ =	shalt  }
0x72: {  	_ =	shalt  }
0x73: {  	_ =	shalt  }
0x74: {  	_ =	shalt  }
0x75: {  	_ =	shalt  }
0x76: {  	_ =	shalt  }
0x77: {  	_ =	shalt  }
0x78: {  	_ =	shalt  }
0x79: {  	_ =	shalt  }
0x7a: {  	_ =	shalt  }
0x7b: {  	_ =	shalt  }
0x7c: {  	_ =	shalt  }
0x7d: {  	_ =	shalt  }
0x7e: {  	_ =	shalt  }
0x7f: {  	_ =	shalt  }
0x80: {  	_ =	shalt  }
0x81: {  	_ =	shalt  }
0x82: {  	_ =	shalt  }
0x83: {  	_ =	shalt  }
0x84: {  	_ =	shalt  }
0x85: {  	_ =	shalt  }
0x86: {  	_ =	shalt  }
0x87: {  	_ =	shalt  }
.Lfunc_end0:
.L_simem_size_0:
called_computation.1_lowered:
.L_overlay_start_0:
0x88: {  	s2 =	sld [smem:$0x3FD9]  }
0x89: {  	s3 =	sld [smem:$0x3FFE];
	_ =	sdelay $0x1  }
0x8a: {  	s1 =	srdreg.scid  }
0x8b: {  	s0 =	sand.u32 $0x1, s1  }
0x8c: {  	s15 =	sshll.u32 s0, $0xA;
	s2 =	sadd.s32 s3, s2  }
0x8d: {  	s2 =	sadd.s32 s2, s15  }
0x8e: {  	[smem:$0x3FBE] =	sst s2  }
0x8f: {  	_ = 	snop  }
0x90: {  	s2 =	sld [smem:$0x3FD0];
	_ =	sdelay $0x2  }
0x91: {  	s4 =	simm.s32 $0xB;
	s16 =	simm.s32 $0x10  }
0x92: {  	[smem:s16], [sflag:s4] =	dma.local [hbm:s2], $0x1  }
0x93: {  	_ =	swait.eq [sflag:s4], $0x1  }
0x94: {  	[sflag:s4] =	ssyncset.done $0x0  }
0x95: {  	s17 =	sld [smem:$0x10];
	[sflag:s4] =	ssyncadd.s32 $0xFFFFFFFF  }
0x96: {  	s18 =	sld [smem:$0x11];
	(tm) =	ssettm $0x1  }
0x97: {  	s19 =	sld [smem:$0x3FFB];
	_ =	sdelay $0x3  }
0x98: {  	_ =	strace s19  }
0x99: {  	s2 =	sld [smem:$0x3FFC];
	_ =	sdelay $0x3  }
0x9a: {  	_ =	strace s2  }
0x9b: {  	s2 =	sld [smem:$0x3FFD];
	_ =	sdelay $0x3  }
0x9c: {  	_ =	strace s2  }
0x9d: {  	_ =	strace $0x8FFFFFFF  }
0x9e: {  	s20 =	sld [smem:$0x3FDB];
	_ =	sdelay $0x1  }
0x9f: {  	s5 =	simm.s32 $_scs_section_size  }
0xa0: {  	s6 =	simm.s32 $_size__tile_overlayer_lowered;
	s7 =	simm.s32 $_tile_overlayer_lowered  }
0xa1: {  	s8 =	simm.s32 $0x1BFF;
	s21 =	sshll.u32 s7, $0x1;
	s5 =	sadd.s32 s5, s20  }
0xa2: {  	s22 =	simm.s32 $0x0;
	s6 =	sshll.u32 s6, $0x1;
	s7 =	sadd.s32 s21, s5  }
0xa3: {  	[timem:s22], [sflag:s8] =	dma.local [hbm:s7], s6  }
0xa4: {  	_ =	swait.ge [sflag:s8], s6  }
0xa5: {  	s6 =	ssub.s32 $0x0, s6;
	[sflag:s8] =	ssyncset.done $0x0  }
0xa6: {  	[sflag:s8] =	ssyncadd.s32 s6;
	_ =	sdelay $0x1  }
0xa7: {  	s23 =	simm.s32 $0x1B8B  }
0xa8: {  	_ =	swait.ge [sflag:s23], $0x1  }
0xa9: {  	[sflag:s23] =	ssyncset.done $0x0  }
0xaa: {  	[sflag:s23] =	ssyncadd.s32 $0xFFFFFFFF  }
0xab: {  	s6 =	sld [smem:$0x0]  }
0xac: {  	s7 =	sand.u32 $0xFFFFFFFE, s1  }
0xad: {  	p0 =	sne.s32 s1, s7  }
0xae: {  	s7 =	sshll.u32 @p0 s7, $0xE  }
0xaf: {  	s7 =	sadd.s32 @p0 $0x11B8D, s7;
	s8 =	sshll.u32 @p0 s6, $0x11  }
0xb0: {  	s7 =	sor.u32 @p0 s8, s7  }
0xb1: {  	[sflag:s7] =	ssyncadd.remote.s32 @p0 $0x1;
	_ =	sdelay $0x1  }
0xb2: {  	s7 =	simm.s32 @p0 $0x1B8D  }
0xb3: {  	_ =	swait.eq @p0 [sflag:s7], $0x1  }
0xb4: {  	[sflag:s7] =	ssyncadd.s32 @p0 $0xFFFFFFFF  }
0xb5: {  	s8 =	sshll.u32 @!p0 s1, $0xE  }
0xb6: {  	s8 =	sor.u32 @!p0 $0x4000, s8;
	s7 =	simm.s32 @!p0 $0x1B8D  }
0xb7: {  	s6 =	sshll.u32 @!p0 s6, $0x11;
	s8 =	sadd.s32 @!p0 $0x11B8D, s8;
	_ =	swait.eq @!p0 [sflag:s7], $0x1  }
0xb8: {  	s6 =	sor.u32 @!p0 s6, s8;
	[sflag:s7] =	ssyncadd.s32 @!p0 $0xFFFFFFFF  }
0xb9: {  	s25 =	simm.s32 $0x1B8E;
	s24 =	sld [smem:$0x3FFE];
	[sflag:s6] =	ssyncadd.remote.s32 @!p0 $0x1  }
0xba: {  	s26 =	simm.s32 $execute0_lowered;
	[smem:$0x3FD2] =	sst s25  }
0xbb: {  	s7 =	sshll.u32 s26, $0x1;
	_ =	strace $0x8000004C;
	[dreg:$0x1] =	wrdreg $0xFFFFFFFF  }
0xbc: {  	s28 =	simm.s32 $_size_execute0_lowered;
	s5 =	sadd.s32 s5, s7;
	[dreg:$0x0] =	wrdreg $0x0  }
0xbd: {  	s7 =	sshll.u32 s28, $0x1;
	[dreg:$0x2] =	wrdreg s5  }
0xbe: {  	[dreg:$0x3] =	wrdreg s7  }
0xbf: {  	[dreg:$0x4] =	wrdreg $0xC0  }
0xc0: {  	_ =	task [dreg:s22], $0x5FFFF  }
0xc1: {  	[dreg:$0x1] =	wrdreg $0xFFFFFFFF  }
0xc2: {  	[dreg:$0x0] =	wrdreg $0x60  }
0xc3: {  	[dreg:$0x2] =	wrdreg s24  }
0xc4: {  	[dreg:$0x3] =	wrdreg s17  }
0xc5: {  	[dreg:$0x4] =	wrdreg s18  }
0xc6: {  	[dreg:$0x5] =	wrdreg $0x70000  }
0xc7: {  	[dreg:$0x6] =	wrdreg $0x10E000  }
0xc8: {  	[dreg:$0x7] =	wrdreg $0x9  }
0xc9: {  	_ =	task.clear_ibuf [dreg:s22], $0x8FFFF;
	_ =	strace $0x9000004C  }
0xca: {  	s29 =	simm.s32 $0x9;
	_ =	strace $0x8000004E  }
0xcb: {  	_ =	swait.ge [sflag:s29], $0x1  }
0xcc: {  	[sflag:s29] =	ssyncadd.s32 $0xFFFFFFFF  }
0xcd: {  	_ =	strace $0x9000004E  }
0xce: {  	_ =	sfence  }
0xcf: {  	s30 =	sld [smem:$0x0];
	_ =	sdelay $0x2  }
0xd0: {  	s31 =	sshll.u32 s1, $0xD;
	s1 =	sshrl.u32 s1, $0x2  }
0xd1: {  	s4 =	sand.u32 $0x4000, s31;
	s1 =	sadd.s32 s1, s30  }
0xd2: {  	s0 =	sor.u32 s4, s0;
	s1 =	sshll.u32 s1, $0x11  }
0xd3: {  	s0 =	sor.u32 s1, s0  }
0xd4: {  	s0 =	sadd.s32 $0x8F2B, s0  }
0xd5: {  	[sflag:s0] =	ssyncadd.remote.s32 $0x1  }
0xd6: {  	_ =	sfence.sel $0xFFFF  }
0xd7: {  	[dreg:$0x0] =	wrdreg $0xFFFFFFFF;
	(pc) =	sbr.abs _section_cstart, $3  }
0xd8: {  	[dreg:$0x1] =	wrdreg $0xFFFFFFFF  }
0xd9: {  	_ =	task.clear_ibuf [dreg:s22], $0x2FFFF;
	_ =	strace $0x9FFFFFFF  }
0xda: {  	(tm) =	ssettm $0x7FFFFFFF  }
0xdb: {  	_ =	shalt  }
tec
execute0_lowered:
.L_overlay_start_1:
0x0: {  	(tag) =	ssettag $0x1  }
0x1: {  	s5 =	rddreg [dreg:$0x0]  }
0x2: {  	s8 =	rddreg [dreg:$0x1]  }
0x3: {  	s10 =	rddreg [dreg:$0x2]  }
0x4: {  	s2 =	rddreg [dreg:$0x3]  }
0x5: {  	s0 =	srdreg.scid;
	s3 =	rddreg [dreg:$0x4]  }
0x6: {  	s24 =	stileid.u32;
	s4 =	simm.s32 $0x0;
	s18 =	simm.s32 $0x3000  }
0x7: {  	s19 =	simm.s32 $0x5000;
	s20 =	simm.s32 $0x1;
	s21 =	simm.s32 $0x2  }
0x8: {  	s23 =	simm.s32 $0x2F00;
	s28 =	simm.s32 $0x2780;
	s29 =	simm.s32 $0x0  }
0x9: {  	s17 =	sand.u32 $0x1, s0;
	[smem:$0x7FF] =	sst s4;
	s11 =	smul.u32 $0x9E00, s24  }
0xa: {  	s13 =	smul.u32 $0xFA00, s24;
	p1 =	slt.u32 s24, $0xA;
	s31 =	sshll.u32 s24, $0x6  }
0xb: {  	s6 =	sshll.u32 s17, $0x4;
	_ =	strace $0x8000004D;
	s7 =	ssub.s32 $0x2, s17  }
0xc: {  	p0 =	seq.s32 s17, $0x1;
	s14 =	smul.u32 $0x9E000, s17;
	p2 =	sne.s32 s17, $0x0  }
0xd: {  	s17 =	simm.s32 $0x80;
	s6 =	sor.u32 s24, s6;
	s25 =	sshrl.u32 s7, $0x1  }
0xe: {  	s26 =	sshrl.u32 s11, $0x3;
	s15 =	sadd.s32 s11, s2;
	p1 =	por !p1, !p0  }
0xf: {  	s30 =	sshrl.u32 s13, $0x3;
	s16 =	sadd.s32 s13, s3;
	s13 =	simm.s32 $0x1800  }
0x10: {  	s24 =	simm.s32 $0x2F80;
	s6 =	smul.u32 $0x300, s6;
	s12 =	ssub.s32 s7, s25  }
0x11: {  	s8 =	sadd.s32 s8, s26;
	p1 =	por !p1, !p1;
	s11 =	sadd.s32 s11, s14  }
.Ltmp0:
0x12: {  	s14 =	sor.u32 $0x1C03, s31;
	s15 =	sshrl.u32 s15, $0x3;
	(pc) =	sbr.rel .LBB2_1-.Ltmp0, $4  }
0x13: {  	s25 =	simm.s32 $0xF80;
	s26 =	simm.s32 $0x2700;
	s11 =	sshrl.u32 s11, $0x3  }
0x14: {  	s16 =	sshrl.u32 @p1 s16, $0x3;
	s9 =	sadd.s32 s6, s5;
	s5 =	sadd.s32 $0x22C00, s5  }
0x15: {  	s10 =	sadd.s32 s10, s11;
	s11 =	smax.u32 s12, $0x1;
	s12 =	simm.s32 $0x3  }
0x16: {  	s6 =	sadd.s32 $0x9200, s9;
	s7 =	sadd.s32 $0x3200, s9;
	s9 =	sadd.s32 s5, s30  }
.LBB2_8:
0x17: {  	s0 =	sadd.s32 $0x80, s30;
	[sflag:s12] =	ssyncadd.s32 $0xFFFFE000  }
0x18: {  	[tilespmem:s19], [sflag:$0x2] =	stream.indirect.gather [spmem:s3], $0x40, s0, s17, $0xb8;
	[tilespmem:$0x1AA40] =	vst v63  }
0x19: {  	_ =	swait.ge [sflag:s20], $0x2000  }
0x1a: {  	[sflag:s20] =	ssyncset.done $0x0  }
0x1b: {  	s1 =	sadd.s32 $0x1800, s30;
	[sflag:s20] =	ssyncadd.s32 $0xFFFFE000  }
0x1c: {  	[spmem:s2] =	stream.indirect.scatter.add.f32 [tilespmem:s18], [sflag:$0x3], $0x40, s1, s17, $0xb8;
	[tilespmem:$0x1AA40] =	vst v63  }
0x1d: {  	_ =	swait.ge [sflag:s12], $0x2000  }
0x1e: {  	[sflag:s12] =	ssyncset.done $0x0  }
0x1f: {  	s22 =	sadd.s32 $0x100, s30;
	[sflag:s12] =	ssyncadd.s32 $0xFFFFE000  }
0x20: {  	[tilespmem:s18], [sflag:$0x1] =	stream.indirect.gather [spmem:s3], $0x40, s22, s17, $0xb8;
	[tilespmem:$0x1AA40] =	vst v63  }
0x21: {  	_ =	swait.ge [sflag:s21], $0x2000  }
0x22: {  	[sflag:s21] =	ssyncset.done $0x0  }
0x23: {  	s31 =	sadd.s32 $0x1880, s30;
	[sflag:s21] =	ssyncadd.s32 $0xFFFFE000  }
0x24: {  	[spmem:s2] =	stream.indirect.scatter.add.f32 [tilespmem:s19], [sflag:$0x3], $0x40, s31, s17, $0xb8;
	[tilespmem:$0x1AA40] =	vst v63  }
0x25: {  	_ =	swait.ge [sflag:s12], $0x2000  }
0x26: {  	[sflag:s12] =	ssyncset.done $0x0  }
0x27: {  	[sflag:s12] =	ssyncadd.s32 $0xFFFFE000  }
0x28: {  	[tilespmem:s19], [sflag:$0x2] =	stream.indirect.gather [spmem:s3], $0x40, s25, s17, $0xb8;
	[tilespmem:$0x1AA40] =	vst v63  }
0x29: {  	_ =	swait.ge [sflag:s20], $0x2000  }
0x2a: {  	[sflag:s20] =	ssyncset.done $0x0  }
0x2b: {  	[sflag:s20] =	ssyncadd.s32 $0xFFFFE000  }
0x2c: {  	[spmem:s2] =	stream.indirect.scatter.add.f32 [tilespmem:s18], [sflag:$0x3], $0x40, s26, s17, $0xb8;
	[tilespmem:$0x1AA40] =	vst v63  }
0x2d: {  	_ =	swait.ge [sflag:s12], $0x2000  }
0x2e: {  	[sflag:s12] =	ssyncset.done $0x0  }
0x2f: {  	[sflag:s12] =	ssyncadd.s32 $0xFFFFE000  }
0x30: {  	_ =	swait.ge [sflag:s21], $0x2000  }
0x31: {  	[sflag:s21] =	ssyncset.done $0x0  }
0x32: {  	[sflag:s21] =	ssyncadd.s32 $0xFFFFE000  }
0x33: {  	[spmem:s2] =	stream.indirect.scatter.add.f32 [tilespmem:s19], [sflag:$0x3], $0x40, s28, s17, $0xb8;
	[tilespmem:$0x1AA40] =	vst v63  }
0x34: {  	_ =	swait.ge [sflag:s12], $0x2000  }
0x35: {  	[sflag:s12] =	ssyncset.done $0x0  }
0x36: {  	[sflag:s12] =	ssyncadd.s32 $0xFFFFE000  }
.LBB2_9:
0x37: {  	s29 =	sadd.s32 $0x1, s29  }
0x38: {  	p3 =	sne.s32 s29, s11  }
.Ltmp1:
0x39: {  	[bflag:$0x0] =	sbarrier.arrive $0xFFFF;
	(pc) =	sbr.rel @!p3 .LBB2_10-.Ltmp1, $4  }
0x3a: {  	[hbm:s10], [sflag:s14] =	dma.local [spmem:s15], $0x13C0  }
0x3b: {  	_ =	swait.ge [sflag:s12], $0x13C0  }
0x3c: {  	[sflag:s12] =	ssyncset.done $0x0  }
0x3d: {  	[sflag:s12] =	ssyncadd.s32 $0xFFFFEC40  }
.LBB2_1:
0x3e: {  	[tilespmem:s4], [sflag:$0x3] =	stream.linear.gather [hbm4b:s6+s4], $0x1800, $0x38;
	[tilespmem:$0x1AA40] =	vst v63  }
0x3f: {  	_ =	swait.ge [sflag:s12], $0x1800  }
0x40: {  	[sflag:s12] =	ssyncset.done $0x0  }
0x41: {  	[sflag:s12] =	ssyncadd.s32 $0xFFFFE800  }
0x42: {  	[tilespmem:s13], [sflag:$0x3] =	stream.linear.gather [hbm4b:s7+s4], $0x1800, $0x38;
	[tilespmem:$0x1AA40] =	vst v63  }
0x43: {  	_ =	swait.ge [sflag:s12], $0x1800  }
0x44: {  	[sflag:s12] =	ssyncset.done $0x0  }
0x45: {  	[sflag:s12] =	ssyncadd.s32 $0xFFFFE800  }
0x46: {  	[spmem:s15], [sflag:s14] =	dma.local [hbm:s8], $0x13C0  }
0x47: {  	_ =	swait.ge [sflag:s12], $0x13C0  }
0x48: {  	[sflag:s12] =	ssyncset.done $0x0  }
0x49: {  	s30 =	simm.s32 @p1 $0x3;
	[sflag:s12] =	ssyncadd.s32 $0xFFFFEC40  }
0x4a: {  	[spmem:s16], [sflag:s14] =	dma.local @p1 [hbm:s9], $0x1F40  }
.Ltmp2:
0x4b: {  	_ =	swait.ge @p1 [sflag:s30], $0x1F40;
	(pc) =	sbr.rel @p2 .LBB2_5-.Ltmp2, $3  }
0x4c: {  	[sflag:s30] =	ssyncset.done @p1 $0x0  }
0x4d: {  	[sflag:s30] =	ssyncadd.s32 @p1 $0xFFFFE0C0  }
0x4e: {  	[bflag:$0x0] =	sbarrier.arrive $0xFFFF;
	_ =	sdelay $0x1  }
0x4f: {  	s30 =	simm.s32 $0x0  }
0x50: {  	[tilespmem:s18], [sflag:$0x1] =	stream.indirect.gather [hbm4b:s5+s17], $0x40, s30, s17, $0xb8;
	[tilespmem:$0x1AA40] =	vst v63  }
0x51: {  	s30 =	simm.s32 $0x80  }
0x52: {  	[tilespmem:s19], [sflag:$0x2] =	stream.indirect.gather [hbm4b:s5+s17], $0x40, s30, s17, $0xb8;
	[tilespmem:$0x1AA40] =	vst v63  }
0x53: {  	_ =	swait.ge [sflag:s20], $0x2000  }
0x54: {  	[sflag:s20] =	ssyncset.done $0x0  }
0x55: {  	s30 =	simm.s32 $0x1800;
	[sflag:s20] =	ssyncadd.s32 $0xFFFFE000  }
0x56: {  	[spmem:s2] =	stream.indirect.scatter.add.f32 [tilespmem:s18], [sflag:$0x3], $0x40, s30, s17, $0xb8;
	[tilespmem:$0x1AA40] =	vst v63  }
0x57: {  	_ =	swait.ge [sflag:s12], $0x2000  }
0x58: {  	[sflag:s12] =	ssyncset.done $0x0  }
0x59: {  	s30 =	simm.s32 $0x100;
	[sflag:s12] =	ssyncadd.s32 $0xFFFFE000  }
0x5a: {  	[tilespmem:s18], [sflag:$0x1] =	stream.indirect.gather [hbm4b:s5+s17], $0x40, s30, s17, $0xb8;
	[tilespmem:$0x1AA40] =	vst v63  }
0x5b: {  	_ =	swait.ge [sflag:s21], $0x2000  }
0x5c: {  	[sflag:s21] =	ssyncset.done $0x0  }
0x5d: {  	s30 =	simm.s32 $0x1880;
	[sflag:s21] =	ssyncadd.s32 $0xFFFFE000  }
0x5e: {  	[spmem:s2] =	stream.indirect.scatter.add.f32 [tilespmem:s19], [sflag:$0x3], $0x40, s30, s17, $0xb8;
	[tilespmem:$0x1AA40] =	vst v63  }
0x5f: {  	_ =	swait.ge [sflag:s12], $0x2000  }
0x60: {  	s31 =	simm.s32 $0x800;
	s30 =	simm.s32 $0x100;
	[sflag:s12] =	ssyncset.done $0x0  }
.LBB2_3:
0x61: {  	s0 =	sadd.s32 $0x80, s30  }
0x62: {  	[sflag:s12] =	ssyncadd.s32 $0xFFFFE000;
	s1 =	smov.u32 s31;
	s22 =	sadd.s32 $0x400, s31  }
0x63: {  	[tilespmem:s19], [sflag:$0x2] =	stream.indirect.gather [hbm4b:s5+s17], $0x40, s0, s17, $0xb8;
	[tilespmem:$0x1AA40] =	vst v63  }
0x64: {  	p3 =	sne.s32 s31, $0x5800;
	_ =	swait.ge [sflag:s20], $0x2000  }
0x65: {  	[sflag:s20] =	ssyncset.done $0x0  }
0x66: {  	s0 =	sadd.s32 $0x1800, s30;
	[sflag:s20] =	ssyncadd.s32 $0xFFFFE000  }
0x67: {  	[spmem:s2] =	stream.indirect.scatter.add.f32 [tilespmem:s18], [sflag:$0x3], $0x40, s0, s17, $0xb8;
	[tilespmem:$0x1AA40] =	vst v63  }
0x68: {  	_ =	swait.ge [sflag:s12], $0x2000  }
0x69: {  	[sflag:s12] =	ssyncset.done $0x0  }
0x6a: {  	s0 =	sadd.s32 $0x100, s30;
	[sflag:s12] =	ssyncadd.s32 $0xFFFFE000  }
0x6b: {  	[tilespmem:s18], [sflag:$0x1] =	stream.indirect.gather [hbm4b:s5+s17], $0x40, s0, s17, $0xb8;
	[tilespmem:$0x1AA40] =	vst v63  }
0x6c: {  	_ =	swait.ge [sflag:s21], $0x2000  }
.Ltmp3:
0x6d: {  	[sflag:s21] =	ssyncset.done $0x0;
	(pc) =	sbr.rel @p3 .LBB2_3-.Ltmp3, $4  }
0x6e: {  	s0 =	sadd.s32 $0x1880, s30;
	[sflag:s21] =	ssyncadd.s32 $0xFFFFE000  }
0x6f: {  	[spmem:s2] =	stream.indirect.scatter.add.f32 [tilespmem:s19], [sflag:$0x3], $0x40, s0, s17, $0xb8;
	[tilespmem:$0x1AA40] =	vst v63  }
0x70: {  	_ =	swait.ge [sflag:s12], $0x2000  }
0x71: {  	s31 =	smov.u32 s22;
	s30 =	sshra.s32 s1, $0x2;
	[sflag:s12] =	ssyncset.done $0x0  }
0x72: {  	s0 =	sadd.s32 $0x80, s30;
	[sflag:s12] =	ssyncadd.s32 $0xFFFFE000  }
0x73: {  	[tilespmem:s19], [sflag:$0x2] =	stream.indirect.gather [hbm4b:s5+s17], $0x40, s0, s17, $0xb8;
	[tilespmem:$0x1AA40] =	vst v63  }
0x74: {  	_ =	swait.ge [sflag:s20], $0x2000  }
0x75: {  	[sflag:s20] =	ssyncset.done $0x0  }
0x76: {  	s1 =	sadd.s32 $0x1800, s30;
	[sflag:s20] =	ssyncadd.s32 $0xFFFFE000  }
0x77: {  	[spmem:s2] =	stream.indirect.scatter.add.f32 [tilespmem:s18], [sflag:$0x3], $0x40, s1, s17, $0xb8;
	[tilespmem:$0x1AA40] =	vst v63  }
0x78: {  	_ =	swait.ge [sflag:s12], $0x2000  }
0x79: {  	[sflag:s12] =	ssyncset.done $0x0  }
0x7a: {  	s22 =	sadd.s32 $0x100, s30;
	[sflag:s12] =	ssyncadd.s32 $0xFFFFE000  }
0x7b: {  	[tilespmem:s18], [sflag:$0x1] =	stream.indirect.gather [hbm4b:s5+s17], $0x40, s22, s17, $0xb8;
	[tilespmem:$0x1AA40] =	vst v63  }
0x7c: {  	_ =	swait.ge [sflag:s21], $0x2000  }
0x7d: {  	[sflag:s21] =	ssyncset.done $0x0  }
0x7e: {  	s30 =	sadd.s32 $0x1880, s30;
	[sflag:s21] =	ssyncadd.s32 $0xFFFFE000  }
0x7f: {  	[spmem:s2] =	stream.indirect.scatter.add.f32 [tilespmem:s19], [sflag:$0x3], $0x40, s30, s17, $0xb8;
	[tilespmem:$0x1AA40] =	vst v63  }
0x80: {  	_ =	swait.ge [sflag:s12], $0x2000  }
0x81: {  	[sflag:s12] =	ssyncset.done $0x0  }
0x82: {  	s31 =	simm.s32 $0x1780;
	[sflag:s12] =	ssyncadd.s32 $0xFFFFE000  }
0x83: {  	[tilespmem:s19], [sflag:$0x2] =	stream.indirect.gather [hbm4b:s5+s17], $0x40, s31, s17, $0xb8;
	[tilespmem:$0x1AA40] =	vst v63  }
0x84: {  	_ =	swait.ge [sflag:s20], $0x2000  }
0x85: {  	[sflag:s20] =	ssyncset.done $0x0  }
0x86: {  	[sflag:s20] =	ssyncadd.s32 $0xFFFFE000  }
0x87: {  	[spmem:s2] =	stream.indirect.scatter.add.f32 [tilespmem:s18], [sflag:$0x3], $0x40, s23, s17, $0xb8;
	[tilespmem:$0x1AA40] =	vst v63  }
0x88: {  	_ =	swait.ge [sflag:s12], $0x2000  }
0x89: {  	[sflag:s12] =	ssyncset.done $0x0  }
0x8a: {  	[sflag:s12] =	ssyncadd.s32 $0xFFFFE000  }
0x8b: {  	_ =	swait.ge [sflag:s21], $0x2000  }
0x8c: {  	[sflag:s21] =	ssyncset.done $0x0  }
0x8d: {  	[sflag:s21] =	ssyncadd.s32 $0xFFFFE000  }
0x8e: {  	[spmem:s2] =	stream.indirect.scatter.add.f32 [tilespmem:s19], [sflag:$0x3], $0x40, s24, s17, $0xb8;
	[tilespmem:$0x1AA40] =	vst v63  }
0x8f: {  	_ =	swait.ge [sflag:s12], $0x2000  }
0x90: {  	[sflag:s12] =	ssyncset.done $0x0  }
0x91: {  	[sflag:s12] =	ssyncadd.s32 $0xFFFFE000  }
.LBB2_5:
.Ltmp4:
0x92: {  	(pc) =	sbr.rel @!p0 .LBB2_9-.Ltmp4, $1  }
0x93: {  	_ =	sdelay $0x3  }
0x94: {  	s0 =	simm.s32 $0x0  }
0x95: {  	[tilespmem:s18], [sflag:$0x1] =	stream.indirect.gather [spmem:s3], $0x40, s0, s17, $0xb8;
	[tilespmem:$0x1AA40] =	vst v63  }
0x96: {  	s1 =	simm.s32 $0x80  }
0x97: {  	[tilespmem:s19], [sflag:$0x2] =	stream.indirect.gather [spmem:s3], $0x40, s1, s17, $0xb8;
	[tilespmem:$0x1AA40] =	vst v63  }
0x98: {  	_ =	swait.ge [sflag:s20], $0x2000  }
0x99: {  	[sflag:s20] =	ssyncset.done $0x0  }
0x9a: {  	s22 =	simm.s32 $0x1800;
	[sflag:s20] =	ssyncadd.s32 $0xFFFFE000  }
0x9b: {  	[spmem:s2] =	stream.indirect.scatter.add.f32 [tilespmem:s18], [sflag:$0x3], $0x40, s22, s17, $0xb8;
	[tilespmem:$0x1AA40] =	vst v63  }
0x9c: {  	_ =	swait.ge [sflag:s12], $0x2000  }
0x9d: {  	[sflag:s12] =	ssyncset.done $0x0  }
0x9e: {  	s1 =	simm.s32 $0x100;
	[sflag:s12] =	ssyncadd.s32 $0xFFFFE000  }
0x9f: {  	[tilespmem:s18], [sflag:$0x1] =	stream.indirect.gather [spmem:s3], $0x40, s1, s17, $0xb8;
	[tilespmem:$0x1AA40] =	vst v63  }
0xa0: {  	_ =	swait.ge [sflag:s21], $0x2000  }
0xa1: {  	[sflag:s21] =	ssyncset.done $0x0  }
0xa2: {  	s22 =	simm.s32 $0x1880;
	[sflag:s21] =	ssyncadd.s32 $0xFFFFE000  }
0xa3: {  	[spmem:s2] =	stream.indirect.scatter.add.f32 [tilespmem:s19], [sflag:$0x3], $0x40, s22, s17, $0xb8;
	[tilespmem:$0x1AA40] =	vst v63  }
0xa4: {  	_ =	swait.ge [sflag:s12], $0x2000  }
0xa5: {  	s31 =	simm.s32 $0x800;
	s30 =	simm.s32 $0x100;
	[sflag:s12] =	ssyncset.done $0x0  }
.LBB2_7:
0xa6: {  	s0 =	sadd.s32 $0x80, s30  }
0xa7: {  	[sflag:s12] =	ssyncadd.s32 $0xFFFFE000;
	s1 =	smov.u32 s31;
	s22 =	sadd.s32 $0x400, s31  }
0xa8: {  	[tilespmem:s19], [sflag:$0x2] =	stream.indirect.gather [spmem:s3], $0x40, s0, s17, $0xb8;
	[tilespmem:$0x1AA40] =	vst v63  }
0xa9: {  	p3 =	sne.s32 s31, $0x3800;
	_ =	swait.ge [sflag:s20], $0x2000  }
0xaa: {  	[sflag:s20] =	ssyncset.done $0x0  }
0xab: {  	s0 =	sadd.s32 $0x1800, s30;
	[sflag:s20] =	ssyncadd.s32 $0xFFFFE000  }
0xac: {  	[spmem:s2] =	stream.indirect.scatter.add.f32 [tilespmem:s18], [sflag:$0x3], $0x40, s0, s17, $0xb8;
	[tilespmem:$0x1AA40] =	vst v63  }
0xad: {  	_ =	swait.ge [sflag:s12], $0x2000  }
0xae: {  	[sflag:s12] =	ssyncset.done $0x0  }
0xaf: {  	s0 =	sadd.s32 $0x100, s30;
	[sflag:s12] =	ssyncadd.s32 $0xFFFFE000  }
0xb0: {  	[tilespmem:s18], [sflag:$0x1] =	stream.indirect.gather [spmem:s3], $0x40, s0, s17, $0xb8;
	[tilespmem:$0x1AA40] =	vst v63  }
0xb1: {  	_ =	swait.ge [sflag:s21], $0x2000  }
.Ltmp5:
0xb2: {  	[sflag:s21] =	ssyncset.done $0x0;
	(pc) =	sbr.rel @p3 .LBB2_7-.Ltmp5, $4  }
0xb3: {  	s0 =	sadd.s32 $0x1880, s30;
	[sflag:s21] =	ssyncadd.s32 $0xFFFFE000  }
0xb4: {  	[spmem:s2] =	stream.indirect.scatter.add.f32 [tilespmem:s19], [sflag:$0x3], $0x40, s0, s17, $0xb8;
	[tilespmem:$0x1AA40] =	vst v63  }
0xb5: {  	_ =	swait.ge [sflag:s12], $0x2000  }
0xb6: {  	s31 =	smov.u32 s22;
	s30 =	sshra.s32 s1, $0x2;
	[sflag:s12] =	ssyncset.done $0x0  }
.Ltmp6:
0xb7: {  	_ = 	snop;
	(pc) =	sbr.rel .LBB2_8-.Ltmp6, $1  }
0xb8: {  	_ =	sdelay $0x3  }
.LBB2_10:
0xb9: {  	_ =	sfence.sel $0x180000  }
0xba: {  	[bflag:$0x0] =	sbarrier.arrive $0xFFFF  }
0xbb: {  	_ =	strace $0x9000004D  }
0xbc: {  	s0 =	stileid.u32;
	[bflag:$0x2] =	sbarrier.arrive $0xFFFF  }
0xbd: {  	p0 =	sne.s32 s0, $0x0;
	s0 =	rddreg [dreg:$0x5]  }
0xbe: {  	s0 =	sadd.s32 @!p0 $0x100000, s0  }
0xbf: {  	[sflag:s0] =	ssyncadd.tile.s32 @!p0 $0x1;
	_ =	shalt  }
.Lfunc_end2:
_tile_overlayer_lowered:
.L_overlay_start_2:
0xc0: {  	(tag) =	ssettag $0x2  }
0xc1: {  	s0 =	rddreg [dreg:$0x0];
	s2 =	stileid.u32  }
0xc2: {  	s1 =	rddreg [dreg:$0x1];
	p0 =	sne.s32 s2, $0x0  }
0xc3: {  	s3 =	rddreg [dreg:$0x2];
	[bflag:$0x3] =	sbarrier.arrive $0xFFFF;
	s2 =	simm.s32 @!p0 $0x1C03  }
0xc4: {  	[timem:s3], [sflag:s2] =	dma.local @!p0 [hbm:s0], s1  }
0xc5: {  	s0 =	simm.s32 @!p0 $0x3  }
0xc6: {  	_ =	swait.ge @!p0 [sflag:s0], s1  }
0xc7: {  	s1 =	ssub.s32 @!p0 $0x0, s1;
	[sflag:s0] =	ssyncset.done @!p0 $0x0  }
0xc8: {  	[sflag:s0] =	ssyncadd.s32 @!p0 s1  }
0xc9: {  	[bflag:$0x3] =	sbarrier.arrive $0xFFFF  }
0xca: {  	_ =	shalt  }

// kernel: kernel.17.cloned.1.call-start
scs
__scs_entry_jumppad:
0x0: {  	(pc) =	sbr.rel $0x88, $3  }
0x1: {  	(tag) =	ssettag $0x0;
	lr =	simm.s32 $0x1  }
0x2: {  	[smem:$0x3F97] =	sst lr;
	_ =	strace $0xD0000000  }
0x3: {  	_ = 	snop  }
0x4: {  	_ = 	snop  }
0x5: {  	_ = 	snop  }
0x6: {  	_ = 	snop  }
0x7: {  	_ = 	snop  }
__scs_overlays_trampoline_lowered:
0x8: {  	[smem:$0x3FA6] =	sst s0  }
0x9: {  	[smem:$0x3FA7] =	sst s1  }
0xa: {  	[smem:$0x3FA8] =	sst s2  }
0xb: {  	[smem:$0x3FA9] =	sst s3  }
0xc: {  	[smem:$0x3FAA] =	sst s4  }
0xd: {  	[smem:$0x3FAB] =	sst s5  }
0xe: {  	[smem:$0x3FAC] =	sst s6  }
0xf: {  	[smem:$0x3FAD] =	sst s7  }
0x10: {  	[smem:$0x3FAE] =	sst s8  }
0x11: {  	[smem:$0x3FAF] =	sst s9;
	s0 =	simm.s32 @!p0 $0x0  }
0x12: {  	s1 =	sld [smem:$0x3F95];
	s0 =	simm.s32 @p0 $0x1  }
0x13: {  	[smem:$0x3FB0] =	sst s0;
	s0 =	simm.s32 @!p1 $0x0  }
0x14: {  	s2 =	sld [smem:$0x3F94];
	s0 =	simm.s32 @p1 $0x1  }
0x15: {  	[smem:$0x3FB1] =	sst s0;
	s0 =	simm.s32 @!p2 $0x0  }
0x16: {  	s3 =	sld [smem:$0x3FDB];
	s0 =	simm.s32 @p2 $0x1  }
0x17: {  	s4 =	simm.s32 $0x1BF5;
	[smem:$0x3FB3] =	sst s0  }
0x18: {  	s0 =	sld [smem:$0x3F96];
	_ =	swait.ge [sflag:s4], $0x0  }
0x19: {  	s7 =	sld [smem:$0x3F97]  }
0x1a: {  	s8 =	sadd.s32 $0xFFFFE003, lr  }
0x1b: {  	s9 =	sadd.s32 $0xFFFFFEF7, lr;
	s5 =	simm.s32 $0xFFFFFFFF;
	p2 =	slt.u32 s8, $0xFFFFF086  }
0x1c: {  	p1 =	slt.u32 s9, $0xF7A;
	s5 =	simm.s32 @!p2 $0x0  }
0x1d: {  	s5 =	simm.s32 @p1 $0x1;
	p0 =	seq.s32 s7, s2  }
0x1e: {  	s7 =	smul.u32 @!p0 $0xF7A, s2;
	p2 =	seq.s32 @!p0 s5, $0x0  }
0x1f: {  	s9 =	smul.u32 $0xF7A, s1;
	s8 =	simm.s32 @!p0 $0x1BF5;
	p2 =	por !p2, p0  }
0x20: {  	[sflag:s8] =	ssyncset.s32 @!p0 $0xFFFFF086;
	s6 =	sadd.s32 @!p0 s3, s7;
	s7 =	simm.s32 @!p0 $0x108  }
0x21: {  	s3 =	sadd.s32 s3, s9;
	s6 =	sadd.s32 @!p0 $0x88, s6;
	s7 =	simm.s32 @p2 $0x1082  }
0x22: {  	[simem:s7], [sflag:s8] =	dma.local @!p0 [hbm:s6], $0xF7A  }
0x23: {  	s9 =	sor.u32 $0xD0000000, s2;
	s6 =	simm.s32 $0x108;
	_ =	swait.ge @!p0 [sflag:s8], $0x0  }
0x24: {  	s3 =	sadd.s32 $0x88, s3;
	s6 =	simm.s32 @!p1 $0x1082;
	[sflag:s4] =	ssyncset.s32 $0xFFFFF086  }
0x25: {  	[simem:s6], [sflag:s4] =	dma.local [hbm:s3], $0xF7A  }
0x26: {  	[smem:$0x3F97] =	sst s1;
	(tag) =	ssettag s2;
	_ =	strace s9  }
0x27: {  	s1 =	sld [smem:$0x3FA7]  }
0x28: {  	s2 =	sld [smem:$0x3FA8]  }
0x29: {  	s4 =	sld [smem:$0x3FAA]  }
0x2a: {  	p0 =	seq.s32 s5, $0x0;
	s5 =	sld [smem:$0x3FAB]  }
0x2b: {  	s6 =	sld [smem:$0x3FAC]  }
0x2c: {  	s7 =	sld [smem:$0x3FAD]  }
0x2d: {  	s3 =	simm.s32 $0x108;
	s8 =	sld [smem:$0x3FAE]  }
0x2e: {  	s3 =	simm.s32 @!p0 $0x1082;
	s9 =	sld [smem:$0x3FAF]  }
0x2f: {  	lr =	sadd.s32 s0, s3;
	s0 =	sld [smem:$0x3FA6]  }
0x30: {  	s3 =	sld [smem:$0x3FA9]  }
0x31: {  	[smem:$0x3FB2] =	sst s10  }
0x32: {  	s10 =	sld [smem:$0x3FB0];
	_ =	sdelay $0x3  }
0x33: {  	p0 =	seq.s32 s10, $0x1;
	s10 =	sld [smem:$0x3FB2];
	_ =	sdelay $0x3  }
0x34: {  	[smem:$0x3FB2] =	sst s10  }
0x35: {  	s10 =	sld [smem:$0x3FB1];
	_ =	sdelay $0x3  }
0x36: {  	p1 =	seq.s32 s10, $0x1;
	s10 =	sld [smem:$0x3FB2];
	_ =	sdelay $0x3  }
0x37: {  	[smem:$0x3FB2] =	sst s10  }
0x38: {  	s10 =	sld [smem:$0x3FB3]  }
0x39: {  	_ = 	snop;
	(pc) =	sbr.ind lr, $3  }
0x3a: {  	_ = 	snop  }
0x3b: {  	_ = 	snop  }
0x3c: {  	p2 =	seq.s32 s10, $0x1;
	s10 =	sld [smem:$0x3FB2]  }
0x3d: {  	_ =	shalt  }
0x3e: {  	_ =	shalt  }
0x3f: {  	_ =	shalt  }
0x40: {  	_ =	shalt  }
0x41: {  	_ =	shalt  }
0x42: {  	_ =	shalt  }
0x43: {  	_ =	shalt  }
0x44: {  	_ =	shalt  }
0x45: {  	_ =	shalt  }
0x46: {  	_ =	shalt  }
0x47: {  	_ =	shalt  }
0x48: {  	_ =	shalt  }
0x49: {  	_ =	shalt  }
0x4a: {  	_ =	shalt  }
0x4b: {  	_ =	shalt  }
0x4c: {  	_ =	shalt  }
0x4d: {  	_ =	shalt  }
0x4e: {  	_ =	shalt  }
0x4f: {  	_ =	shalt  }
0x50: {  	_ =	shalt  }
0x51: {  	_ =	shalt  }
0x52: {  	_ =	shalt  }
0x53: {  	_ =	shalt  }
0x54: {  	_ =	shalt  }
0x55: {  	_ =	shalt  }
0x56: {  	_ =	shalt  }
0x57: {  	_ =	shalt  }
0x58: {  	_ =	shalt  }
0x59: {  	_ =	shalt  }
0x5a: {  	_ =	shalt  }
0x5b: {  	_ =	shalt  }
0x5c: {  	_ =	shalt  }
0x5d: {  	_ =	shalt  }
0x5e: {  	_ =	shalt  }
0x5f: {  	_ =	shalt  }
0x60: {  	_ =	shalt  }
0x61: {  	_ =	shalt  }
0x62: {  	_ =	shalt  }
0x63: {  	_ =	shalt  }
0x64: {  	_ =	shalt  }
0x65: {  	_ =	shalt  }
0x66: {  	_ =	shalt  }
0x67: {  	_ =	shalt  }
0x68: {  	_ =	shalt  }
0x69: {  	_ =	shalt  }
0x6a: {  	_ =	shalt  }
0x6b: {  	_ =	shalt  }
0x6c: {  	_ =	shalt  }
0x6d: {  	_ =	shalt  }
0x6e: {  	_ =	shalt  }
0x6f: {  	_ =	shalt  }
0x70: {  	_ =	shalt  }
0x71: {  	_ =	shalt  }
0x72: {  	_ =	shalt  }
0x73: {  	_ =	shalt  }
0x74: {  	_ =	shalt  }
0x75: {  	_ =	shalt  }
0x76: {  	_ =	shalt  }
0x77: {  	_ =	shalt  }
0x78: {  	_ =	shalt  }
0x79: {  	_ =	shalt  }
0x7a: {  	_ =	shalt  }
0x7b: {  	_ =	shalt  }
0x7c: {  	_ =	shalt  }
0x7d: {  	_ =	shalt  }
0x7e: {  	_ =	shalt  }
0x7f: {  	_ =	shalt  }
0x80: {  	_ =	shalt  }
0x81: {  	_ =	shalt  }
0x82: {  	_ =	shalt  }
0x83: {  	_ =	shalt  }
0x84: {  	_ =	shalt  }
0x85: {  	_ =	shalt  }
0x86: {  	_ =	shalt  }
0x87: {  	_ =	shalt  }
.Lfunc_end0:
.L_simem_size_0:
called_computation.2_lowered:
.L_overlay_start_0:
0x88: {  	s2 =	sld [smem:$0x3FD9]  }
0x89: {  	s3 =	sld [smem:$0x3FFE];
	_ =	sdelay $0x1  }
0x8a: {  	s1 =	srdreg.scid  }
0x8b: {  	s0 =	sand.u32 $0x1, s1  }
0x8c: {  	s14 =	sshll.u32 s0, $0xA;
	s2 =	sadd.s32 s3, s2  }
0x8d: {  	s2 =	sadd.s32 s2, s14  }
0x8e: {  	[smem:$0x3FBE] =	sst s2  }
0x8f: {  	_ = 	snop  }
0x90: {  	s2 =	sld [smem:$0x3FD0];
	_ =	sdelay $0x2  }
0x91: {  	s15 =	simm.s32 $0xB;
	s4 =	simm.s32 $0x10  }
0x92: {  	[smem:s4], [sflag:s15] =	dma.local [hbm:s2], $0x1  }
0x93: {  	_ =	swait.eq [sflag:s15], $0x1  }
0x94: {  	[sflag:s15] =	ssyncset.done $0x0  }
0x95: {  	s16 =	sld [smem:$0x10];
	[sflag:s15] =	ssyncadd.s32 $0xFFFFFFFF  }
0x96: {  	s17 =	sld [smem:$0x12];
	(tm) =	ssettm $0x1  }
0x97: {  	s18 =	sld [smem:$0x3FFB];
	_ =	sdelay $0x3  }
0x98: {  	_ =	strace s18  }
0x99: {  	s4 =	sld [smem:$0x3FFC];
	_ =	sdelay $0x3  }
0x9a: {  	_ =	strace s4  }
0x9b: {  	s4 =	sld [smem:$0x3FFD];
	_ =	sdelay $0x3  }
0x9c: {  	_ =	strace s4  }
0x9d: {  	_ =	strace $0x8FFFFFFF  }
0x9e: {  	s19 =	sld [smem:$0x3FDB];
	_ =	sdelay $0x1  }
0x9f: {  	s5 =	simm.s32 $_scs_section_size  }
0xa0: {  	s6 =	simm.s32 $_size__tile_overlayer_lowered;
	s7 =	simm.s32 $_tile_overlayer_lowered  }
0xa1: {  	s22 =	simm.s32 $0x1BFF;
	s21 =	sshll.u32 s7, $0x1;
	s4 =	sadd.s32 s5, s19  }
0xa2: {  	s8 =	simm.s32 $0x0;
	s20 =	sshll.u32 s6, $0x1;
	s6 =	sadd.s32 s21, s4  }
0xa3: {  	[timem:s8], [sflag:s22] =	dma.local [hbm:s6], s20  }
0xa4: {  	_ =	swait.ge [sflag:s22], s20  }
0xa5: {  	s5 =	ssub.s32 $0x0, s20;
	[sflag:s22] =	ssyncset.done $0x0  }
0xa6: {  	[sflag:s22] =	ssyncadd.s32 s5;
	_ =	sdelay $0x1  }
0xa7: {  	s23 =	simm.s32 $0x1B8B  }
0xa8: {  	_ =	swait.ge [sflag:s23], $0x1  }
0xa9: {  	[sflag:s23] =	ssyncset.done $0x0  }
0xaa: {  	s25 =	simm.s32 $0x1B8E;
	s24 =	sld [smem:$0x3FFE];
	[sflag:s23] =	ssyncadd.s32 $0xFFFFFFFF  }
0xab: {  	s26 =	simm.s32 $execute0_lowered;
	[smem:$0x3FD2] =	sst s25  }
0xac: {  	s6 =	sshll.u32 s26, $0x1;
	_ =	strace $0x80000049;
	[dreg:$0x1] =	wrdreg $0xFFFFFFFF  }
0xad: {  	s28 =	simm.s32 $_size_execute0_lowered;
	s4 =	sadd.s32 s4, s6;
	[dreg:$0x0] =	wrdreg $0x0  }
0xae: {  	s6 =	sshll.u32 s28, $0x1;
	[dreg:$0x2] =	wrdreg s4  }
0xaf: {  	[dreg:$0x3] =	wrdreg s6  }
0xb0: {  	[dreg:$0x4] =	wrdreg $0xC0  }
0xb1: {  	_ =	task [dreg:s8], $0x5FFFF  }
0xb2: {  	[dreg:$0x1] =	wrdreg $0xFFFFFFFF  }
0xb3: {  	[dreg:$0x0] =	wrdreg $0x60  }
0xb4: {  	[dreg:$0x2] =	wrdreg s24  }
0xb5: {  	[dreg:$0x3] =	wrdreg s16  }
0xb6: {  	[dreg:$0x4] =	wrdreg s17  }
0xb7: {  	[dreg:$0x5] =	wrdreg $0x70000  }
0xb8: {  	[dreg:$0x6] =	wrdreg $0x10E000  }
0xb9: {  	[dreg:$0x7] =	wrdreg $0xA  }
0xba: {  	_ =	task.clear_ibuf [dreg:s8], $0x8FFFF;
	_ =	strace $0x90000049  }
0xbb: {  	s29 =	simm.s32 $0xA;
	_ =	strace $0x8000004B  }
0xbc: {  	_ =	swait.ge [sflag:s29], $0x1  }
0xbd: {  	[sflag:s29] =	ssyncadd.s32 $0xFFFFFFFF  }
0xbe: {  	_ =	strace $0x9000004B  }
0xbf: {  	_ =	sfence  }
0xc0: {  	s30 =	sld [smem:$0x0];
	_ =	sdelay $0x2  }
0xc1: {  	s31 =	sshll.u32 s1, $0xD;
	s1 =	sshrl.u32 s1, $0x2  }
0xc2: {  	s3 =	sand.u32 $0x4000, s31;
	s1 =	sadd.s32 s1, s30  }
0xc3: {  	s0 =	sor.u32 s3, s0;
	s1 =	sshll.u32 s1, $0x11  }
0xc4: {  	s0 =	sor.u32 s1, s0  }
0xc5: {  	s0 =	sadd.s32 $0x8F2B, s0  }
0xc6: {  	[sflag:s0] =	ssyncadd.remote.s32 $0x1  }
0xc7: {  	_ =	sfence.sel $0xFFFF  }
0xc8: {  	[dreg:$0x0] =	wrdreg $0xFFFFFFFF;
	(pc) =	sbr.abs _section_cstart, $3  }
0xc9: {  	[dreg:$0x1] =	wrdreg $0xFFFFFFFF  }
0xca: {  	_ =	task.clear_ibuf [dreg:s8], $0x2FFFF;
	_ =	strace $0x9FFFFFFF  }
0xcb: {  	(tm) =	ssettm $0x7FFFFFFF  }
tec
execute0_lowered:
.L_overlay_start_1:
0x0: {  	(tag) =	ssettag $0x1  }
0x1: {  	s5 =	rddreg [dreg:$0x0]  }
0x2: {  	s8 =	rddreg [dreg:$0x1]  }
0x3: {  	s10 =	rddreg [dreg:$0x2]  }
0x4: {  	s2 =	rddreg [dreg:$0x3]  }
0x5: {  	s0 =	srdreg.scid;
	s3 =	rddreg [dreg:$0x4]  }
0x6: {  	s24 =	stileid.u32;
	s4 =	simm.s32 $0x0;
	s18 =	simm.s32 $0x3000  }
0x7: {  	s19 =	simm.s32 $0x5000;
	s20 =	simm.s32 $0x1;
	s21 =	simm.s32 $0x2  }
0x8: {  	s23 =	simm.s32 $0x2F00;
	s28 =	simm.s32 $0x2780;
	s29 =	simm.s32 $0x0  }
0x9: {  	s17 =	sand.u32 $0x1, s0;
	[smem:$0x7FF] =	sst s4;
	s11 =	smul.u32 $0x9E00, s24  }
0xa: {  	s13 =	smul.u32 $0xFA00, s24;
	p1 =	slt.u32 s24, $0xA;
	s31 =	sshll.u32 s24, $0x6  }
0xb: {  	s6 =	sshll.u32 s17, $0x4;
	_ =	strace $0x8000004A;
	s7 =	ssub.s32 $0x2, s17  }
0xc: {  	p0 =	seq.s32 s17, $0x1;
	s14 =	smul.u32 $0x9E000, s17;
	p2 =	sne.s32 s17, $0x0  }
0xd: {  	s17 =	simm.s32 $0x80;
	s6 =	sor.u32 s24, s6;
	s25 =	sshrl.u32 s7, $0x1  }
0xe: {  	s26 =	sshrl.u32 s11, $0x3;
	s15 =	sadd.s32 s11, s2;
	p1 =	por !p1, !p0  }
0xf: {  	s30 =	sshrl.u32 s13, $0x3;
	s16 =	sadd.s32 s13, s3;
	s13 =	simm.s32 $0x1800  }
0x10: {  	s24 =	simm.s32 $0x2F80;
	s6 =	smul.u32 $0x300, s6;
	s12 =	ssub.s32 s7, s25  }
0x11: {  	s8 =	sadd.s32 s8, s26;
	p1 =	por !p1, !p1;
	s11 =	sadd.s32 s11, s14  }
.Ltmp0:
0x12: {  	s14 =	sor.u32 $0x1C03, s31;
	s15 =	sshrl.u32 s15, $0x3;
	(pc) =	sbr.rel .LBB2_1-.Ltmp0, $4  }
0x13: {  	s25 =	simm.s32 $0xF80;
	s26 =	simm.s32 $0x2700;
	s11 =	sshrl.u32 s11, $0x3  }
0x14: {  	s16 =	sshrl.u32 @p1 s16, $0x3;
	s9 =	sadd.s32 s6, s5;
	s5 =	sadd.s32 $0xF200, s5  }
0x15: {  	s10 =	sadd.s32 s10, s11;
	s11 =	smax.u32 s12, $0x1;
	s12 =	simm.s32 $0x3  }
0x16: {  	s6 =	sadd.s32 $0x9200, s9;
	s7 =	sadd.s32 $0x3200, s9;
	s9 =	sadd.s32 s5, s30  }
.LBB2_8:
0x17: {  	s0 =	sadd.s32 $0x80, s30;
	[sflag:s12] =	ssyncadd.s32 $0xFFFFE000  }
0x18: {  	[tilespmem:s19], [sflag:$0x2] =	stream.indirect.gather [spmem:s3], $0x40, s0, s17, $0xb8;
	[tilespmem:$0x1AA40] =	vst v63  }
0x19: {  	_ =	swait.ge [sflag:s20], $0x2000  }
0x1a: {  	[sflag:s20] =	ssyncset.done $0x0  }
0x1b: {  	s1 =	sadd.s32 $0x1800, s30;
	[sflag:s20] =	ssyncadd.s32 $0xFFFFE000  }
0x1c: {  	[spmem:s2] =	stream.indirect.scatter.add.f32 [tilespmem:s18], [sflag:$0x3], $0x40, s1, s17, $0xb8;
	[tilespmem:$0x1AA40] =	vst v63  }
0x1d: {  	_ =	swait.ge [sflag:s12], $0x2000  }
0x1e: {  	[sflag:s12] =	ssyncset.done $0x0  }
0x1f: {  	s22 =	sadd.s32 $0x100, s30;
	[sflag:s12] =	ssyncadd.s32 $0xFFFFE000  }
0x20: {  	[tilespmem:s18], [sflag:$0x1] =	stream.indirect.gather [spmem:s3], $0x40, s22, s17, $0xb8;
	[tilespmem:$0x1AA40] =	vst v63  }
0x21: {  	_ =	swait.ge [sflag:s21], $0x2000  }
0x22: {  	[sflag:s21] =	ssyncset.done $0x0  }
0x23: {  	s31 =	sadd.s32 $0x1880, s30;
	[sflag:s21] =	ssyncadd.s32 $0xFFFFE000  }
0x24: {  	[spmem:s2] =	stream.indirect.scatter.add.f32 [tilespmem:s19], [sflag:$0x3], $0x40, s31, s17, $0xb8;
	[tilespmem:$0x1AA40] =	vst v63  }
0x25: {  	_ =	swait.ge [sflag:s12], $0x2000  }
0x26: {  	[sflag:s12] =	ssyncset.done $0x0  }
0x27: {  	[sflag:s12] =	ssyncadd.s32 $0xFFFFE000  }
0x28: {  	[tilespmem:s19], [sflag:$0x2] =	stream.indirect.gather [spmem:s3], $0x40, s25, s17, $0xb8;
	[tilespmem:$0x1AA40] =	vst v63  }
0x29: {  	_ =	swait.ge [sflag:s20], $0x2000  }
0x2a: {  	[sflag:s20] =	ssyncset.done $0x0  }
0x2b: {  	[sflag:s20] =	ssyncadd.s32 $0xFFFFE000  }
0x2c: {  	[spmem:s2] =	stream.indirect.scatter.add.f32 [tilespmem:s18], [sflag:$0x3], $0x40, s26, s17, $0xb8;
	[tilespmem:$0x1AA40] =	vst v63  }
0x2d: {  	_ =	swait.ge [sflag:s12], $0x2000  }
0x2e: {  	[sflag:s12] =	ssyncset.done $0x0  }
0x2f: {  	[sflag:s12] =	ssyncadd.s32 $0xFFFFE000  }
0x30: {  	_ =	swait.ge [sflag:s21], $0x2000  }
0x31: {  	[sflag:s21] =	ssyncset.done $0x0  }
0x32: {  	[sflag:s21] =	ssyncadd.s32 $0xFFFFE000  }
0x33: {  	[spmem:s2] =	stream.indirect.scatter.add.f32 [tilespmem:s19], [sflag:$0x3], $0x40, s28, s17, $0xb8;
	[tilespmem:$0x1AA40] =	vst v63  }
0x34: {  	_ =	swait.ge [sflag:s12], $0x2000  }
0x35: {  	[sflag:s12] =	ssyncset.done $0x0  }
0x36: {  	[sflag:s12] =	ssyncadd.s32 $0xFFFFE000  }
.LBB2_9:
0x37: {  	s29 =	sadd.s32 $0x1, s29  }
0x38: {  	p3 =	sne.s32 s29, s11  }
.Ltmp1:
0x39: {  	[bflag:$0x0] =	sbarrier.arrive $0xFFFF;
	(pc) =	sbr.rel @!p3 .LBB2_10-.Ltmp1, $4  }
0x3a: {  	[hbm:s10], [sflag:s14] =	dma.local [spmem:s15], $0x13C0  }
0x3b: {  	_ =	swait.ge [sflag:s12], $0x13C0  }
0x3c: {  	[sflag:s12] =	ssyncset.done $0x0  }
0x3d: {  	[sflag:s12] =	ssyncadd.s32 $0xFFFFEC40  }
.LBB2_1:
0x3e: {  	[tilespmem:s4], [sflag:$0x3] =	stream.linear.gather [hbm4b:s6+s4], $0x1800, $0x38;
	[tilespmem:$0x1AA40] =	vst v63  }
0x3f: {  	_ =	swait.ge [sflag:s12], $0x1800  }
0x40: {  	[sflag:s12] =	ssyncset.done $0x0  }
0x41: {  	[sflag:s12] =	ssyncadd.s32 $0xFFFFE800  }
0x42: {  	[tilespmem:s13], [sflag:$0x3] =	stream.linear.gather [hbm4b:s7+s4], $0x1800, $0x38;
	[tilespmem:$0x1AA40] =	vst v63  }
0x43: {  	_ =	swait.ge [sflag:s12], $0x1800  }
0x44: {  	[sflag:s12] =	ssyncset.done $0x0  }
0x45: {  	[sflag:s12] =	ssyncadd.s32 $0xFFFFE800  }
0x46: {  	[spmem:s15], [sflag:s14] =	dma.local [hbm:s8], $0x13C0  }
0x47: {  	_ =	swait.ge [sflag:s12], $0x13C0  }
0x48: {  	[sflag:s12] =	ssyncset.done $0x0  }
0x49: {  	s30 =	simm.s32 @p1 $0x3;
	[sflag:s12] =	ssyncadd.s32 $0xFFFFEC40  }
0x4a: {  	[spmem:s16], [sflag:s14] =	dma.local @p1 [hbm:s9], $0x1F40  }
.Ltmp2:
0x4b: {  	_ =	swait.ge @p1 [sflag:s30], $0x1F40;
	(pc) =	sbr.rel @p2 .LBB2_5-.Ltmp2, $3  }
0x4c: {  	[sflag:s30] =	ssyncset.done @p1 $0x0  }
0x4d: {  	[sflag:s30] =	ssyncadd.s32 @p1 $0xFFFFE0C0  }
0x4e: {  	[bflag:$0x0] =	sbarrier.arrive $0xFFFF;
	_ =	sdelay $0x1  }
0x4f: {  	s30 =	simm.s32 $0x0  }
0x50: {  	[tilespmem:s18], [sflag:$0x1] =	stream.indirect.gather [hbm4b:s5+s17], $0x40, s30, s17, $0xb8;
	[tilespmem:$0x1AA40] =	vst v63  }
0x51: {  	s30 =	simm.s32 $0x80  }
0x52: {  	[tilespmem:s19], [sflag:$0x2] =	stream.indirect.gather [hbm4b:s5+s17], $0x40, s30, s17, $0xb8;
	[tilespmem:$0x1AA40] =	vst v63  }
0x53: {  	_ =	swait.ge [sflag:s20], $0x2000  }
0x54: {  	[sflag:s20] =	ssyncset.done $0x0  }
0x55: {  	s30 =	simm.s32 $0x1800;
	[sflag:s20] =	ssyncadd.s32 $0xFFFFE000  }
0x56: {  	[spmem:s2] =	stream.indirect.scatter.add.f32 [tilespmem:s18], [sflag:$0x3], $0x40, s30, s17, $0xb8;
	[tilespmem:$0x1AA40] =	vst v63  }
0x57: {  	_ =	swait.ge [sflag:s12], $0x2000  }
0x58: {  	[sflag:s12] =	ssyncset.done $0x0  }
0x59: {  	s30 =	simm.s32 $0x100;
	[sflag:s12] =	ssyncadd.s32 $0xFFFFE000  }
0x5a: {  	[tilespmem:s18], [sflag:$0x1] =	stream.indirect.gather [hbm4b:s5+s17], $0x40, s30, s17, $0xb8;
	[tilespmem:$0x1AA40] =	vst v63  }
0x5b: {  	_ =	swait.ge [sflag:s21], $0x2000  }
0x5c: {  	[sflag:s21] =	ssyncset.done $0x0  }
0x5d: {  	s30 =	simm.s32 $0x1880;
	[sflag:s21] =	ssyncadd.s32 $0xFFFFE000  }
0x5e: {  	[spmem:s2] =	stream.indirect.scatter.add.f32 [tilespmem:s19], [sflag:$0x3], $0x40, s30, s17, $0xb8;
	[tilespmem:$0x1AA40] =	vst v63  }
0x5f: {  	_ =	swait.ge [sflag:s12], $0x2000  }
0x60: {  	s31 =	simm.s32 $0x800;
	s30 =	simm.s32 $0x100;
	[sflag:s12] =	ssyncset.done $0x0  }
.LBB2_3:
0x61: {  	s0 =	sadd.s32 $0x80, s30  }
0x62: {  	[sflag:s12] =	ssyncadd.s32 $0xFFFFE000;
	s1 =	smov.u32 s31;
	s22 =	sadd.s32 $0x400, s31  }
0x63: {  	[tilespmem:s19], [sflag:$0x2] =	stream.indirect.gather [hbm4b:s5+s17], $0x40, s0, s17, $0xb8;
	[tilespmem:$0x1AA40] =	vst v63  }
0x64: {  	p3 =	sne.s32 s31, $0x5800;
	_ =	swait.ge [sflag:s20], $0x2000  }
0x65: {  	[sflag:s20] =	ssyncset.done $0x0  }
0x66: {  	s0 =	sadd.s32 $0x1800, s30;
	[sflag:s20] =	ssyncadd.s32 $0xFFFFE000  }
0x67: {  	[spmem:s2] =	stream.indirect.scatter.add.f32 [tilespmem:s18], [sflag:$0x3], $0x40, s0, s17, $0xb8;
	[tilespmem:$0x1AA40] =	vst v63  }
0x68: {  	_ =	swait.ge [sflag:s12], $0x2000  }
0x69: {  	[sflag:s12] =	ssyncset.done $0x0  }
0x6a: {  	s0 =	sadd.s32 $0x100, s30;
	[sflag:s12] =	ssyncadd.s32 $0xFFFFE000  }
0x6b: {  	[tilespmem:s18], [sflag:$0x1] =	stream.indirect.gather [hbm4b:s5+s17], $0x40, s0, s17, $0xb8;
	[tilespmem:$0x1AA40] =	vst v63  }
0x6c: {  	_ =	swait.ge [sflag:s21], $0x2000  }
.Ltmp3:
0x6d: {  	[sflag:s21] =	ssyncset.done $0x0;
	(pc) =	sbr.rel @p3 .LBB2_3-.Ltmp3, $4  }
0x6e: {  	s0 =	sadd.s32 $0x1880, s30;
	[sflag:s21] =	ssyncadd.s32 $0xFFFFE000  }
0x6f: {  	[spmem:s2] =	stream.indirect.scatter.add.f32 [tilespmem:s19], [sflag:$0x3], $0x40, s0, s17, $0xb8;
	[tilespmem:$0x1AA40] =	vst v63  }
0x70: {  	_ =	swait.ge [sflag:s12], $0x2000  }
0x71: {  	s31 =	smov.u32 s22;
	s30 =	sshra.s32 s1, $0x2;
	[sflag:s12] =	ssyncset.done $0x0  }
0x72: {  	s0 =	sadd.s32 $0x80, s30;
	[sflag:s12] =	ssyncadd.s32 $0xFFFFE000  }
0x73: {  	[tilespmem:s19], [sflag:$0x2] =	stream.indirect.gather [hbm4b:s5+s17], $0x40, s0, s17, $0xb8;
	[tilespmem:$0x1AA40] =	vst v63  }
0x74: {  	_ =	swait.ge [sflag:s20], $0x2000  }
0x75: {  	[sflag:s20] =	ssyncset.done $0x0  }
0x76: {  	s1 =	sadd.s32 $0x1800, s30;
	[sflag:s20] =	ssyncadd.s32 $0xFFFFE000  }
0x77: {  	[spmem:s2] =	stream.indirect.scatter.add.f32 [tilespmem:s18], [sflag:$0x3], $0x40, s1, s17, $0xb8;
	[tilespmem:$0x1AA40] =	vst v63  }
0x78: {  	_ =	swait.ge [sflag:s12], $0x2000  }
0x79: {  	[sflag:s12] =	ssyncset.done $0x0  }
0x7a: {  	s22 =	sadd.s32 $0x100, s30;
	[sflag:s12] =	ssyncadd.s32 $0xFFFFE000  }
0x7b: {  	[tilespmem:s18], [sflag:$0x1] =	stream.indirect.gather [hbm4b:s5+s17], $0x40, s22, s17, $0xb8;
	[tilespmem:$0x1AA40] =	vst v63  }
0x7c: {  	_ =	swait.ge [sflag:s21], $0x2000  }
0x7d: {  	[sflag:s21] =	ssyncset.done $0x0  }
0x7e: {  	s30 =	sadd.s32 $0x1880, s30;
	[sflag:s21] =	ssyncadd.s32 $0xFFFFE000  }
0x7f: {  	[spmem:s2] =	stream.indirect.scatter.add.f32 [tilespmem:s19], [sflag:$0x3], $0x40, s30, s17, $0xb8;
	[tilespmem:$0x1AA40] =	vst v63  }
0x80: {  	_ =	swait.ge [sflag:s12], $0x2000  }
0x81: {  	[sflag:s12] =	ssyncset.done $0x0  }
0x82: {  	s31 =	simm.s32 $0x1780;
	[sflag:s12] =	ssyncadd.s32 $0xFFFFE000  }
0x83: {  	[tilespmem:s19], [sflag:$0x2] =	stream.indirect.gather [hbm4b:s5+s17], $0x40, s31, s17, $0xb8;
	[tilespmem:$0x1AA40] =	vst v63  }
0x84: {  	_ =	swait.ge [sflag:s20], $0x2000  }
0x85: {  	[sflag:s20] =	ssyncset.done $0x0  }
0x86: {  	[sflag:s20] =	ssyncadd.s32 $0xFFFFE000  }
0x87: {  	[spmem:s2] =	stream.indirect.scatter.add.f32 [tilespmem:s18], [sflag:$0x3], $0x40, s23, s17, $0xb8;
	[tilespmem:$0x1AA40] =	vst v63  }
0x88: {  	_ =	swait.ge [sflag:s12], $0x2000  }
0x89: {  	[sflag:s12] =	ssyncset.done $0x0  }
0x8a: {  	[sflag:s12] =	ssyncadd.s32 $0xFFFFE000  }
0x8b: {  	_ =	swait.ge [sflag:s21], $0x2000  }
0x8c: {  	[sflag:s21] =	ssyncset.done $0x0  }
0x8d: {  	[sflag:s21] =	ssyncadd.s32 $0xFFFFE000  }
0x8e: {  	[spmem:s2] =	stream.indirect.scatter.add.f32 [tilespmem:s19], [sflag:$0x3], $0x40, s24, s17, $0xb8;
	[tilespmem:$0x1AA40] =	vst v63  }
0x8f: {  	_ =	swait.ge [sflag:s12], $0x2000  }
0x90: {  	[sflag:s12] =	ssyncset.done $0x0  }
0x91: {  	[sflag:s12] =	ssyncadd.s32 $0xFFFFE000  }
.LBB2_5:
.Ltmp4:
0x92: {  	(pc) =	sbr.rel @!p0 .LBB2_9-.Ltmp4, $1  }
0x93: {  	_ =	sdelay $0x3  }
0x94: {  	s0 =	simm.s32 $0x0  }
0x95: {  	[tilespmem:s18], [sflag:$0x1] =	stream.indirect.gather [spmem:s3], $0x40, s0, s17, $0xb8;
	[tilespmem:$0x1AA40] =	vst v63  }
0x96: {  	s1 =	simm.s32 $0x80  }
0x97: {  	[tilespmem:s19], [sflag:$0x2] =	stream.indirect.gather [spmem:s3], $0x40, s1, s17, $0xb8;
	[tilespmem:$0x1AA40] =	vst v63  }
0x98: {  	_ =	swait.ge [sflag:s20], $0x2000  }
0x99: {  	[sflag:s20] =	ssyncset.done $0x0  }
0x9a: {  	s22 =	simm.s32 $0x1800;
	[sflag:s20] =	ssyncadd.s32 $0xFFFFE000  }
0x9b: {  	[spmem:s2] =	stream.indirect.scatter.add.f32 [tilespmem:s18], [sflag:$0x3], $0x40, s22, s17, $0xb8;
	[tilespmem:$0x1AA40] =	vst v63  }
0x9c: {  	_ =	swait.ge [sflag:s12], $0x2000  }
0x9d: {  	[sflag:s12] =	ssyncset.done $0x0  }
0x9e: {  	s1 =	simm.s32 $0x100;
	[sflag:s12] =	ssyncadd.s32 $0xFFFFE000  }
0x9f: {  	[tilespmem:s18], [sflag:$0x1] =	stream.indirect.gather [spmem:s3], $0x40, s1, s17, $0xb8;
	[tilespmem:$0x1AA40] =	vst v63  }
0xa0: {  	_ =	swait.ge [sflag:s21], $0x2000  }
0xa1: {  	[sflag:s21] =	ssyncset.done $0x0  }
0xa2: {  	s22 =	simm.s32 $0x1880;
	[sflag:s21] =	ssyncadd.s32 $0xFFFFE000  }
0xa3: {  	[spmem:s2] =	stream.indirect.scatter.add.f32 [tilespmem:s19], [sflag:$0x3], $0x40, s22, s17, $0xb8;
	[tilespmem:$0x1AA40] =	vst v63  }
0xa4: {  	_ =	swait.ge [sflag:s12], $0x2000  }
0xa5: {  	s31 =	simm.s32 $0x800;
	s30 =	simm.s32 $0x100;
	[sflag:s12] =	ssyncset.done $0x0  }
.LBB2_7:
0xa6: {  	s0 =	sadd.s32 $0x80, s30  }
0xa7: {  	[sflag:s12] =	ssyncadd.s32 $0xFFFFE000;
	s1 =	smov.u32 s31;
	s22 =	sadd.s32 $0x400, s31  }
0xa8: {  	[tilespmem:s19], [sflag:$0x2] =	stream.indirect.gather [spmem:s3], $0x40, s0, s17, $0xb8;
	[tilespmem:$0x1AA40] =	vst v63  }
0xa9: {  	p3 =	sne.s32 s31, $0x3800;
	_ =	swait.ge [sflag:s20], $0x2000  }
0xaa: {  	[sflag:s20] =	ssyncset.done $0x0  }
0xab: {  	s0 =	sadd.s32 $0x1800, s30;
	[sflag:s20] =	ssyncadd.s32 $0xFFFFE000  }
0xac: {  	[spmem:s2] =	stream.indirect.scatter.add.f32 [tilespmem:s18], [sflag:$0x3], $0x40, s0, s17, $0xb8;
	[tilespmem:$0x1AA40] =	vst v63  }
0xad: {  	_ =	swait.ge [sflag:s12], $0x2000  }
0xae: {  	[sflag:s12] =	ssyncset.done $0x0  }
0xaf: {  	s0 =	sadd.s32 $0x100, s30;
	[sflag:s12] =	ssyncadd.s32 $0xFFFFE000  }
0xb0: {  	[tilespmem:s18], [sflag:$0x1] =	stream.indirect.gather [spmem:s3], $0x40, s0, s17, $0xb8;
	[tilespmem:$0x1AA40] =	vst v63  }
0xb1: {  	_ =	swait.ge [sflag:s21], $0x2000  }
.Ltmp5:
0xb2: {  	[sflag:s21] =	ssyncset.done $0x0;
	(pc) =	sbr.rel @p3 .LBB2_7-.Ltmp5, $4  }
0xb3: {  	s0 =	sadd.s32 $0x1880, s30;
	[sflag:s21] =	ssyncadd.s32 $0xFFFFE000  }
0xb4: {  	[spmem:s2] =	stream.indirect.scatter.add.f32 [tilespmem:s19], [sflag:$0x3], $0x40, s0, s17, $0xb8;
	[tilespmem:$0x1AA40] =	vst v63  }
0xb5: {  	_ =	swait.ge [sflag:s12], $0x2000  }
0xb6: {  	s31 =	smov.u32 s22;
	s30 =	sshra.s32 s1, $0x2;
	[sflag:s12] =	ssyncset.done $0x0  }
.Ltmp6:
0xb7: {  	_ = 	snop;
	(pc) =	sbr.rel .LBB2_8-.Ltmp6, $1  }
0xb8: {  	_ =	sdelay $0x3  }
.LBB2_10:
0xb9: {  	_ =	sfence.sel $0x180000  }
0xba: {  	[bflag:$0x0] =	sbarrier.arrive $0xFFFF  }
0xbb: {  	_ =	strace $0x9000004A  }
0xbc: {  	s0 =	stileid.u32;
	[bflag:$0x2] =	sbarrier.arrive $0xFFFF  }
0xbd: {  	p0 =	sne.s32 s0, $0x0;
	s0 =	rddreg [dreg:$0x5]  }
0xbe: {  	s0 =	sadd.s32 @!p0 $0x100000, s0  }
0xbf: {  	[sflag:s0] =	ssyncadd.tile.s32 @!p0 $0x1;
	_ =	shalt  }
.Lfunc_end2:
_tile_overlayer_lowered:
.L_overlay_start_2:
0xc0: {  	(tag) =	ssettag $0x2  }
0xc1: {  	s0 =	rddreg [dreg:$0x0];
	s2 =	stileid.u32  }
0xc2: {  	s1 =	rddreg [dreg:$0x1];
	p0 =	sne.s32 s2, $0x0  }
0xc3: {  	s3 =	rddreg [dreg:$0x2];
	[bflag:$0x3] =	sbarrier.arrive $0xFFFF;
	s2 =	simm.s32 @!p0 $0x1C03  }
0xc4: {  	[timem:s3], [sflag:s2] =	dma.local @!p0 [hbm:s0], s1  }
0xc5: {  	s0 =	simm.s32 @!p0 $0x3  }
0xc6: {  	_ =	swait.ge @!p0 [sflag:s0], s1  }
0xc7: {  	s1 =	ssub.s32 @!p0 $0x0, s1;
	[sflag:s0] =	ssyncset.done @!p0 $0x0  }
0xc8: {  	[sflag:s0] =	ssyncadd.s32 @!p0 s1  }
0xc9: {  	[bflag:$0x3] =	sbarrier.arrive $0xFFFF  }
0xca: {  	_ =	shalt  }

// kernel: kernel.20.cloned.1.call-start
scs
__scs_entry_jumppad:
0x0: {  	(pc) =	sbr.rel $0x88, $3  }
0x1: {  	(tag) =	ssettag $0x0;
	lr =	simm.s32 $0x1  }
0x2: {  	[smem:$0x3F97] =	sst lr;
	_ =	strace $0xD0000000  }
0x3: {  	_ = 	snop  }
0x4: {  	_ = 	snop  }
0x5: {  	_ = 	snop  }
0x6: {  	_ = 	snop  }
0x7: {  	_ = 	snop  }
__scs_overlays_trampoline_lowered:
0x8: {  	[smem:$0x3FA6] =	sst s0  }
0x9: {  	[smem:$0x3FA7] =	sst s1  }
0xa: {  	[smem:$0x3FA8] =	sst s2  }
0xb: {  	[smem:$0x3FA9] =	sst s3  }
0xc: {  	[smem:$0x3FAA] =	sst s4  }
0xd: {  	[smem:$0x3FAB] =	sst s5  }
0xe: {  	[smem:$0x3FAC] =	sst s6  }
0xf: {  	[smem:$0x3FAD] =	sst s7  }
0x10: {  	[smem:$0x3FAE] =	sst s8  }
0x11: {  	[smem:$0x3FAF] =	sst s9;
	s0 =	simm.s32 @!p0 $0x0  }
0x12: {  	s1 =	sld [smem:$0x3F95];
	s0 =	simm.s32 @p0 $0x1  }
0x13: {  	[smem:$0x3FB0] =	sst s0;
	s0 =	simm.s32 @!p1 $0x0  }
0x14: {  	s2 =	sld [smem:$0x3F94];
	s0 =	simm.s32 @p1 $0x1  }
0x15: {  	[smem:$0x3FB1] =	sst s0;
	s0 =	simm.s32 @!p2 $0x0  }
0x16: {  	s3 =	sld [smem:$0x3FDB];
	s0 =	simm.s32 @p2 $0x1  }
0x17: {  	s4 =	simm.s32 $0x1BF5;
	[smem:$0x3FB3] =	sst s0  }
0x18: {  	s0 =	sld [smem:$0x3F96];
	_ =	swait.ge [sflag:s4], $0x0  }
0x19: {  	s7 =	sld [smem:$0x3F97]  }
0x1a: {  	s8 =	sadd.s32 $0xFFFFE003, lr  }
0x1b: {  	s9 =	sadd.s32 $0xFFFFFEF7, lr;
	s5 =	simm.s32 $0xFFFFFFFF;
	p2 =	slt.u32 s8, $0xFFFFF086  }
0x1c: {  	p1 =	slt.u32 s9, $0xF7A;
	s5 =	simm.s32 @!p2 $0x0  }
0x1d: {  	s5 =	simm.s32 @p1 $0x1;
	p0 =	seq.s32 s7, s2  }
0x1e: {  	s7 =	smul.u32 @!p0 $0xF7A, s2;
	p2 =	seq.s32 @!p0 s5, $0x0  }
0x1f: {  	s9 =	smul.u32 $0xF7A, s1;
	s8 =	simm.s32 @!p0 $0x1BF5;
	p2 =	por !p2, p0  }
0x20: {  	[sflag:s8] =	ssyncset.s32 @!p0 $0xFFFFF086;
	s6 =	sadd.s32 @!p0 s3, s7;
	s7 =	simm.s32 @!p0 $0x108  }
0x21: {  	s3 =	sadd.s32 s3, s9;
	s6 =	sadd.s32 @!p0 $0x88, s6;
	s7 =	simm.s32 @p2 $0x1082  }
0x22: {  	[simem:s7], [sflag:s8] =	dma.local @!p0 [hbm:s6], $0xF7A  }
0x23: {  	s9 =	sor.u32 $0xD0000000, s2;
	s6 =	simm.s32 $0x108;
	_ =	swait.ge @!p0 [sflag:s8], $0x0  }
0x24: {  	s3 =	sadd.s32 $0x88, s3;
	s6 =	simm.s32 @!p1 $0x1082;
	[sflag:s4] =	ssyncset.s32 $0xFFFFF086  }
0x25: {  	[simem:s6], [sflag:s4] =	dma.local [hbm:s3], $0xF7A  }
0x26: {  	[smem:$0x3F97] =	sst s1;
	(tag) =	ssettag s2;
	_ =	strace s9  }
0x27: {  	s1 =	sld [smem:$0x3FA7]  }
0x28: {  	s2 =	sld [smem:$0x3FA8]  }
0x29: {  	s4 =	sld [smem:$0x3FAA]  }
0x2a: {  	p0 =	seq.s32 s5, $0x0;
	s5 =	sld [smem:$0x3FAB]  }
0x2b: {  	s6 =	sld [smem:$0x3FAC]  }
0x2c: {  	s7 =	sld [smem:$0x3FAD]  }
0x2d: {  	s3 =	simm.s32 $0x108;
	s8 =	sld [smem:$0x3FAE]  }
0x2e: {  	s3 =	simm.s32 @!p0 $0x1082;
	s9 =	sld [smem:$0x3FAF]  }
0x2f: {  	lr =	sadd.s32 s0, s3;
	s0 =	sld [smem:$0x3FA6]  }
0x30: {  	s3 =	sld [smem:$0x3FA9]  }
0x31: {  	[smem:$0x3FB2] =	sst s10  }
0x32: {  	s10 =	sld [smem:$0x3FB0];
	_ =	sdelay $0x3  }
0x33: {  	p0 =	seq.s32 s10, $0x1;
	s10 =	sld [smem:$0x3FB2];
	_ =	sdelay $0x3  }
0x34: {  	[smem:$0x3FB2] =	sst s10  }
0x35: {  	s10 =	sld [smem:$0x3FB1];
	_ =	sdelay $0x3  }
0x36: {  	p1 =	seq.s32 s10, $0x1;
	s10 =	sld [smem:$0x3FB2];
	_ =	sdelay $0x3  }
0x37: {  	[smem:$0x3FB2] =	sst s10  }
0x38: {  	s10 =	sld [smem:$0x3FB3]  }
0x39: {  	_ = 	snop;
	(pc) =	sbr.ind lr, $3  }
0x3a: {  	_ = 	snop  }
0x3b: {  	_ = 	snop  }
0x3c: {  	p2 =	seq.s32 s10, $0x1;
	s10 =	sld [smem:$0x3FB2]  }
0x3d: {  	_ =	shalt  }
0x3e: {  	_ =	shalt  }
0x3f: {  	_ =	shalt  }
0x40: {  	_ =	shalt  }
0x41: {  	_ =	shalt  }
0x42: {  	_ =	shalt  }
0x43: {  	_ =	shalt  }
0x44: {  	_ =	shalt  }
0x45: {  	_ =	shalt  }
0x46: {  	_ =	shalt  }
0x47: {  	_ =	shalt  }
0x48: {  	_ =	shalt  }
0x49: {  	_ =	shalt  }
0x4a: {  	_ =	shalt  }
0x4b: {  	_ =	shalt  }
0x4c: {  	_ =	shalt  }
0x4d: {  	_ =	shalt  }
0x4e: {  	_ =	shalt  }
0x4f: {  	_ =	shalt  }
0x50: {  	_ =	shalt  }
0x51: {  	_ =	shalt  }
0x52: {  	_ =	shalt  }
0x53: {  	_ =	shalt  }
0x54: {  	_ =	shalt  }
0x55: {  	_ =	shalt  }
0x56: {  	_ =	shalt  }
0x57: {  	_ =	shalt  }
0x58: {  	_ =	shalt  }
0x59: {  	_ =	shalt  }
0x5a: {  	_ =	shalt  }
0x5b: {  	_ =	shalt  }
0x5c: {  	_ =	shalt  }
0x5d: {  	_ =	shalt  }
0x5e: {  	_ =	shalt  }
0x5f: {  	_ =	shalt  }
0x60: {  	_ =	shalt  }
0x61: {  	_ =	shalt  }
0x62: {  	_ =	shalt  }
0x63: {  	_ =	shalt  }
0x64: {  	_ =	shalt  }
0x65: {  	_ =	shalt  }
0x66: {  	_ =	shalt  }
0x67: {  	_ =	shalt  }
0x68: {  	_ =	shalt  }
0x69: {  	_ =	shalt  }
0x6a: {  	_ =	shalt  }
0x6b: {  	_ =	shalt  }
0x6c: {  	_ =	shalt  }
0x6d: {  	_ =	shalt  }
0x6e: {  	_ =	shalt  }
0x6f: {  	_ =	shalt  }
0x70: {  	_ =	shalt  }
0x71: {  	_ =	shalt  }
0x72: {  	_ =	shalt  }
0x73: {  	_ =	shalt  }
0x74: {  	_ =	shalt  }
0x75: {  	_ =	shalt  }
0x76: {  	_ =	shalt  }
0x77: {  	_ =	shalt  }
0x78: {  	_ =	shalt  }
0x79: {  	_ =	shalt  }
0x7a: {  	_ =	shalt  }
0x7b: {  	_ =	shalt  }
0x7c: {  	_ =	shalt  }
0x7d: {  	_ =	shalt  }
0x7e: {  	_ =	shalt  }
0x7f: {  	_ =	shalt  }
0x80: {  	_ =	shalt  }
0x81: {  	_ =	shalt  }
0x82: {  	_ =	shalt  }
0x83: {  	_ =	shalt  }
0x84: {  	_ =	shalt  }
0x85: {  	_ =	shalt  }
0x86: {  	_ =	shalt  }
0x87: {  	_ =	shalt  }
.Lfunc_end0:
.L_simem_size_0:
called_computation.3_lowered:
.L_overlay_start_0:
0x88: {  	s2 =	sld [smem:$0x3FD9]  }
0x89: {  	s3 =	sld [smem:$0x3FFE];
	_ =	sdelay $0x1  }
0x8a: {  	s1 =	srdreg.scid  }
0x8b: {  	s0 =	sand.u32 $0x1, s1  }
0x8c: {  	s14 =	sshll.u32 s0, $0xA;
	s2 =	sadd.s32 s3, s2  }
0x8d: {  	s2 =	sadd.s32 s2, s14  }
0x8e: {  	[smem:$0x3FBE] =	sst s2  }
0x8f: {  	_ = 	snop  }
0x90: {  	s2 =	sld [smem:$0x3FD0];
	_ =	sdelay $0x2  }
0x91: {  	s15 =	simm.s32 $0xB;
	s4 =	simm.s32 $0x10  }
0x92: {  	[smem:s4], [sflag:s15] =	dma.local [hbm:s2], $0x1  }
0x93: {  	_ =	swait.eq [sflag:s15], $0x1  }
0x94: {  	s16 =	sld [smem:$0x10];
	[sflag:s15] =	ssyncset.done $0x0  }
0x95: {  	s17 =	sld [smem:$0x11];
	[sflag:s15] =	ssyncadd.s32 $0xFFFFFFFF  }
0x96: {  	s18 =	sld [smem:$0x12];
	(tm) =	ssettm $0x1  }
0x97: {  	s5 =	sld [smem:$0x3FFB];
	_ =	sdelay $0x3  }
0x98: {  	_ =	strace s5  }
0x99: {  	s5 =	sld [smem:$0x3FFC];
	_ =	sdelay $0x3  }
0x9a: {  	_ =	strace s5  }
0x9b: {  	s5 =	sld [smem:$0x3FFD];
	_ =	sdelay $0x3  }
0x9c: {  	_ =	strace s5  }
0x9d: {  	_ =	strace $0x8FFFFFFF  }
0x9e: {  	s19 =	sld [smem:$0x3FDB];
	_ =	sdelay $0x1  }
0x9f: {  	s6 =	simm.s32 $_scs_section_size  }
0xa0: {  	s7 =	simm.s32 $_size__tile_overlayer_lowered;
	s8 =	simm.s32 $_tile_overlayer_lowered  }
0xa1: {  	s22 =	simm.s32 $0x1BFF;
	s21 =	sshll.u32 s8, $0x1;
	s5 =	sadd.s32 s6, s19  }
0xa2: {  	s9 =	simm.s32 $0x0;
	s20 =	sshll.u32 s7, $0x1;
	s7 =	sadd.s32 s21, s5  }
0xa3: {  	[timem:s9], [sflag:s22] =	dma.local [hbm:s7], s20  }
0xa4: {  	_ =	swait.ge [sflag:s22], s20  }
0xa5: {  	s6 =	ssub.s32 $0x0, s20;
	[sflag:s22] =	ssyncset.done $0x0  }
0xa6: {  	[sflag:s22] =	ssyncadd.s32 s6;
	_ =	sdelay $0x1  }
0xa7: {  	s23 =	simm.s32 $0x1B8B  }
0xa8: {  	_ =	swait.ge [sflag:s23], $0x1  }
0xa9: {  	[sflag:s23] =	ssyncset.done $0x0  }
0xaa: {  	s25 =	simm.s32 $0x1B8E;
	s24 =	sld [smem:$0x3FFE];
	[sflag:s23] =	ssyncadd.s32 $0xFFFFFFFF  }
0xab: {  	s26 =	simm.s32 $execute0_lowered;
	[smem:$0x3FD2] =	sst s25  }
0xac: {  	s7 =	sshll.u32 s26, $0x1;
	_ =	strace $0x8000004F;
	[dreg:$0x1] =	wrdreg $0xFFFFFFFF  }
0xad: {  	s28 =	simm.s32 $_size_execute0_lowered;
	s5 =	sadd.s32 s5, s7;
	[dreg:$0x0] =	wrdreg $0x0  }
0xae: {  	s7 =	sshll.u32 s28, $0x1;
	[dreg:$0x2] =	wrdreg s5  }
0xaf: {  	[dreg:$0x3] =	wrdreg s7  }
0xb0: {  	[dreg:$0x4] =	wrdreg $0xC0  }
0xb1: {  	_ =	task [dreg:s9], $0x5FFFF  }
0xb2: {  	[dreg:$0x1] =	wrdreg $0xFFFFFFFF  }
0xb3: {  	[dreg:$0x0] =	wrdreg $0x60  }
0xb4: {  	[dreg:$0x2] =	wrdreg s18  }
0xb5: {  	[dreg:$0x3] =	wrdreg s24  }
0xb6: {  	[dreg:$0x4] =	wrdreg s16  }
0xb7: {  	[dreg:$0x5] =	wrdreg s17  }
0xb8: {  	[dreg:$0x6] =	wrdreg $0x70000  }
0xb9: {  	[dreg:$0x7] =	wrdreg $0x10E000  }
0xba: {  	[dreg:$0x8] =	wrdreg $0x9  }
0xbb: {  	_ =	task.clear_ibuf [dreg:s9], $0x9FFFF;
	_ =	strace $0x9000004F  }
0xbc: {  	s29 =	simm.s32 $0x9;
	_ =	strace $0x80000051  }
0xbd: {  	_ =	swait.ge [sflag:s29], $0x1  }
0xbe: {  	[sflag:s29] =	ssyncadd.s32 $0xFFFFFFFF  }
0xbf: {  	_ =	strace $0x90000051  }
0xc0: {  	_ =	sfence  }
0xc1: {  	s30 =	sld [smem:$0x0];
	_ =	sdelay $0x2  }
0xc2: {  	s31 =	sshll.u32 s1, $0xD;
	s1 =	sshrl.u32 s1, $0x2  }
0xc3: {  	s3 =	sand.u32 $0x4000, s31;
	s1 =	sadd.s32 s1, s30  }
0xc4: {  	s0 =	sor.u32 s3, s0;
	s1 =	sshll.u32 s1, $0x11  }
0xc5: {  	s0 =	sor.u32 s1, s0  }
0xc6: {  	s0 =	sadd.s32 $0x8F2B, s0  }
0xc7: {  	[sflag:s0] =	ssyncadd.remote.s32 $0x1  }
0xc8: {  	_ =	sfence.sel $0xFFFF  }
0xc9: {  	[dreg:$0x0] =	wrdreg $0xFFFFFFFF;
	(pc) =	sbr.abs _section_cstart, $3  }
0xca: {  	[dreg:$0x1] =	wrdreg $0xFFFFFFFF  }
0xcb: {  	_ =	task.clear_ibuf [dreg:s9], $0x2FFFF;
	_ =	strace $0x9FFFFFFF  }
0xcc: {  	(tm) =	ssettm $0x7FFFFFFF  }
0xcd: {  	_ =	shalt  }
tec
execute0_lowered:
.L_overlay_start_1:
0x0: {  	(tag) =	ssettag $0x1  }
0x1: {  	s0 =	rddreg [dreg:$0x0]  }
0x2: {  	s6 =	rddreg [dreg:$0x1]  }
0x3: {  	s8 =	rddreg [dreg:$0x2]  }
0x4: {  	s10 =	rddreg [dreg:$0x3]  }
0x5: {  	s1 =	srdreg.scid;
	s3 =	rddreg [dreg:$0x4]  }
0x6: {  	s24 =	stileid.u32;
	s4 =	rddreg [dreg:$0x5];
	s5 =	simm.s32 $0x0  }
0x7: {  	s18 =	simm.s32 $0x3000;
	s19 =	simm.s32 $0x5000;
	s20 =	simm.s32 $0x1  }
0x8: {  	s21 =	simm.s32 $0x2;
	s23 =	simm.s32 $0x2F00;
	s28 =	simm.s32 $0x2780  }
0x9: {  	s29 =	simm.s32 $0x0;
	s17 =	sand.u32 $0x1, s1;
	s11 =	smul.u32 $0x9E00, s24  }
0xa: {  	[smem:$0x7FF] =	sst s5;
	s13 =	smul.u32 $0xFA00, s24;
	p1 =	slt.u32 s24, $0xA  }
0xb: {  	s31 =	sshll.u32 s24, $0x6;
	s2 =	sshll.u32 s17, $0x4;
	s9 =	ssub.s32 $0x2, s17  }
0xc: {  	_ =	strace $0x80000050;
	p0 =	seq.s32 s17, $0x1;
	s14 =	smul.u32 $0x9E000, s17  }
0xd: {  	p2 =	sne.s32 s17, $0x0;
	s17 =	simm.s32 $0x80;
	s7 =	sor.u32 s24, s2  }
0xe: {  	s25 =	sshrl.u32 s9, $0x1;
	s26 =	sshrl.u32 s11, $0x3;
	s15 =	sadd.s32 s11, s3  }
0xf: {  	p1 =	por !p1, !p0;
	s30 =	sshrl.u32 s13, $0x3;
	s16 =	sadd.s32 s13, s4  }
0x10: {  	s13 =	simm.s32 $0x1800;
	s24 =	simm.s32 $0x2F80;
	s7 =	smul.u32 $0x300, s7  }
0x11: {  	s12 =	ssub.s32 s9, s25;
	s8 =	sadd.s32 s8, s26;
	p1 =	por !p1, !p1  }
.Ltmp0:
0x12: {  	s11 =	sadd.s32 s11, s14;
	s9 =	sadd.s32 s0, s30;
	(pc) =	sbr.rel .LBB2_1-.Ltmp0, $4  }
0x13: {  	s14 =	sor.u32 $0x1C03, s31;
	s15 =	sshrl.u32 s15, $0x3;
	s25 =	simm.s32 $0xF80  }
0x14: {  	s26 =	simm.s32 $0x2700;
	s11 =	sshrl.u32 s11, $0x3;
	s16 =	sshrl.u32 @p1 s16, $0x3  }
0x15: {  	s7 =	sadd.s32 s7, s6;
	s10 =	sadd.s32 s10, s11;
	s11 =	smax.u32 s12, $0x1  }
0x16: {  	s12 =	simm.s32 $0x3;
	s6 =	sadd.s32 $0x9200, s7;
	s7 =	sadd.s32 $0x3200, s7  }
.LBB2_8:
0x17: {  	s1 =	sadd.s32 $0x80, s30;
	[sflag:s12] =	ssyncadd.s32 $0xFFFFE000  }
0x18: {  	[tilespmem:s19], [sflag:$0x2] =	stream.indirect.gather [spmem:s4], $0x40, s1, s17, $0xb8;
	[tilespmem:$0x1AA40] =	vst v63  }
0x19: {  	_ =	swait.ge [sflag:s20], $0x2000  }
0x1a: {  	[sflag:s20] =	ssyncset.done $0x0  }
0x1b: {  	s2 =	sadd.s32 $0x1800, s30;
	[sflag:s20] =	ssyncadd.s32 $0xFFFFE000  }
0x1c: {  	[spmem:s3] =	stream.indirect.scatter.add.f32 [tilespmem:s18], [sflag:$0x3], $0x40, s2, s17, $0xb8;
	[tilespmem:$0x1AA40] =	vst v63  }
0x1d: {  	_ =	swait.ge [sflag:s12], $0x2000  }
0x1e: {  	[sflag:s12] =	ssyncset.done $0x0  }
0x1f: {  	s22 =	sadd.s32 $0x100, s30;
	[sflag:s12] =	ssyncadd.s32 $0xFFFFE000  }
0x20: {  	[tilespmem:s18], [sflag:$0x1] =	stream.indirect.gather [spmem:s4], $0x40, s22, s17, $0xb8;
	[tilespmem:$0x1AA40] =	vst v63  }
0x21: {  	_ =	swait.ge [sflag:s21], $0x2000  }
0x22: {  	[sflag:s21] =	ssyncset.done $0x0  }
0x23: {  	s31 =	sadd.s32 $0x1880, s30;
	[sflag:s21] =	ssyncadd.s32 $0xFFFFE000  }
0x24: {  	[spmem:s3] =	stream.indirect.scatter.add.f32 [tilespmem:s19], [sflag:$0x3], $0x40, s31, s17, $0xb8;
	[tilespmem:$0x1AA40] =	vst v63  }
0x25: {  	_ =	swait.ge [sflag:s12], $0x2000  }
0x26: {  	[sflag:s12] =	ssyncset.done $0x0  }
0x27: {  	[sflag:s12] =	ssyncadd.s32 $0xFFFFE000  }
0x28: {  	[tilespmem:s19], [sflag:$0x2] =	stream.indirect.gather [spmem:s4], $0x40, s25, s17, $0xb8;
	[tilespmem:$0x1AA40] =	vst v63  }
0x29: {  	_ =	swait.ge [sflag:s20], $0x2000  }
0x2a: {  	[sflag:s20] =	ssyncset.done $0x0  }
0x2b: {  	[sflag:s20] =	ssyncadd.s32 $0xFFFFE000  }
0x2c: {  	[spmem:s3] =	stream.indirect.scatter.add.f32 [tilespmem:s18], [sflag:$0x3], $0x40, s26, s17, $0xb8;
	[tilespmem:$0x1AA40] =	vst v63  }
0x2d: {  	_ =	swait.ge [sflag:s12], $0x2000  }
0x2e: {  	[sflag:s12] =	ssyncset.done $0x0  }
0x2f: {  	[sflag:s12] =	ssyncadd.s32 $0xFFFFE000  }
0x30: {  	_ =	swait.ge [sflag:s21], $0x2000  }
0x31: {  	[sflag:s21] =	ssyncset.done $0x0  }
0x32: {  	[sflag:s21] =	ssyncadd.s32 $0xFFFFE000  }
0x33: {  	[spmem:s3] =	stream.indirect.scatter.add.f32 [tilespmem:s19], [sflag:$0x3], $0x40, s28, s17, $0xb8;
	[tilespmem:$0x1AA40] =	vst v63  }
0x34: {  	_ =	swait.ge [sflag:s12], $0x2000  }
0x35: {  	[sflag:s12] =	ssyncset.done $0x0  }
0x36: {  	[sflag:s12] =	ssyncadd.s32 $0xFFFFE000  }
.LBB2_9:
0x37: {  	s29 =	sadd.s32 $0x1, s29  }
0x38: {  	p3 =	sne.s32 s29, s11  }
.Ltmp1:
0x39: {  	[bflag:$0x0] =	sbarrier.arrive $0xFFFF;
	(pc) =	sbr.rel @!p3 .LBB2_10-.Ltmp1, $4  }
0x3a: {  	[hbm:s10], [sflag:s14] =	dma.local [spmem:s15], $0x13C0  }
0x3b: {  	_ =	swait.ge [sflag:s12], $0x13C0  }
0x3c: {  	[sflag:s12] =	ssyncset.done $0x0  }
0x3d: {  	[sflag:s12] =	ssyncadd.s32 $0xFFFFEC40  }
.LBB2_1:
0x3e: {  	[tilespmem:s5], [sflag:$0x3] =	stream.linear.gather [hbm4b:s6+s5], $0x1800, $0x38;
	[tilespmem:$0x1AA40] =	vst v63  }
0x3f: {  	_ =	swait.ge [sflag:s12], $0x1800  }
0x40: {  	[sflag:s12] =	ssyncset.done $0x0  }
0x41: {  	[sflag:s12] =	ssyncadd.s32 $0xFFFFE800  }
0x42: {  	[tilespmem:s13], [sflag:$0x3] =	stream.linear.gather [hbm4b:s7+s5], $0x1800, $0x38;
	[tilespmem:$0x1AA40] =	vst v63  }
0x43: {  	_ =	swait.ge [sflag:s12], $0x1800  }
0x44: {  	[sflag:s12] =	ssyncset.done $0x0  }
0x45: {  	[sflag:s12] =	ssyncadd.s32 $0xFFFFE800  }
0x46: {  	[spmem:s15], [sflag:s14] =	dma.local [hbm:s8], $0x13C0  }
0x47: {  	_ =	swait.ge [sflag:s12], $0x13C0  }
0x48: {  	[sflag:s12] =	ssyncset.done $0x0  }
0x49: {  	s30 =	simm.s32 @p1 $0x3;
	[sflag:s12] =	ssyncadd.s32 $0xFFFFEC40  }
0x4a: {  	[spmem:s16], [sflag:s14] =	dma.local @p1 [hbm:s9], $0x1F40  }
.Ltmp2:
0x4b: {  	_ =	swait.ge @p1 [sflag:s30], $0x1F40;
	(pc) =	sbr.rel @p2 .LBB2_5-.Ltmp2, $3  }
0x4c: {  	[sflag:s30] =	ssyncset.done @p1 $0x0  }
0x4d: {  	[sflag:s30] =	ssyncadd.s32 @p1 $0xFFFFE0C0  }
0x4e: {  	[bflag:$0x0] =	sbarrier.arrive $0xFFFF;
	_ =	sdelay $0x1  }
0x4f: {  	s30 =	simm.s32 $0x0  }
0x50: {  	[tilespmem:s18], [sflag:$0x1] =	stream.indirect.gather [hbm4b:s0+s17], $0x40, s30, s17, $0xb8;
	[tilespmem:$0x1AA40] =	vst v63  }
0x51: {  	s30 =	simm.s32 $0x80  }
0x52: {  	[tilespmem:s19], [sflag:$0x2] =	stream.indirect.gather [hbm4b:s0+s17], $0x40, s30, s17, $0xb8;
	[tilespmem:$0x1AA40] =	vst v63  }
0x53: {  	_ =	swait.ge [sflag:s20], $0x2000  }
0x54: {  	[sflag:s20] =	ssyncset.done $0x0  }
0x55: {  	s30 =	simm.s32 $0x1800;
	[sflag:s20] =	ssyncadd.s32 $0xFFFFE000  }
0x56: {  	[spmem:s3] =	stream.indirect.scatter.add.f32 [tilespmem:s18], [sflag:$0x3], $0x40, s30, s17, $0xb8;
	[tilespmem:$0x1AA40] =	vst v63  }
0x57: {  	_ =	swait.ge [sflag:s12], $0x2000  }
0x58: {  	[sflag:s12] =	ssyncset.done $0x0  }
0x59: {  	s30 =	simm.s32 $0x100;
	[sflag:s12] =	ssyncadd.s32 $0xFFFFE000  }
0x5a: {  	[tilespmem:s18], [sflag:$0x1] =	stream.indirect.gather [hbm4b:s0+s17], $0x40, s30, s17, $0xb8;
	[tilespmem:$0x1AA40] =	vst v63  }
0x5b: {  	_ =	swait.ge [sflag:s21], $0x2000  }
0x5c: {  	[sflag:s21] =	ssyncset.done $0x0  }
0x5d: {  	s30 =	simm.s32 $0x1880;
	[sflag:s21] =	ssyncadd.s32 $0xFFFFE000  }
0x5e: {  	[spmem:s3] =	stream.indirect.scatter.add.f32 [tilespmem:s19], [sflag:$0x3], $0x40, s30, s17, $0xb8;
	[tilespmem:$0x1AA40] =	vst v63  }
0x5f: {  	_ =	swait.ge [sflag:s12], $0x2000  }
0x60: {  	s31 =	simm.s32 $0x800;
	s30 =	simm.s32 $0x100;
	[sflag:s12] =	ssyncset.done $0x0  }
.LBB2_3:
0x61: {  	s2 =	sadd.s32 $0x80, s30  }
0x62: {  	[sflag:s12] =	ssyncadd.s32 $0xFFFFE000;
	s1 =	smov.u32 s31;
	s22 =	sadd.s32 $0x400, s31  }
0x63: {  	[tilespmem:s19], [sflag:$0x2] =	stream.indirect.gather [hbm4b:s0+s17], $0x40, s2, s17, $0xb8;
	[tilespmem:$0x1AA40] =	vst v63  }
0x64: {  	p3 =	sne.s32 s31, $0x5800;
	_ =	swait.ge [sflag:s20], $0x2000  }
0x65: {  	[sflag:s20] =	ssyncset.done $0x0  }
0x66: {  	s2 =	sadd.s32 $0x1800, s30;
	[sflag:s20] =	ssyncadd.s32 $0xFFFFE000  }
0x67: {  	[spmem:s3] =	stream.indirect.scatter.add.f32 [tilespmem:s18], [sflag:$0x3], $0x40, s2, s17, $0xb8;
	[tilespmem:$0x1AA40] =	vst v63  }
0x68: {  	_ =	swait.ge [sflag:s12], $0x2000  }
0x69: {  	[sflag:s12] =	ssyncset.done $0x0  }
0x6a: {  	s2 =	sadd.s32 $0x100, s30;
	[sflag:s12] =	ssyncadd.s32 $0xFFFFE000  }
0x6b: {  	[tilespmem:s18], [sflag:$0x1] =	stream.indirect.gather [hbm4b:s0+s17], $0x40, s2, s17, $0xb8;
	[tilespmem:$0x1AA40] =	vst v63  }
0x6c: {  	_ =	swait.ge [sflag:s21], $0x2000  }
.Ltmp3:
0x6d: {  	[sflag:s21] =	ssyncset.done $0x0;
	(pc) =	sbr.rel @p3 .LBB2_3-.Ltmp3, $4  }
0x6e: {  	s2 =	sadd.s32 $0x1880, s30;
	[sflag:s21] =	ssyncadd.s32 $0xFFFFE000  }
0x6f: {  	[spmem:s3] =	stream.indirect.scatter.add.f32 [tilespmem:s19], [sflag:$0x3], $0x40, s2, s17, $0xb8;
	[tilespmem:$0x1AA40] =	vst v63  }
0x70: {  	_ =	swait.ge [sflag:s12], $0x2000  }
0x71: {  	s31 =	smov.u32 s22;
	s30 =	sshra.s32 s1, $0x2;
	[sflag:s12] =	ssyncset.done $0x0  }
0x72: {  	s1 =	sadd.s32 $0x80, s30;
	[sflag:s12] =	ssyncadd.s32 $0xFFFFE000  }
0x73: {  	[tilespmem:s19], [sflag:$0x2] =	stream.indirect.gather [hbm4b:s0+s17], $0x40, s1, s17, $0xb8;
	[tilespmem:$0x1AA40] =	vst v63  }
0x74: {  	_ =	swait.ge [sflag:s20], $0x2000  }
0x75: {  	[sflag:s20] =	ssyncset.done $0x0  }
0x76: {  	s2 =	sadd.s32 $0x1800, s30;
	[sflag:s20] =	ssyncadd.s32 $0xFFFFE000  }
0x77: {  	[spmem:s3] =	stream.indirect.scatter.add.f32 [tilespmem:s18], [sflag:$0x3], $0x40, s2, s17, $0xb8;
	[tilespmem:$0x1AA40] =	vst v63  }
0x78: {  	_ =	swait.ge [sflag:s12], $0x2000  }
0x79: {  	[sflag:s12] =	ssyncset.done $0x0  }
0x7a: {  	s22 =	sadd.s32 $0x100, s30;
	[sflag:s12] =	ssyncadd.s32 $0xFFFFE000  }
0x7b: {  	[tilespmem:s18], [sflag:$0x1] =	stream.indirect.gather [hbm4b:s0+s17], $0x40, s22, s17, $0xb8;
	[tilespmem:$0x1AA40] =	vst v63  }
0x7c: {  	_ =	swait.ge [sflag:s21], $0x2000  }
0x7d: {  	[sflag:s21] =	ssyncset.done $0x0  }
0x7e: {  	s30 =	sadd.s32 $0x1880, s30;
	[sflag:s21] =	ssyncadd.s32 $0xFFFFE000  }
0x7f: {  	[spmem:s3] =	stream.indirect.scatter.add.f32 [tilespmem:s19], [sflag:$0x3], $0x40, s30, s17, $0xb8;
	[tilespmem:$0x1AA40] =	vst v63  }
0x80: {  	_ =	swait.ge [sflag:s12], $0x2000  }
0x81: {  	[sflag:s12] =	ssyncset.done $0x0  }
0x82: {  	s31 =	simm.s32 $0x1780;
	[sflag:s12] =	ssyncadd.s32 $0xFFFFE000  }
0x83: {  	[tilespmem:s19], [sflag:$0x2] =	stream.indirect.gather [hbm4b:s0+s17], $0x40, s31, s17, $0xb8;
	[tilespmem:$0x1AA40] =	vst v63  }
0x84: {  	_ =	swait.ge [sflag:s20], $0x2000  }
0x85: {  	[sflag:s20] =	ssyncset.done $0x0  }
0x86: {  	[sflag:s20] =	ssyncadd.s32 $0xFFFFE000  }
0x87: {  	[spmem:s3] =	stream.indirect.scatter.add.f32 [tilespmem:s18], [sflag:$0x3], $0x40, s23, s17, $0xb8;
	[tilespmem:$0x1AA40] =	vst v63  }
0x88: {  	_ =	swait.ge [sflag:s12], $0x2000  }
0x89: {  	[sflag:s12] =	ssyncset.done $0x0  }
0x8a: {  	[sflag:s12] =	ssyncadd.s32 $0xFFFFE000  }
0x8b: {  	_ =	swait.ge [sflag:s21], $0x2000  }
0x8c: {  	[sflag:s21] =	ssyncset.done $0x0  }
0x8d: {  	[sflag:s21] =	ssyncadd.s32 $0xFFFFE000  }
0x8e: {  	[spmem:s3] =	stream.indirect.scatter.add.f32 [tilespmem:s19], [sflag:$0x3], $0x40, s24, s17, $0xb8;
	[tilespmem:$0x1AA40] =	vst v63  }
0x8f: {  	_ =	swait.ge [sflag:s12], $0x2000  }
0x90: {  	[sflag:s12] =	ssyncset.done $0x0  }
0x91: {  	[sflag:s12] =	ssyncadd.s32 $0xFFFFE000  }
.LBB2_5:
.Ltmp4:
0x92: {  	(pc) =	sbr.rel @!p0 .LBB2_9-.Ltmp4, $1  }
0x93: {  	_ =	sdelay $0x3  }
0x94: {  	s1 =	simm.s32 $0x0  }
0x95: {  	[tilespmem:s18], [sflag:$0x1] =	stream.indirect.gather [spmem:s4], $0x40, s1, s17, $0xb8;
	[tilespmem:$0x1AA40] =	vst v63  }
0x96: {  	s2 =	simm.s32 $0x80  }
0x97: {  	[tilespmem:s19], [sflag:$0x2] =	stream.indirect.gather [spmem:s4], $0x40, s2, s17, $0xb8;
	[tilespmem:$0x1AA40] =	vst v63  }
0x98: {  	_ =	swait.ge [sflag:s20], $0x2000  }
0x99: {  	[sflag:s20] =	ssyncset.done $0x0  }
0x9a: {  	s22 =	simm.s32 $0x1800;
	[sflag:s20] =	ssyncadd.s32 $0xFFFFE000  }
0x9b: {  	[spmem:s3] =	stream.indirect.scatter.add.f32 [tilespmem:s18], [sflag:$0x3], $0x40, s22, s17, $0xb8;
	[tilespmem:$0x1AA40] =	vst v63  }
0x9c: {  	_ =	swait.ge [sflag:s12], $0x2000  }
0x9d: {  	[sflag:s12] =	ssyncset.done $0x0  }
0x9e: {  	s2 =	simm.s32 $0x100;
	[sflag:s12] =	ssyncadd.s32 $0xFFFFE000  }
0x9f: {  	[tilespmem:s18], [sflag:$0x1] =	stream.indirect.gather [spmem:s4], $0x40, s2, s17, $0xb8;
	[tilespmem:$0x1AA40] =	vst v63  }
0xa0: {  	_ =	swait.ge [sflag:s21], $0x2000  }
0xa1: {  	[sflag:s21] =	ssyncset.done $0x0  }
0xa2: {  	s22 =	simm.s32 $0x1880;
	[sflag:s21] =	ssyncadd.s32 $0xFFFFE000  }
0xa3: {  	[spmem:s3] =	stream.indirect.scatter.add.f32 [tilespmem:s19], [sflag:$0x3], $0x40, s22, s17, $0xb8;
	[tilespmem:$0x1AA40] =	vst v63  }
0xa4: {  	_ =	swait.ge [sflag:s12], $0x2000  }
0xa5: {  	s31 =	simm.s32 $0x800;
	s30 =	simm.s32 $0x100;
	[sflag:s12] =	ssyncset.done $0x0  }
.LBB2_7:
0xa6: {  	s1 =	sadd.s32 $0x80, s30  }
0xa7: {  	[sflag:s12] =	ssyncadd.s32 $0xFFFFE000;
	s2 =	smov.u32 s31;
	s22 =	sadd.s32 $0x400, s31  }
0xa8: {  	[tilespmem:s19], [sflag:$0x2] =	stream.indirect.gather [spmem:s4], $0x40, s1, s17, $0xb8;
	[tilespmem:$0x1AA40] =	vst v63  }
0xa9: {  	p3 =	sne.s32 s31, $0x3800;
	_ =	swait.ge [sflag:s20], $0x2000  }
0xaa: {  	[sflag:s20] =	ssyncset.done $0x0  }
0xab: {  	s1 =	sadd.s32 $0x1800, s30;
	[sflag:s20] =	ssyncadd.s32 $0xFFFFE000  }
0xac: {  	[spmem:s3] =	stream.indirect.scatter.add.f32 [tilespmem:s18], [sflag:$0x3], $0x40, s1, s17, $0xb8;
	[tilespmem:$0x1AA40] =	vst v63  }
0xad: {  	_ =	swait.ge [sflag:s12], $0x2000  }
0xae: {  	[sflag:s12] =	ssyncset.done $0x0  }
0xaf: {  	s1 =	sadd.s32 $0x100, s30;
	[sflag:s12] =	ssyncadd.s32 $0xFFFFE000  }
0xb0: {  	[tilespmem:s18], [sflag:$0x1] =	stream.indirect.gather [spmem:s4], $0x40, s1, s17, $0xb8;
	[tilespmem:$0x1AA40] =	vst v63  }
0xb1: {  	_ =	swait.ge [sflag:s21], $0x2000  }
.Ltmp5:
0xb2: {  	[sflag:s21] =	ssyncset.done $0x0;
	(pc) =	sbr.rel @p3 .LBB2_7-.Ltmp5, $4  }
0xb3: {  	s1 =	sadd.s32 $0x1880, s30;
	[sflag:s21] =	ssyncadd.s32 $0xFFFFE000  }
0xb4: {  	[spmem:s3] =	stream.indirect.scatter.add.f32 [tilespmem:s19], [sflag:$0x3], $0x40, s1, s17, $0xb8;
	[tilespmem:$0x1AA40] =	vst v63  }
0xb5: {  	_ =	swait.ge [sflag:s12], $0x2000  }
0xb6: {  	s31 =	smov.u32 s22;
	s30 =	sshra.s32 s2, $0x2;
	[sflag:s12] =	ssyncset.done $0x0  }
.Ltmp6:
0xb7: {  	_ = 	snop;
	(pc) =	sbr.rel .LBB2_8-.Ltmp6, $1  }
0xb8: {  	_ =	sdelay $0x3  }
.LBB2_10:
0xb9: {  	_ =	sfence.sel $0x180000  }
0xba: {  	[bflag:$0x0] =	sbarrier.arrive $0xFFFF  }
0xbb: {  	_ =	strace $0x90000050  }
0xbc: {  	s0 =	stileid.u32;
	[bflag:$0x2] =	sbarrier.arrive $0xFFFF  }
0xbd: {  	p0 =	sne.s32 s0, $0x0;
	s0 =	rddreg [dreg:$0x6]  }
0xbe: {  	s0 =	sadd.s32 @!p0 $0x100000, s0  }
0xbf: {  	[sflag:s0] =	ssyncadd.tile.s32 @!p0 $0x1;
	_ =	shalt  }
.Lfunc_end2:
_tile_overlayer_lowered:
.L_overlay_start_2:
0xc0: {  	(tag) =	ssettag $0x2  }
0xc1: {  	s0 =	rddreg [dreg:$0x0];
	s2 =	stileid.u32  }
0xc2: {  	s1 =	rddreg [dreg:$0x1];
	p0 =	sne.s32 s2, $0x0  }
0xc3: {  	s3 =	rddreg [dreg:$0x2];
	[bflag:$0x3] =	sbarrier.arrive $0xFFFF;
	s2 =	simm.s32 @!p0 $0x1C03  }
0xc4: {  	[timem:s3], [sflag:s2] =	dma.local @!p0 [hbm:s0], s1  }
0xc5: {  	s0 =	simm.s32 @!p0 $0x3  }
0xc6: {  	_ =	swait.ge @!p0 [sflag:s0], s1  }
0xc7: {  	s1 =	ssub.s32 @!p0 $0x0, s1;
	[sflag:s0] =	ssyncset.done @!p0 $0x0  }
0xc8: {  	[sflag:s0] =	ssyncadd.s32 @!p0 s1  }
0xc9: {  	[bflag:$0x3] =	sbarrier.arrive $0xFFFF  }
0xca: {  	_ =	shalt  }

</sc_bundles>
